<compile_context>
chip_gen: v7x
topology: tpu7x:2x2x1
jax: 0.10.2.dev20260603
libtpu: 0.0.44.dev20260713+nightly
codegen_flags: <defaults>
</compile_context>

<pallas_src>
import jax
import jax.numpy as jnp
from jax import lax
from jax.experimental import pallas as pl
from jax.experimental.pallas import tpu as pltpu
from jax.experimental.pallas import tpu_sc as plsc

D = 64
SCALE = 8.0
NC = 2
NS = 16
NW = NC * NS
B_TOT = 4096 * 200
B_PER_W = B_TOT // NW
CHUNK = 512
NBUF = 2
NCHUNK = B_PER_W // CHUNK
GSPLIT = CHUNK // 128
LANES = 16


def _emb_body(table_hbm, idx_hbm, out_hbm,
              idx0, idx1, rows0, rows1, gsem0, gsem1, ssem0, ssem1):
    idx_v = (idx0, idx1)
    rows_v = (rows0, rows1)
    gsems = (gsem0, gsem1)
    ssems = (ssem0, ssem1)

    wid = lax.axis_index("s") * NC + lax.axis_index("c")
    base = wid * B_PER_W

    def gather_descs(b):
        return [
            pltpu.make_async_copy(
                table_hbm.at[idx_v[b].at[pl.ds(j * 128, 128)]],
                rows_v[b].at[pl.ds(j * 128, 128), :],
                gsems[b],
            )
            for j in range(GSPLIT)
        ]

    def fetch(g, b):
        off = base + g * CHUNK
        pltpu.sync_copy(idx_hbm.at[pl.ds(off, CHUNK)], idx_v[b])
        for d_ in gather_descs(b):
            d_.start()

    def drain_gather(b):
        for d_ in gather_descs(b):
            d_.wait()

    def store_desc(g, b):
        off = base + g * CHUNK
        return pltpu.make_async_copy(
            rows_v[b], out_hbm.at[pl.ds(off, CHUNK), :], ssems[b])

    def scale(b):
        r = rows_v[b]

        @pl.loop(0, CHUNK, unroll=8)
        def _(i):
            for j in range(D // LANES):
                sl = (i, pl.ds(j * LANES, LANES))
                r[sl] = r[sl] * SCALE

    for b in range(NBUF):
        fetch(b, b)

    @pl.loop(0, NCHUNK - NBUF, step=NBUF)
    def _(g0):
        for b in range(NBUF):
            drain_gather(b)
            scale(b)
            store_desc(g0 + b, b).start()
        for b in range(NBUF):
            store_desc(g0 + b, b).wait()
            fetch(g0 + b + NBUF, b)

    for b in range(NBUF):
        g = NCHUNK - NBUF + b
        drain_gather(b)
        scale(b)
        store_desc(g, b).start()
    for b in range(NBUF):
        store_desc(NCHUNK - NBUF + b, b).wait()


@jax.jit
def _emb_lookup(table, idx):
    mesh = plsc.VectorSubcoreMesh(core_axis_name="c", subcore_axis_name="s")
    f = pl.kernel(
        _emb_body,
        out_type=jax.ShapeDtypeStruct((B_TOT, D), jnp.float32),
        mesh=mesh,
        scratch_types=[
            pltpu.VMEM((CHUNK,), jnp.int32),
            pltpu.VMEM((CHUNK,), jnp.int32),
            pltpu.VMEM((CHUNK, D), jnp.float32),
            pltpu.VMEM((CHUNK, D), jnp.float32),
            pltpu.SemaphoreType.DMA,
            pltpu.SemaphoreType.DMA,
            pltpu.SemaphoreType.DMA,
            pltpu.SemaphoreType.DMA,
        ],
        compiler_params=pltpu.CompilerParams(use_tc_tiling_on_sc=False),
    )
    return f(table, idx)


def kernel(x, table):
    idx = x.reshape(-1)
    out = _emb_lookup(table, idx)
    return out.reshape(x.shape + (D,))

# --- scband reference (transcript-rebuilt; emitter-appended) ---
"""Pipeline reference for scband-embeddings-16612933501354 (READ-ONLY COPY).

The authoritative reference and input builder live on the scoring server;
editing this copy changes nothing except your own understanding.
"""

import math
import jax, jax.numpy as jnp
import numpy as np

VOCAB = 1000000
D_MODEL = 64
B = 4096
L = 200

def setup_inputs(seed: int = 0) -> dict:
    key = jax.random.key(seed)
    k_idx, k_tab = jax.random.split(key)
    x = jax.random.randint(k_idx, (B, L), 0, VOCAB, dtype=jnp.int64 if jax.config.jax_enable_x64 else jnp.int32).astype(jnp.int32)
    table = jax.random.normal(k_tab, (VOCAB, D_MODEL), dtype=jnp.float32)
    return {"x": x, "table": table}

def reference(x, table):
    # Embeddings.forward: self.embedding(x) * sqrt(model_dimensions)
    emb = jnp.take(table, x, axis=0)
    return emb * math.sqrt(D_MODEL)

if __name__ == "__main__":
    import jax
    _d = setup_inputs()
    print(jax.jit(kernel)(*tuple(_d.values())))

</pallas_src>

<mosaic_0001>
#map = affine_map<(d0, d1) -> (0, 0)>
#map1 = affine_map<(d0, d1) -> (0)>
module attributes {stable_mosaic.version = 14 : i64} {
  func.func @_emb_body(%arg0: i32, %arg1: i32, %arg2: memref<1000000x64xf32, #tpu.memory_space<hbm>>, %arg3: memref<819200xi32, #tpu.memory_space<hbm>>, %arg4: memref<819200x64xf32, #tpu.memory_space<hbm>>, %arg5: memref<512xi32, #tpu.memory_space<vmem>>, %arg6: memref<512xi32, #tpu.memory_space<vmem>>, %arg7: memref<512x64xf32, #tpu.memory_space<vmem>>, %arg8: memref<512x64xf32, #tpu.memory_space<vmem>>, %arg9: memref<!tpu.dma_semaphore, #tpu.memory_space<semaphore_mem>>, %arg10: memref<!tpu.dma_semaphore, #tpu.memory_space<semaphore_mem>>, %arg11: memref<!tpu.dma_semaphore, #tpu.memory_space<semaphore_mem>>, %arg12: memref<!tpu.dma_semaphore, #tpu.memory_space<semaphore_mem>>) attributes {dimension_semantics = [#tpu.dimension_semantics<core_parallel>, #tpu.dimension_semantics<subcore_parallel>], iteration_bounds = array<i64: 2, 16>, scalar_prefetch = 0 : i64, scratch_operands = 8 : i64, tpu.core_type = #tpu.core_type<sc_vector_subcore>, window_params = [{transform_indices = #map}, {transform_indices = #map1}, {transform_indices = #map}]} {
    %mul3A = arith.constant 2 : i32
    %mul3A_0 = arith.muli %arg1, %mul3A : i32
    %add3A = arith.addi %mul3A_0, %arg0 : i32
    %mul3A_1 = arith.constant 25600 : i32
    %mul3A_2 = arith.muli %add3A, %mul3A_1 : i32
    %add3A_3 = arith.constant 0 : i32
    %add3A_4 = arith.addi %mul3A_2, %add3A_3 : i32
    "tpu.region"() ({
      %run_scoped3A = tpu.sem_alloc : memref<!tpu.dma_semaphore, #tpu.memory_space<semaphore_mem>>
      %dma_start3A_171 = tpu.memref_slice %arg3[%add3A_4] : memref<819200xi32, #tpu.memory_space<hbm>> -> memref<512xi32, #tpu.memory_space<hbm>>
      %dma_start3A_172 = tpu.memref_slice %arg3[%add3A_4] : memref<819200xi32, #tpu.memory_space<hbm>> -> memref<512xi32, #tpu.memory_space<hbm>>
      tpu.enqueue_dma source(%dma_start3A_172 : memref<512xi32, #tpu.memory_space<hbm>>) target(%arg5 : memref<512xi32, #tpu.memory_space<vmem>>) target_semaphore(%run_scoped3A : memref<!tpu.dma_semaphore, #tpu.memory_space<semaphore_mem>>)
      %dma_wait3A_173 = tpu.memref_slice %arg3[%add3A_4] : memref<819200xi32, #tpu.memory_space<hbm>> -> memref<512xi32, #tpu.memory_space<hbm>>
      %dma_wait3A_174 = tpu.memref_slice %arg3[%add3A_4] : memref<819200xi32, #tpu.memory_space<hbm>> -> memref<512xi32, #tpu.memory_space<hbm>>
      tpu.wait_dma2 semaphore(%run_scoped3A : memref<!tpu.dma_semaphore, #tpu.memory_space<semaphore_mem>>) src(%dma_wait3A_174 : memref<512xi32, #tpu.memory_space<hbm>>) dst(%arg5 : memref<512xi32, #tpu.memory_space<vmem>>)
      tpu.yield
    }) : () -> ()
    %dma_start3A = arith.constant 0 : i32
    %dma_start3A_5 = arith.constant 0 : i32
    %dma_start3A_6 = tpu.memref_slice %arg7[%dma_start3A, %dma_start3A_5] : memref<512x64xf32, #tpu.memory_space<vmem>> -> memref<128x64xf32, #tpu.memory_space<vmem>>
    %dma_start3A_7 = arith.constant 0 : i32
    %dma_start3A_8 = tpu.memref_slice %arg5[%dma_start3A_7] : memref<512xi32, #tpu.memory_space<vmem>> -> memref<128xi32, #tpu.memory_space<vmem>>
    %dma_start3A_9 = arith.constant 0 : i32
    %dma_start3A_10 = arith.constant 0 : i32
    %dma_start3A_11 = tpu.memref_slice %arg2[%dma_start3A_9, %dma_start3A_10] : memref<1000000x64xf32, #tpu.memory_space<hbm>> -> memref<1000000x64xf32, #tpu.memory_space<hbm>>
    tpu.enqueue_indirect_dma source(%dma_start3A_11 : memref<1000000x64xf32, #tpu.memory_space<hbm>>) target(%dma_start3A_6 : memref<128x64xf32, #tpu.memory_space<vmem>>) offsets(%dma_start3A_8 : memref<128xi32, #tpu.memory_space<vmem>>) semaphore(%arg9 : memref<!tpu.dma_semaphore, #tpu.memory_space<semaphore_mem>>)
    %dma_start3A_12 = arith.constant 128 : i32
    %dma_start3A_13 = arith.constant 0 : i32
    %dma_start3A_14 = tpu.memref_slice %arg7[%dma_start3A_12, %dma_start3A_13] : memref<512x64xf32, #tpu.memory_space<vmem>> -> memref<128x64xf32, #tpu.memory_space<vmem>>
    %dma_start3A_15 = arith.constant 128 : i32
    %dma_start3A_16 = tpu.memref_slice %arg5[%dma_start3A_15] : memref<512xi32, #tpu.memory_space<vmem>> -> memref<128xi32, #tpu.memory_space<vmem>>
    %dma_start3A_17 = arith.constant 0 : i32
    %dma_start3A_18 = arith.constant 0 : i32
    %dma_start3A_19 = tpu.memref_slice %arg2[%dma_start3A_17, %dma_start3A_18] : memref<1000000x64xf32, #tpu.memory_space<hbm>> -> memref<1000000x64xf32, #tpu.memory_space<hbm>>
    tpu.enqueue_indirect_dma source(%dma_start3A_19 : memref<1000000x64xf32, #tpu.memory_space<hbm>>) target(%dma_start3A_14 : memref<128x64xf32, #tpu.memory_space<vmem>>) offsets(%dma_start3A_16 : memref<128xi32, #tpu.memory_space<vmem>>) semaphore(%arg9 : memref<!tpu.dma_semaphore, #tpu.memory_space<semaphore_mem>>)
    %dma_start3A_20 = arith.constant 256 : i32
    %dma_start3A_21 = arith.constant 0 : i32
    %dma_start3A_22 = tpu.memref_slice %arg7[%dma_start3A_20, %dma_start3A_21] : memref<512x64xf32, #tpu.memory_space<vmem>> -> memref<128x64xf32, #tpu.memory_space<vmem>>
    %dma_start3A_23 = arith.constant 256 : i32
    %dma_start3A_24 = tpu.memref_slice %arg5[%dma_start3A_23] : memref<512xi32, #tpu.memory_space<vmem>> -> memref<128xi32, #tpu.memory_space<vmem>>
    %dma_start3A_25 = arith.constant 0 : i32
    %dma_start3A_26 = arith.constant 0 : i32
    %dma_start3A_27 = tpu.memref_slice %arg2[%dma_start3A_25, %dma_start3A_26] : memref<1000000x64xf32, #tpu.memory_space<hbm>> -> memref<1000000x64xf32, #tpu.memory_space<hbm>>
    tpu.enqueue_indirect_dma source(%dma_start3A_27 : memref<1000000x64xf32, #tpu.memory_space<hbm>>) target(%dma_start3A_22 : memref<128x64xf32, #tpu.memory_space<vmem>>) offsets(%dma_start3A_24 : memref<128xi32, #tpu.memory_space<vmem>>) semaphore(%arg9 : memref<!tpu.dma_semaphore, #tpu.memory_space<semaphore_mem>>)
    %dma_start3A_28 = arith.constant 384 : i32
    %dma_start3A_29 = arith.constant 0 : i32
    %dma_start3A_30 = tpu.memref_slice %arg7[%dma_start3A_28, %dma_start3A_29] : memref<512x64xf32, #tpu.memory_space<vmem>> -> memref<128x64xf32, #tpu.memory_space<vmem>>
    %dma_start3A_31 = arith.constant 384 : i32
    %dma_start3A_32 = tpu.memref_slice %arg5[%dma_start3A_31] : memref<512xi32, #tpu.memory_space<vmem>> -> memref<128xi32, #tpu.memory_space<vmem>>
    %dma_start3A_33 = arith.constant 0 : i32
    %dma_start3A_34 = arith.constant 0 : i32
    %dma_start3A_35 = tpu.memref_slice %arg2[%dma_start3A_33, %dma_start3A_34] : memref<1000000x64xf32, #tpu.memory_space<hbm>> -> memref<1000000x64xf32, #tpu.memory_space<hbm>>
    tpu.enqueue_indirect_dma source(%dma_start3A_35 : memref<1000000x64xf32, #tpu.memory_space<hbm>>) target(%dma_start3A_30 : memref<128x64xf32, #tpu.memory_space<vmem>>) offsets(%dma_start3A_32 : memref<128xi32, #tpu.memory_space<vmem>>) semaphore(%arg9 : memref<!tpu.dma_semaphore, #tpu.memory_space<semaphore_mem>>)
    %add3A_36 = arith.constant 512 : i32
    %add3A_37 = arith.addi %mul3A_2, %add3A_36 : i32
    "tpu.region"() ({
      %run_scoped3A = tpu.sem_alloc : memref<!tpu.dma_semaphore, #tpu.memory_space<semaphore_mem>>
      %dma_start3A_171 = tpu.memref_slice %arg3[%add3A_37] : memref<819200xi32, #tpu.memory_space<hbm>> -> memref<512xi32, #tpu.memory_space<hbm>>
      %dma_start3A_172 = tpu.memref_slice %arg3[%add3A_37] : memref<819200xi32, #tpu.memory_space<hbm>> -> memref<512xi32, #tpu.memory_space<hbm>>
      tpu.enqueue_dma source(%dma_start3A_172 : memref<512xi32, #tpu.memory_space<hbm>>) target(%arg6 : memref<512xi32, #tpu.memory_space<vmem>>) target_semaphore(%run_scoped3A : memref<!tpu.dma_semaphore, #tpu.memory_space<semaphore_mem>>)
      %dma_wait3A_173 = tpu.memref_slice %arg3[%add3A_37] : memref<819200xi32, #tpu.memory_space<hbm>> -> memref<512xi32, #tpu.memory_space<hbm>>
      %dma_wait3A_174 = tpu.memref_slice %arg3[%add3A_37] : memref<819200xi32, #tpu.memory_space<hbm>> -> memref<512xi32, #tpu.memory_space<hbm>>
      tpu.wait_dma2 semaphore(%run_scoped3A : memref<!tpu.dma_semaphore, #tpu.memory_space<semaphore_mem>>) src(%dma_wait3A_174 : memref<512xi32, #tpu.memory_space<hbm>>) dst(%arg6 : memref<512xi32, #tpu.memory_space<vmem>>)
      tpu.yield
    }) : () -> ()
    %dma_start3A_38 = arith.constant 0 : i32
    %dma_start3A_39 = arith.constant 0 : i32
    %dma_start3A_40 = tpu.memref_slice %arg8[%dma_start3A_38, %dma_start3A_39] : memref<512x64xf32, #tpu.memory_space<vmem>> -> memref<128x64xf32, #tpu.memory_space<vmem>>
    %dma_start3A_41 = arith.constant 0 : i32
    %dma_start3A_42 = tpu.memref_slice %arg6[%dma_start3A_41] : memref<512xi32, #tpu.memory_space<vmem>> -> memref<128xi32, #tpu.memory_space<vmem>>
    %dma_start3A_43 = arith.constant 0 : i32
    %dma_start3A_44 = arith.constant 0 : i32
    %dma_start3A_45 = tpu.memref_slice %arg2[%dma_start3A_43, %dma_start3A_44] : memref<1000000x64xf32, #tpu.memory_space<hbm>> -> memref<1000000x64xf32, #tpu.memory_space<hbm>>
    tpu.enqueue_indirect_dma source(%dma_start3A_45 : memref<1000000x64xf32, #tpu.memory_space<hbm>>) target(%dma_start3A_40 : memref<128x64xf32, #tpu.memory_space<vmem>>) offsets(%dma_start3A_42 : memref<128xi32, #tpu.memory_space<vmem>>) semaphore(%arg10 : memref<!tpu.dma_semaphore, #tpu.memory_space<semaphore_mem>>)
    %dma_start3A_46 = arith.constant 128 : i32
    %dma_start3A_47 = arith.constant 0 : i32
    %dma_start3A_48 = tpu.memref_slice %arg8[%dma_start3A_46, %dma_start3A_47] : memref<512x64xf32, #tpu.memory_space<vmem>> -> memref<128x64xf32, #tpu.memory_space<vmem>>
    %dma_start3A_49 = arith.constant 128 : i32
    %dma_start3A_50 = tpu.memref_slice %arg6[%dma_start3A_49] : memref<512xi32, #tpu.memory_space<vmem>> -> memref<128xi32, #tpu.memory_space<vmem>>
    %dma_start3A_51 = arith.constant 0 : i32
    %dma_start3A_52 = arith.constant 0 : i32
    %dma_start3A_53 = tpu.memref_slice %arg2[%dma_start3A_51, %dma_start3A_52] : memref<1000000x64xf32, #tpu.memory_space<hbm>> -> memref<1000000x64xf32, #tpu.memory_space<hbm>>
    tpu.enqueue_indirect_dma source(%dma_start3A_53 : memref<1000000x64xf32, #tpu.memory_space<hbm>>) target(%dma_start3A_48 : memref<128x64xf32, #tpu.memory_space<vmem>>) offsets(%dma_start3A_50 : memref<128xi32, #tpu.memory_space<vmem>>) semaphore(%arg10 : memref<!tpu.dma_semaphore, #tpu.memory_space<semaphore_mem>>)
    %dma_start3A_54 = arith.constant 256 : i32
    %dma_start3A_55 = arith.constant 0 : i32
    %dma_start3A_56 = tpu.memref_slice %arg8[%dma_start3A_54, %dma_start3A_55] : memref<512x64xf32, #tpu.memory_space<vmem>> -> memref<128x64xf32, #tpu.memory_space<vmem>>
    %dma_start3A_57 = arith.constant 256 : i32
    %dma_start3A_58 = tpu.memref_slice %arg6[%dma_start3A_57] : memref<512xi32, #tpu.memory_space<vmem>> -> memref<128xi32, #tpu.memory_space<vmem>>
    %dma_start3A_59 = arith.constant 0 : i32
    %dma_start3A_60 = arith.constant 0 : i32
    %dma_start3A_61 = tpu.memref_slice %arg2[%dma_start3A_59, %dma_start3A_60] : memref<1000000x64xf32, #tpu.memory_space<hbm>> -> memref<1000000x64xf32, #tpu.memory_space<hbm>>
    tpu.enqueue_indirect_dma source(%dma_start3A_61 : memref<1000000x64xf32, #tpu.memory_space<hbm>>) target(%dma_start3A_56 : memref<128x64xf32, #tpu.memory_space<vmem>>) offsets(%dma_start3A_58 : memref<128xi32, #tpu.memory_space<vmem>>) semaphore(%arg10 : memref<!tpu.dma_semaphore, #tpu.memory_space<semaphore_mem>>)
    %dma_start3A_62 = arith.constant 384 : i32
    %dma_start3A_63 = arith.constant 0 : i32
    %dma_start3A_64 = tpu.memref_slice %arg8[%dma_start3A_62, %dma_start3A_63] : memref<512x64xf32, #tpu.memory_space<vmem>> -> memref<128x64xf32, #tpu.memory_space<vmem>>
    %dma_start3A_65 = arith.constant 384 : i32
    %dma_start3A_66 = tpu.memref_slice %arg6[%dma_start3A_65] : memref<512xi32, #tpu.memory_space<vmem>> -> memref<128xi32, #tpu.memory_space<vmem>>
    %dma_start3A_67 = arith.constant 0 : i32
    %dma_start3A_68 = arith.constant 0 : i32
    %dma_start3A_69 = tpu.memref_slice %arg2[%dma_start3A_67, %dma_start3A_68] : memref<1000000x64xf32, #tpu.memory_space<hbm>> -> memref<1000000x64xf32, #tpu.memory_space<hbm>>
    tpu.enqueue_indirect_dma source(%dma_start3A_69 : memref<1000000x64xf32, #tpu.memory_space<hbm>>) target(%dma_start3A_64 : memref<128x64xf32, #tpu.memory_space<vmem>>) offsets(%dma_start3A_66 : memref<128xi32, #tpu.memory_space<vmem>>) semaphore(%arg10 : memref<!tpu.dma_semaphore, #tpu.memory_space<semaphore_mem>>)
    %scan3A = arith.constant 0 : i32
    %scan3A_70 = arith.constant 24 : i32
    %scan3A_71 = arith.addi %scan3A, %scan3A_70 : i32
    %scan3A_72 = arith.constant 1 : i32
    scf.for %scan3A_171 = %scan3A to %scan3A_71 step %scan3A_72  : i32 {
      %mul3A_172 = arith.constant 2 : i32
      %mul3A_173 = arith.muli %scan3A_171, %mul3A_172 : i32
      %add3A_174 = arith.constant 0 : i32
      %add3A_175 = arith.addi %add3A_174, %mul3A_173 : i32
      %dma_wait3A_176 = arith.constant 0 : i32
      %dma_wait3A_177 = arith.constant 0 : i32
      %dma_wait3A_178 = tpu.memref_slice %arg7[%dma_wait3A_176, %dma_wait3A_177] : memref<512x64xf32, #tpu.memory_space<vmem>> -> memref<128x64xf32, #tpu.memory_space<vmem>>
      %dma_wait3A_179 = arith.constant 0 : i32
      %dma_wait3A_180 = tpu.memref_slice %arg5[%dma_wait3A_179] : memref<512xi32, #tpu.memory_space<vmem>> -> memref<128xi32, #tpu.memory_space<vmem>>
      %dma_wait3A_181 = arith.constant 0 : i32
      %dma_wait3A_182 = arith.constant 0 : i32
      %dma_wait3A_183 = tpu.memref_slice %arg2[%dma_wait3A_181, %dma_wait3A_182] : memref<1000000x64xf32, #tpu.memory_space<hbm>> -> memref<1000000x64xf32, #tpu.memory_space<hbm>>
      tpu.wait_indirect_dma semaphore(%arg9 : memref<!tpu.dma_semaphore, #tpu.memory_space<semaphore_mem>>) src(%dma_wait3A_183 : memref<1000000x64xf32, #tpu.memory_space<hbm>>) dst(%dma_wait3A_178 : memref<128x64xf32, #tpu.memory_space<vmem>>)
      %dma_wait3A_184 = arith.constant 128 : i32
      %dma_wait3A_185 = arith.constant 0 : i32
      %dma_wait3A_186 = tpu.memref_slice %arg7[%dma_wait3A_184, %dma_wait3A_185] : memref<512x64xf32, #tpu.memory_space<vmem>> -> memref<128x64xf32, #tpu.memory_space<vmem>>
      %dma_wait3A_187 = arith.constant 128 : i32
      %dma_wait3A_188 = tpu.memref_slice %arg5[%dma_wait3A_187] : memref<512xi32, #tpu.memory_space<vmem>> -> memref<128xi32, #tpu.memory_space<vmem>>
      %dma_wait3A_189 = arith.constant 0 : i32
      %dma_wait3A_190 = arith.constant 0 : i32
      %dma_wait3A_191 = tpu.memref_slice %arg2[%dma_wait3A_189, %dma_wait3A_190] : memref<1000000x64xf32, #tpu.memory_space<hbm>> -> memref<1000000x64xf32, #tpu.memory_space<hbm>>
      tpu.wait_indirect_dma semaphore(%arg9 : memref<!tpu.dma_semaphore, #tpu.memory_space<semaphore_mem>>) src(%dma_wait3A_191 : memref<1000000x64xf32, #tpu.memory_space<hbm>>) dst(%dma_wait3A_186 : memref<128x64xf32, #tpu.memory_space<vmem>>)
      %dma_wait3A_192 = arith.constant 256 : i32
      %dma_wait3A_193 = arith.constant 0 : i32
      %dma_wait3A_194 = tpu.memref_slice %arg7[%dma_wait3A_192, %dma_wait3A_193] : memref<512x64xf32, #tpu.memory_space<vmem>> -> memref<128x64xf32, #tpu.memory_space<vmem>>
      %dma_wait3A_195 = arith.constant 256 : i32
      %dma_wait3A_196 = tpu.memref_slice %arg5[%dma_wait3A_195] : memref<512xi32, #tpu.memory_space<vmem>> -> memref<128xi32, #tpu.memory_space<vmem>>
      %dma_wait3A_197 = arith.constant 0 : i32
      %dma_wait3A_198 = arith.constant 0 : i32
      %dma_wait3A_199 = tpu.memref_slice %arg2[%dma_wait3A_197, %dma_wait3A_198] : memref<1000000x64xf32, #tpu.memory_space<hbm>> -> memref<1000000x64xf32, #tpu.memory_space<hbm>>
      tpu.wait_indirect_dma semaphore(%arg9 : memref<!tpu.dma_semaphore, #tpu.memory_space<semaphore_mem>>) src(%dma_wait3A_199 : memref<1000000x64xf32, #tpu.memory_space<hbm>>) dst(%dma_wait3A_194 : memref<128x64xf32, #tpu.memory_space<vmem>>)
      %dma_wait3A_200 = arith.constant 384 : i32
      %dma_wait3A_201 = arith.constant 0 : i32
      %dma_wait3A_202 = tpu.memref_slice %arg7[%dma_wait3A_200, %dma_wait3A_201] : memref<512x64xf32, #tpu.memory_space<vmem>> -> memref<128x64xf32, #tpu.memory_space<vmem>>
      %dma_wait3A_203 = arith.constant 384 : i32
      %dma_wait3A_204 = tpu.memref_slice %arg5[%dma_wait3A_203] : memref<512xi32, #tpu.memory_space<vmem>> -> memref<128xi32, #tpu.memory_space<vmem>>
      %dma_wait3A_205 = arith.constant 0 : i32
      %dma_wait3A_206 = arith.constant 0 : i32
      %dma_wait3A_207 = tpu.memref_slice %arg2[%dma_wait3A_205, %dma_wait3A_206] : memref<1000000x64xf32, #tpu.memory_space<hbm>> -> memref<1000000x64xf32, #tpu.memory_space<hbm>>
      tpu.wait_indirect_dma semaphore(%arg9 : memref<!tpu.dma_semaphore, #tpu.memory_space<semaphore_mem>>) src(%dma_wait3A_207 : memref<1000000x64xf32, #tpu.memory_space<hbm>>) dst(%dma_wait3A_202 : memref<128x64xf32, #tpu.memory_space<vmem>>)
      %scan3A_208 = arith.constant 0 : i32
      %scan3A_209 = arith.constant 512 : i32
      %scan3A_210 = arith.addi %scan3A_208, %scan3A_209 : i32
      %scan3A_211 = arith.constant 8 : i32
      scf.for %scan3A_364 = %scan3A_208 to %scan3A_210 step %scan3A_211  : i32 {
        %mul3A_365 = arith.constant 1 : i32
        %mul3A_366 = arith.muli %scan3A_364, %mul3A_365 : i32
        %add3A_367 = arith.constant 0 : i32
        %add3A_368 = arith.addi %add3A_367, %mul3A_366 : i32
        %get3A = arith.index_cast %add3A_368 : i32 to index
        %get3A_369 = arith.constant 0 : index
        %get3A_370 = tpu.vector_load %arg7[%get3A, %get3A_369] {strides = array<i32>} : memref<512x64xf32, #tpu.memory_space<vmem>>, vector<1x16xf32>,
        %get3A_371 = vector.shape_cast %get3A_370 : vector<1x16xf32> to vector<16xf32>
        %mul3A_372 = arith.constant 8.000000e+00 : f32
        %mul3A_373 = vector.broadcast %mul3A_372 : f32 to vector<16xf32>
        %mul3A_374 = arith.mulf %get3A_371, %mul3A_373 : vector<16xf32>
        %swap3A = arith.index_cast %add3A_368 : i32 to index
        %swap3A_375 = arith.constant 0 : index
        %swap3A_376 = tpu.vector_load %arg7[%swap3A, %swap3A_375] {strides = array<i32>} : memref<512x64xf32, #tpu.memory_space<vmem>>, vector<1x16xf32>,
        %swap3A_377 = vector.shape_cast %swap3A_376 : vector<1x16xf32> to vector<16xf32>
        %swap3A_378 = vector.shape_cast %mul3A_374 : vector<16xf32> to vector<1x16xf32>
        tpu.vector_store %arg7[%swap3A, %swap3A_375], %swap3A_378 {strides = array<i32>} : memref<512x64xf32, #tpu.memory_space<vmem>>, vector<1x16xf32>,
        %get3A_379 = arith.index_cast %add3A_368 : i32 to index
        %get3A_380 = arith.constant 16 : index
        %get3A_381 = tpu.vector_load %arg7[%get3A_379, %get3A_380] {strides = array<i32>} : memref<512x64xf32, #tpu.memory_space<vmem>>, vector<1x16xf32>,
        %get3A_382 = vector.shape_cast %get3A_381 : vector<1x16xf32> to vector<16xf32>
        %mul3A_383 = arith.constant 8.000000e+00 : f32
        %mul3A_384 = vector.broadcast %mul3A_383 : f32 to vector<16xf32>
        %mul3A_385 = arith.mulf %get3A_382, %mul3A_384 : vector<16xf32>
        %swap3A_386 = arith.index_cast %add3A_368 : i32 to index
        %swap3A_387 = arith.constant 16 : index
        %swap3A_388 = tpu.vector_load %arg7[%swap3A_386, %swap3A_387] {strides = array<i32>} : memref<512x64xf32, #tpu.memory_space<vmem>>, vector<1x16xf32>,
        %swap3A_389 = vector.shape_cast %swap3A_388 : vector<1x16xf32> to vector<16xf32>
        %swap3A_390 = vector.shape_cast %mul3A_385 : vector<16xf32> to vector<1x16xf32>
        tpu.vector_store %arg7[%swap3A_386, %swap3A_387], %swap3A_390 {strides = array<i32>} : memref<512x64xf32, #tpu.memory_space<vmem>>, vector<1x16xf32>,
        %get3A_391 = arith.index_cast %add3A_368 : i32 to index
        %get3A_392 = arith.constant 32 : index
        %get3A_393 = tpu.vector_load %arg7[%get3A_391, %get3A_392] {strides = array<i32>} : memref<512x64xf32, #tpu.memory_space<vmem>>, vector<1x16xf32>,
        %get3A_394 = vector.shape_cast %get3A_393 : vector<1x16xf32> to vector<16xf32>
        %mul3A_395 = arith.constant 8.000000e+00 : f32
        %mul3A_396 = vector.broadcast %mul3A_395 : f32 to vector<16xf32>
        %mul3A_397 = arith.mulf %get3A_394, %mul3A_396 : vector<16xf32>
        %swap3A_398 = arith.index_cast %add3A_368 : i32 to index
        %swap3A_399 = arith.constant 32 : index
        %swap3A_400 = tpu.vector_load %arg7[%swap3A_398, %swap3A_399] {strides = array<i32>} : memref<512x64xf32, #tpu.memory_space<vmem>>, vector<1x16xf32>,
        %swap3A_401 = vector.shape_cast %swap3A_400 : vector<1x16xf32> to vector<16xf32>
        %swap3A_402 = vector.shape_cast %mul3A_397 : vector<16xf32> to vector<1x16xf32>
        tpu.vector_store %arg7[%swap3A_398, %swap3A_399], %swap3A_402 {strides = array<i32>} : memref<512x64xf32, #tpu.memory_space<vmem>>, vector<1x16xf32>,
        %get3A_403 = arith.index_cast %add3A_368 : i32 to index
        %get3A_404 = arith.constant 48 : index
        %get3A_405 = tpu.vector_load %arg7[%get3A_403, %get3A_404] {strides = array<i32>} : memref<512x64xf32, #tpu.memory_space<vmem>>, vector<1x16xf32>,
        %get3A_406 = vector.shape_cast %get3A_405 : vector<1x16xf32> to vector<16xf32>
        %mul3A_407 = arith.constant 8.000000e+00 : f32
        %mul3A_408 = vector.broadcast %mul3A_407 : f32 to vector<16xf32>
        %mul3A_409 = arith.mulf %get3A_406, %mul3A_408 : vector<16xf32>
        %swap3A_410 = arith.index_cast %add3A_368 : i32 to index
        %swap3A_411 = arith.constant 48 : index
        %swap3A_412 = tpu.vector_load %arg7[%swap3A_410, %swap3A_411] {strides = array<i32>} : memref<512x64xf32, #tpu.memory_space<vmem>>, vector<1x16xf32>,
        %swap3A_413 = vector.shape_cast %swap3A_412 : vector<1x16xf32> to vector<16xf32>
        %swap3A_414 = vector.shape_cast %mul3A_409 : vector<16xf32> to vector<1x16xf32>
        tpu.vector_store %arg7[%swap3A_410, %swap3A_411], %swap3A_414 {strides = array<i32>} : memref<512x64xf32, #tpu.memory_space<vmem>>, vector<1x16xf32>,
        %scan3A_415 = arith.constant 1 : i32
        %scan3A_416 = arith.addi %scan3A_364, %scan3A_415 : i32
        %mul3A_417 = arith.constant 1 : i32
        %mul3A_418 = arith.muli %scan3A_416, %mul3A_417 : i32
        %add3A_419 = arith.constant 0 : i32
        %add3A_420 = arith.addi %add3A_419, %mul3A_418 : i32
        %get3A_421 = arith.index_cast %add3A_420 : i32 to index
        %get3A_422 = arith.constant 0 : index
        %get3A_423 = tpu.vector_load %arg7[%get3A_421, %get3A_422] {strides = array<i32>} : memref<512x64xf32, #tpu.memory_space<vmem>>, vector<1x16xf32>,
        %get3A_424 = vector.shape_cast %get3A_423 : vector<1x16xf32> to vector<16xf32>
        %mul3A_425 = arith.constant 8.000000e+00 : f32
        %mul3A_426 = vector.broadcast %mul3A_425 : f32 to vector<16xf32>
        %mul3A_427 = arith.mulf %get3A_424, %mul3A_426 : vector<16xf32>
        %swap3A_428 = arith.index_cast %add3A_420 : i32 to index
        %swap3A_429 = arith.constant 0 : index
        %swap3A_430 = tpu.vector_load %arg7[%swap3A_428, %swap3A_429] {strides = array<i32>} : memref<512x64xf32, #tpu.memory_space<vmem>>, vector<1x16xf32>,
        %swap3A_431 = vector.shape_cast %swap3A_430 : vector<1x16xf32> to vector<16xf32>
        %swap3A_432 = vector.shape_cast %mul3A_427 : vector<16xf32> to vector<1x16xf32>
        tpu.vector_store %arg7[%swap3A_428, %swap3A_429], %swap3A_432 {strides = array<i32>} : memref<512x64xf32, #tpu.memory_space<vmem>>, vector<1x16xf32>,
        %get3A_433 = arith.index_cast %add3A_420 : i32 to index
        %get3A_434 = arith.constant 16 : index
        %get3A_435 = tpu.vector_load %arg7[%get3A_433, %get3A_434] {strides = array<i32>} : memref<512x64xf32, #tpu.memory_space<vmem>>, vector<1x16xf32>,
        %get3A_436 = vector.shape_cast %get3A_435 : vector<1x16xf32> to vector<16xf32>
        %mul3A_437 = arith.constant 8.000000e+00 : f32
        %mul3A_438 = vector.broadcast %mul3A_437 : f32 to vector<16xf32>
        %mul3A_439 = arith.mulf %get3A_436, %mul3A_438 : vector<16xf32>
        %swap3A_440 = arith.index_cast %add3A_420 : i32 to index
        %swap3A_441 = arith.constant 16 : index
        %swap3A_442 = tpu.vector_load %arg7[%swap3A_440, %swap3A_441] {strides = array<i32>} : memref<512x64xf32, #tpu.memory_space<vmem>>, vector<1x16xf32>,
        %swap3A_443 = vector.shape_cast %swap3A_442 : vector<1x16xf32> to vector<16xf32>
        %swap3A_444 = vector.shape_cast %mul3A_439 : vector<16xf32> to vector<1x16xf32>
        tpu.vector_store %arg7[%swap3A_440, %swap3A_441], %swap3A_444 {strides = array<i32>} : memref<512x64xf32, #tpu.memory_space<vmem>>, vector<1x16xf32>,
        %get3A_445 = arith.index_cast %add3A_420 : i32 to index
        %get3A_446 = arith.constant 32 : index
        %get3A_447 = tpu.vector_load %arg7[%get3A_445, %get3A_446] {strides = array<i32>} : memref<512x64xf32, #tpu.memory_space<vmem>>, vector<1x16xf32>,
        %get3A_448 = vector.shape_cast %get3A_447 : vector<1x16xf32> to vector<16xf32>
        %mul3A_449 = arith.constant 8.000000e+00 : f32
        %mul3A_450 = vector.broadcast %mul3A_449 : f32 to vector<16xf32>
        %mul3A_451 = arith.mulf %get3A_448, %mul3A_450 : vector<16xf32>
        %swap3A_452 = arith.index_cast %add3A_420 : i32 to index
        %swap3A_453 = arith.constant 32 : index
        %swap3A_454 = tpu.vector_load %arg7[%swap3A_452, %swap3A_453] {strides = array<i32>} : memref<512x64xf32, #tpu.memory_space<vmem>>, vector<1x16xf32>,
        %swap3A_455 = vector.shape_cast %swap3A_454 : vector<1x16xf32> to vector<16xf32>
        %swap3A_456 = vector.shape_cast %mul3A_451 : vector<16xf32> to vector<1x16xf32>
        tpu.vector_store %arg7[%swap3A_452, %swap3A_453], %swap3A_456 {strides = array<i32>} : memref<512x64xf32, #tpu.memory_space<vmem>>, vector<1x16xf32>,
        %get3A_457 = arith.index_cast %add3A_420 : i32 to index
        %get3A_458 = arith.constant 48 : index
        %get3A_459 = tpu.vector_load %arg7[%get3A_457, %get3A_458] {strides = array<i32>} : memref<512x64xf32, #tpu.memory_space<vmem>>, vector<1x16xf32>,
        %get3A_460 = vector.shape_cast %get3A_459 : vector<1x16xf32> to vector<16xf32>
        %mul3A_461 = arith.constant 8.000000e+00 : f32
        %mul3A_462 = vector.broadcast %mul3A_461 : f32 to vector<16xf32>
        %mul3A_463 = arith.mulf %get3A_460, %mul3A_462 : vector<16xf32>
        %swap3A_464 = arith.index_cast %add3A_420 : i32 to index
        %swap3A_465 = arith.constant 48 : index
        %swap3A_466 = tpu.vector_load %arg7[%swap3A_464, %swap3A_465] {strides = array<i32>} : memref<512x64xf32, #tpu.memory_space<vmem>>, vector<1x16xf32>,
        %swap3A_467 = vector.shape_cast %swap3A_466 : vector<1x16xf32> to vector<16xf32>
        %swap3A_468 = vector.shape_cast %mul3A_463 : vector<16xf32> to vector<1x16xf32>
        tpu.vector_store %arg7[%swap3A_464, %swap3A_465], %swap3A_468 {strides = array<i32>} : memref<512x64xf32, #tpu.memory_space<vmem>>, vector<1x16xf32>,
        %scan3A_469 = arith.constant 2 : i32
        %scan3A_470 = arith.addi %scan3A_364, %scan3A_469 : i32
        %mul3A_471 = arith.constant 1 : i32
        %mul3A_472 = arith.muli %scan3A_470, %mul3A_471 : i32
        %add3A_473 = arith.constant 0 : i32
        %add3A_474 = arith.addi %add3A_473, %mul3A_472 : i32
        %get3A_475 = arith.index_cast %add3A_474 : i32 to index
        %get3A_476 = arith.constant 0 : index
        %get3A_477 = tpu.vector_load %arg7[%get3A_475, %get3A_476] {strides = array<i32>} : memref<512x64xf32, #tpu.memory_space<vmem>>, vector<1x16xf32>,
        %get3A_478 = vector.shape_cast %get3A_477 : vector<1x16xf32> to vector<16xf32>
        %mul3A_479 = arith.constant 8.000000e+00 : f32
        %mul3A_480 = vector.broadcast %mul3A_479 : f32 to vector<16xf32>
        %mul3A_481 = arith.mulf %get3A_478, %mul3A_480 : vector<16xf32>
        %swap3A_482 = arith.index_cast %add3A_474 : i32 to index
        %swap3A_483 = arith.constant 0 : index
        %swap3A_484 = tpu.vector_load %arg7[%swap3A_482, %swap3A_483] {strides = array<i32>} : memref<512x64xf32, #tpu.memory_space<vmem>>, vector<1x16xf32>,
        %swap3A_485 = vector.shape_cast %swap3A_484 : vector<1x16xf32> to vector<16xf32>
        %swap3A_486 = vector.shape_cast %mul3A_481 : vector<16xf32> to vector<1x16xf32>
        tpu.vector_store %arg7[%swap3A_482, %swap3A_483], %swap3A_486 {strides = array<i32>} : memref<512x64xf32, #tpu.memory_space<vmem>>, vector<1x16xf32>,
        %get3A_487 = arith.index_cast %add3A_474 : i32 to index
        %get3A_488 = arith.constant 16 : index
        %get3A_489 = tpu.vector_load %arg7[%get3A_487, %get3A_488] {strides = array<i32>} : memref<512x64xf32, #tpu.memory_space<vmem>>, vector<1x16xf32>,
        %get3A_490 = vector.shape_cast %get3A_489 : vector<1x16xf32> to vector<16xf32>
        %mul3A_491 = arith.constant 8.000000e+00 : f32
        %mul3A_492 = vector.broadcast %mul3A_491 : f32 to vector<16xf32>
        %mul3A_493 = arith.mulf %get3A_490, %mul3A_492 : vector<16xf32>
        %swap3A_494 = arith.index_cast %add3A_474 : i32 to index
        %swap3A_495 = arith.constant 16 : index
        %swap3A_496 = tpu.vector_load %arg7[%swap3A_494, %swap3A_495] {strides = array<i32>} : memref<512x64xf32, #tpu.memory_space<vmem>>, vector<1x16xf32>,
        %swap3A_497 = vector.shape_cast %swap3A_496 : vector<1x16xf32> to vector<16xf32>
        %swap3A_498 = vector.shape_cast %mul3A_493 : vector<16xf32> to vector<1x16xf32>
        tpu.vector_store %arg7[%swap3A_494, %swap3A_495], %swap3A_498 {strides = array<i32>} : memref<512x64xf32, #tpu.memory_space<vmem>>, vector<1x16xf32>,
        %get3A_499 = arith.index_cast %add3A_474 : i32 to index
        %get3A_500 = arith.constant 32 : index
        %get3A_501 = tpu.vector_load %arg7[%get3A_499, %get3A_500] {strides = array<i32>} : memref<512x64xf32, #tpu.memory_space<vmem>>, vector<1x16xf32>,
        %get3A_502 = vector.shape_cast %get3A_501 : vector<1x16xf32> to vector<16xf32>
        %mul3A_503 = arith.constant 8.000000e+00 : f32
        %mul3A_504 = vector.broadcast %mul3A_503 : f32 to vector<16xf32>
        %mul3A_505 = arith.mulf %get3A_502, %mul3A_504 : vector<16xf32>
        %swap3A_506 = arith.index_cast %add3A_474 : i32 to index
        %swap3A_507 = arith.constant 32 : index
        %swap3A_508 = tpu.vector_load %arg7[%swap3A_506, %swap3A_507] {strides = array<i32>} : memref<512x64xf32, #tpu.memory_space<vmem>>, vector<1x16xf32>,
        %swap3A_509 = vector.shape_cast %swap3A_508 : vector<1x16xf32> to vector<16xf32>
        %swap3A_510 = vector.shape_cast %mul3A_505 : vector<16xf32> to vector<1x16xf32>
        tpu.vector_store %arg7[%swap3A_506, %swap3A_507], %swap3A_510 {strides = array<i32>} : memref<512x64xf32, #tpu.memory_space<vmem>>, vector<1x16xf32>,
        %get3A_511 = arith.index_cast %add3A_474 : i32 to index
        %get3A_512 = arith.constant 48 : index
        %get3A_513 = tpu.vector_load %arg7[%get3A_511, %get3A_512] {strides = array<i32>} : memref<512x64xf32, #tpu.memory_space<vmem>>, vector<1x16xf32>,
        %get3A_514 = vector.shape_cast %get3A_513 : vector<1x16xf32> to vector<16xf32>
        %mul3A_515 = arith.constant 8.000000e+00 : f32
        %mul3A_516 = vector.broadcast %mul3A_515 : f32 to vector<16xf32>
        %mul3A_517 = arith.mulf %get3A_514, %mul3A_516 : vector<16xf32>
        %swap3A_518 = arith.index_cast %add3A_474 : i32 to index
        %swap3A_519 = arith.constant 48 : index
        %swap3A_520 = tpu.vector_load %arg7[%swap3A_518, %swap3A_519] {strides = array<i32>} : memref<512x64xf32, #tpu.memory_space<vmem>>, vector<1x16xf32>,
        %swap3A_521 = vector.shape_cast %swap3A_520 : vector<1x16xf32> to vector<16xf32>
        %swap3A_522 = vector.shape_cast %mul3A_517 : vector<16xf32> to vector<1x16xf32>
        tpu.vector_store %arg7[%swap3A_518, %swap3A_519], %swap3A_522 {strides = array<i32>} : memref<512x64xf32, #tpu.memory_space<vmem>>, vector<1x16xf32>,
        %scan3A_523 = arith.constant 3 : i32
        %scan3A_524 = arith.addi %scan3A_364, %scan3A_523 : i32
        %mul3A_525 = arith.constant 1 : i32
        %mul3A_526 = arith.muli %scan3A_524, %mul3A_525 : i32
        %add3A_527 = arith.constant 0 : i32
        %add3A_528 = arith.addi %add3A_527, %mul3A_526 : i32
        %get3A_529 = arith.index_cast %add3A_528 : i32 to index
        %get3A_530 = arith.constant 0 : index
        %get3A_531 = tpu.vector_load %arg7[%get3A_529, %get3A_530] {strides = array<i32>} : memref<512x64xf32, #tpu.memory_space<vmem>>, vector<1x16xf32>,
        %get3A_532 = vector.shape_cast %get3A_531 : vector<1x16xf32> to vector<16xf32>
        %mul3A_533 = arith.constant 8.000000e+00 : f32
        %mul3A_534 = vector.broadcast %mul3A_533 : f32 to vector<16xf32>
        %mul3A_535 = arith.mulf %get3A_532, %mul3A_534 : vector<16xf32>
        %swap3A_536 = arith.index_cast %add3A_528 : i32 to index
        %swap3A_537 = arith.constant 0 : index
        %swap3A_538 = tpu.vector_load %arg7[%swap3A_536, %swap3A_537] {strides = array<i32>} : memref<512x64xf32, #tpu.memory_space<vmem>>, vector<1x16xf32>,
        %swap3A_539 = vector.shape_cast %swap3A_538 : vector<1x16xf32> to vector<16xf32>
        %swap3A_540 = vector.shape_cast %mul3A_535 : vector<16xf32> to vector<1x16xf32>
        tpu.vector_store %arg7[%swap3A_536, %swap3A_537], %swap3A_540 {strides = array<i32>} : memref<512x64xf32, #tpu.memory_space<vmem>>, vector<1x16xf32>,
        %get3A_541 = arith.index_cast %add3A_528 : i32 to index
        %get3A_542 = arith.constant 16 : index
        %get3A_543 = tpu.vector_load %arg7[%get3A_541, %get3A_542] {strides = array<i32>} : memref<512x64xf32, #tpu.memory_space<vmem>>, vector<1x16xf32>,
        %get3A_544 = vector.shape_cast %get3A_543 : vector<1x16xf32> to vector<16xf32>
        %mul3A_545 = arith.constant 8.000000e+00 : f32
        %mul3A_546 = vector.broadcast %mul3A_545 : f32 to vector<16xf32>
        %mul3A_547 = arith.mulf %get3A_544, %mul3A_546 : vector<16xf32>
        %swap3A_548 = arith.index_cast %add3A_528 : i32 to index
        %swap3A_549 = arith.constant 16 : index
        %swap3A_550 = tpu.vector_load %arg7[%swap3A_548, %swap3A_549] {strides = array<i32>} : memref<512x64xf32, #tpu.memory_space<vmem>>, vector<1x16xf32>,
        %swap3A_551 = vector.shape_cast %swap3A_550 : vector<1x16xf32> to vector<16xf32>
        %swap3A_552 = vector.shape_cast %mul3A_547 : vector<16xf32> to vector<1x16xf32>
        tpu.vector_store %arg7[%swap3A_548, %swap3A_549], %swap3A_552 {strides = array<i32>} : memref<512x64xf32, #tpu.memory_space<vmem>>, vector<1x16xf32>,
        %get3A_553 = arith.index_cast %add3A_528 : i32 to index
        %get3A_554 = arith.constant 32 : index
        %get3A_555 = tpu.vector_load %arg7[%get3A_553, %get3A_554] {strides = array<i32>} : memref<512x64xf32, #tpu.memory_space<vmem>>, vector<1x16xf32>,
        %get3A_556 = vector.shape_cast %get3A_555 : vector<1x16xf32> to vector<16xf32>
        %mul3A_557 = arith.constant 8.000000e+00 : f32
        %mul3A_558 = vector.broadcast %mul3A_557 : f32 to vector<16xf32>
        %mul3A_559 = arith.mulf %get3A_556, %mul3A_558 : vector<16xf32>
        %swap3A_560 = arith.index_cast %add3A_528 : i32 to index
        %swap3A_561 = arith.constant 32 : index
        %swap3A_562 = tpu.vector_load %arg7[%swap3A_560, %swap3A_561] {strides = array<i32>} : memref<512x64xf32, #tpu.memory_space<vmem>>, vector<1x16xf32>,
        %swap3A_563 = vector.shape_cast %swap3A_562 : vector<1x16xf32> to vector<16xf32>
        %swap3A_564 = vector.shape_cast %mul3A_559 : vector<16xf32> to vector<1x16xf32>
        tpu.vector_store %arg7[%swap3A_560, %swap3A_561], %swap3A_564 {strides = array<i32>} : memref<512x64xf32, #tpu.memory_space<vmem>>, vector<1x16xf32>,
        %get3A_565 = arith.index_cast %add3A_528 : i32 to index
        %get3A_566 = arith.constant 48 : index
        %get3A_567 = tpu.vector_load %arg7[%get3A_565, %get3A_566] {strides = array<i32>} : memref<512x64xf32, #tpu.memory_space<vmem>>, vector<1x16xf32>,
        %get3A_568 = vector.shape_cast %get3A_567 : vector<1x16xf32> to vector<16xf32>
        %mul3A_569 = arith.constant 8.000000e+00 : f32
        %mul3A_570 = vector.broadcast %mul3A_569 : f32 to vector<16xf32>
        %mul3A_571 = arith.mulf %get3A_568, %mul3A_570 : vector<16xf32>
        %swap3A_572 = arith.index_cast %add3A_528 : i32 to index
        %swap3A_573 = arith.constant 48 : index
        %swap3A_574 = tpu.vector_load %arg7[%swap3A_572, %swap3A_573] {strides = array<i32>} : memref<512x64xf32, #tpu.memory_space<vmem>>, vector<1x16xf32>,
        %swap3A_575 = vector.shape_cast %swap3A_574 : vector<1x16xf32> to vector<16xf32>
        %swap3A_576 = vector.shape_cast %mul3A_571 : vector<16xf32> to vector<1x16xf32>
        tpu.vector_store %arg7[%swap3A_572, %swap3A_573], %swap3A_576 {strides = array<i32>} : memref<512x64xf32, #tpu.memory_space<vmem>>, vector<1x16xf32>,
        %scan3A_577 = arith.constant 4 : i32
        %scan3A_578 = arith.addi %scan3A_364, %scan3A_577 : i32
        %mul3A_579 = arith.constant 1 : i32
        %mul3A_580 = arith.muli %scan3A_578, %mul3A_579 : i32
        %add3A_581 = arith.constant 0 : i32
        %add3A_582 = arith.addi %add3A_581, %mul3A_580 : i32
        %get3A_583 = arith.index_cast %add3A_582 : i32 to index
        %get3A_584 = arith.constant 0 : index
        %get3A_585 = tpu.vector_load %arg7[%get3A_583, %get3A_584] {strides = array<i32>} : memref<512x64xf32, #tpu.memory_space<vmem>>, vector<1x16xf32>,
        %get3A_586 = vector.shape_cast %get3A_585 : vector<1x16xf32> to vector<16xf32>
        %mul3A_587 = arith.constant 8.000000e+00 : f32
        %mul3A_588 = vector.broadcast %mul3A_587 : f32 to vector<16xf32>
        %mul3A_589 = arith.mulf %get3A_586, %mul3A_588 : vector<16xf32>
        %swap3A_590 = arith.index_cast %add3A_582 : i32 to index
        %swap3A_591 = arith.constant 0 : index
        %swap3A_592 = tpu.vector_load %arg7[%swap3A_590, %swap3A_591] {strides = array<i32>} : memref<512x64xf32, #tpu.memory_space<vmem>>, vector<1x16xf32>,
        %swap3A_593 = vector.shape_cast %swap3A_592 : vector<1x16xf32> to vector<16xf32>
        %swap3A_594 = vector.shape_cast %mul3A_589 : vector<16xf32> to vector<1x16xf32>
        tpu.vector_store %arg7[%swap3A_590, %swap3A_591], %swap3A_594 {strides = array<i32>} : memref<512x64xf32, #tpu.memory_space<vmem>>, vector<1x16xf32>,
        %get3A_595 = arith.index_cast %add3A_582 : i32 to index
        %get3A_596 = arith.constant 16 : index
        %get3A_597 = tpu.vector_load %arg7[%get3A_595, %get3A_596] {strides = array<i32>} : memref<512x64xf32, #tpu.memory_space<vmem>>, vector<1x16xf32>,
        %get3A_598 = vector.shape_cast %get3A_597 : vector<1x16xf32> to vector<16xf32>
        %mul3A_599 = arith.constant 8.000000e+00 : f32
        %mul3A_600 = vector.broadcast %mul3A_599 : f32 to vector<16xf32>
        %mul3A_601 = arith.mulf %get3A_598, %mul3A_600 : vector<16xf32>
        %swap3A_602 = arith.index_cast %add3A_582 : i32 to index
        %swap3A_603 = arith.constant 16 : index
        %swap3A_604 = tpu.vector_load %arg7[%swap3A_602, %swap3A_603] {strides = array<i32>} : memref<512x64xf32, #tpu.memory_space<vmem>>, vector<1x16xf32>,
        %swap3A_605 = vector.shape_cast %swap3A_604 : vector<1x16xf32> to vector<16xf32>
        %swap3A_606 = vector.shape_cast %mul3A_601 : vector<16xf32> to vector<1x16xf32>
        tpu.vector_store %arg7[%swap3A_602, %swap3A_603], %swap3A_606 {strides = array<i32>} : memref<512x64xf32, #tpu.memory_space<vmem>>, vector<1x16xf32>,
        %get3A_607 = arith.index_cast %add3A_582 : i32 to index
        %get3A_608 = arith.constant 32 : index
        %get3A_609 = tpu.vector_load %arg7[%get3A_607, %get3A_608] {strides = array<i32>} : memref<512x64xf32, #tpu.memory_space<vmem>>, vector<1x16xf32>,
        %get3A_610 = vector.shape_cast %get3A_609 : vector<1x16xf32> to vector<16xf32>
        %mul3A_611 = arith.constant 8.000000e+00 : f32
        %mul3A_612 = vector.broadcast %mul3A_611 : f32 to vector<16xf32>
        %mul3A_613 = arith.mulf %get3A_610, %mul3A_612 : vector<16xf32>
        %swap3A_614 = arith.index_cast %add3A_582 : i32 to index
        %swap3A_615 = arith.constant 32 : index
        %swap3A_616 = tpu.vector_load %arg7[%swap3A_614, %swap3A_615] {strides = array<i32>} : memref<512x64xf32, #tpu.memory_space<vmem>>, vector<1x16xf32>,
        %swap3A_617 = vector.shape_cast %swap3A_616 : vector<1x16xf32> to vector<16xf32>
        %swap3A_618 = vector.shape_cast %mul3A_613 : vector<16xf32> to vector<1x16xf32>
        tpu.vector_store %arg7[%swap3A_614, %swap3A_615], %swap3A_618 {strides = array<i32>} : memref<512x64xf32, #tpu.memory_space<vmem>>, vector<1x16xf32>,
        %get3A_619 = arith.index_cast %add3A_582 : i32 to index
        %get3A_620 = arith.constant 48 : index
        %get3A_621 = tpu.vector_load %arg7[%get3A_619, %get3A_620] {strides = array<i32>} : memref<512x64xf32, #tpu.memory_space<vmem>>, vector<1x16xf32>,
        %get3A_622 = vector.shape_cast %get3A_621 : vector<1x16xf32> to vector<16xf32>
        %mul3A_623 = arith.constant 8.000000e+00 : f32
        %mul3A_624 = vector.broadcast %mul3A_623 : f32 to vector<16xf32>
        %mul3A_625 = arith.mulf %get3A_622, %mul3A_624 : vector<16xf32>
        %swap3A_626 = arith.index_cast %add3A_582 : i32 to index
        %swap3A_627 = arith.constant 48 : index
        %swap3A_628 = tpu.vector_load %arg7[%swap3A_626, %swap3A_627] {strides = array<i32>} : memref<512x64xf32, #tpu.memory_space<vmem>>, vector<1x16xf32>,
        %swap3A_629 = vector.shape_cast %swap3A_628 : vector<1x16xf32> to vector<16xf32>
        %swap3A_630 = vector.shape_cast %mul3A_625 : vector<16xf32> to vector<1x16xf32>
        tpu.vector_store %arg7[%swap3A_626, %swap3A_627], %swap3A_630 {strides = array<i32>} : memref<512x64xf32, #tpu.memory_space<vmem>>, vector<1x16xf32>,
        %scan3A_631 = arith.constant 5 : i32
        %scan3A_632 = arith.addi %scan3A_364, %scan3A_631 : i32
        %mul3A_633 = arith.constant 1 : i32
        %mul3A_634 = arith.muli %scan3A_632, %mul3A_633 : i32
        %add3A_635 = arith.constant 0 : i32
        %add3A_636 = arith.addi %add3A_635, %mul3A_634 : i32
        %get3A_637 = arith.index_cast %add3A_636 : i32 to index
        %get3A_638 = arith.constant 0 : index
        %get3A_639 = tpu.vector_load %arg7[%get3A_637, %get3A_638] {strides = array<i32>} : memref<512x64xf32, #tpu.memory_space<vmem>>, vector<1x16xf32>,
        %get3A_640 = vector.shape_cast %get3A_639 : vector<1x16xf32> to vector<16xf32>
        %mul3A_641 = arith.constant 8.000000e+00 : f32
        %mul3A_642 = vector.broadcast %mul3A_641 : f32 to vector<16xf32>
        %mul3A_643 = arith.mulf %get3A_640, %mul3A_642 : vector<16xf32>
        %swap3A_644 = arith.index_cast %add3A_636 : i32 to index
        %swap3A_645 = arith.constant 0 : index
        %swap3A_646 = tpu.vector_load %arg7[%swap3A_644, %swap3A_645] {strides = array<i32>} : memref<512x64xf32, #tpu.memory_space<vmem>>, vector<1x16xf32>,
        %swap3A_647 = vector.shape_cast %swap3A_646 : vector<1x16xf32> to vector<16xf32>
        %swap3A_648 = vector.shape_cast %mul3A_643 : vector<16xf32> to vector<1x16xf32>
        tpu.vector_store %arg7[%swap3A_644, %swap3A_645], %swap3A_648 {strides = array<i32>} : memref<512x64xf32, #tpu.memory_space<vmem>>, vector<1x16xf32>,
        %get3A_649 = arith.index_cast %add3A_636 : i32 to index
        %get3A_650 = arith.constant 16 : index
        %get3A_651 = tpu.vector_load %arg7[%get3A_649, %get3A_650] {strides = array<i32>} : memref<512x64xf32, #tpu.memory_space<vmem>>, vector<1x16xf32>,
        %get3A_652 = vector.shape_cast %get3A_651 : vector<1x16xf32> to vector<16xf32>
        %mul3A_653 = arith.constant 8.000000e+00 : f32
        %mul3A_654 = vector.broadcast %mul3A_653 : f32 to vector<16xf32>
        %mul3A_655 = arith.mulf %get3A_652, %mul3A_654 : vector<16xf32>
        %swap3A_656 = arith.index_cast %add3A_636 : i32 to index
        %swap3A_657 = arith.constant 16 : index
        %swap3A_658 = tpu.vector_load %arg7[%swap3A_656, %swap3A_657] {strides = array<i32>} : memref<512x64xf32, #tpu.memory_space<vmem>>, vector<1x16xf32>,
        %swap3A_659 = vector.shape_cast %swap3A_658 : vector<1x16xf32> to vector<16xf32>
        %swap3A_660 = vector.shape_cast %mul3A_655 : vector<16xf32> to vector<1x16xf32>
        tpu.vector_store %arg7[%swap3A_656, %swap3A_657], %swap3A_660 {strides = array<i32>} : memref<512x64xf32, #tpu.memory_space<vmem>>, vector<1x16xf32>,
        %get3A_661 = arith.index_cast %add3A_636 : i32 to index
        %get3A_662 = arith.constant 32 : index
        %get3A_663 = tpu.vector_load %arg7[%get3A_661, %get3A_662] {strides = array<i32>} : memref<512x64xf32, #tpu.memory_space<vmem>>, vector<1x16xf32>,
        %get3A_664 = vector.shape_cast %get3A_663 : vector<1x16xf32> to vector<16xf32>
        %mul3A_665 = arith.constant 8.000000e+00 : f32
        %mul3A_666 = vector.broadcast %mul3A_665 : f32 to vector<16xf32>
        %mul3A_667 = arith.mulf %get3A_664, %mul3A_666 : vector<16xf32>
        %swap3A_668 = arith.index_cast %add3A_636 : i32 to index
        %swap3A_669 = arith.constant 32 : index
        %swap3A_670 = tpu.vector_load %arg7[%swap3A_668, %swap3A_669] {strides = array<i32>} : memref<512x64xf32, #tpu.memory_space<vmem>>, vector<1x16xf32>,
        %swap3A_671 = vector.shape_cast %swap3A_670 : vector<1x16xf32> to vector<16xf32>
        %swap3A_672 = vector.shape_cast %mul3A_667 : vector<16xf32> to vector<1x16xf32>
        tpu.vector_store %arg7[%swap3A_668, %swap3A_669], %swap3A_672 {strides = array<i32>} : memref<512x64xf32, #tpu.memory_space<vmem>>, vector<1x16xf32>,
        %get3A_673 = arith.index_cast %add3A_636 : i32 to index
        %get3A_674 = arith.constant 48 : index
        %get3A_675 = tpu.vector_load %arg7[%get3A_673, %get3A_674] {strides = array<i32>} : memref<512x64xf32, #tpu.memory_space<vmem>>, vector<1x16xf32>,
        %get3A_676 = vector.shape_cast %get3A_675 : vector<1x16xf32> to vector<16xf32>
        %mul3A_677 = arith.constant 8.000000e+00 : f32
        %mul3A_678 = vector.broadcast %mul3A_677 : f32 to vector<16xf32>
        %mul3A_679 = arith.mulf %get3A_676, %mul3A_678 : vector<16xf32>
        %swap3A_680 = arith.index_cast %add3A_636 : i32 to index
        %swap3A_681 = arith.constant 48 : index
        %swap3A_682 = tpu.vector_load %arg7[%swap3A_680, %swap3A_681] {strides = array<i32>} : memref<512x64xf32, #tpu.memory_space<vmem>>, vector<1x16xf32>,
        %swap3A_683 = vector.shape_cast %swap3A_682 : vector<1x16xf32> to vector<16xf32>
        %swap3A_684 = vector.shape_cast %mul3A_679 : vector<16xf32> to vector<1x16xf32>
        tpu.vector_store %arg7[%swap3A_680, %swap3A_681], %swap3A_684 {strides = array<i32>} : memref<512x64xf32, #tpu.memory_space<vmem>>, vector<1x16xf32>,
        %scan3A_685 = arith.constant 6 : i32
        %scan3A_686 = arith.addi %scan3A_364, %scan3A_685 : i32
        %mul3A_687 = arith.constant 1 : i32
        %mul3A_688 = arith.muli %scan3A_686, %mul3A_687 : i32
        %add3A_689 = arith.constant 0 : i32
        %add3A_690 = arith.addi %add3A_689, %mul3A_688 : i32
        %get3A_691 = arith.index_cast %add3A_690 : i32 to index
        %get3A_692 = arith.constant 0 : index
        %get3A_693 = tpu.vector_load %arg7[%get3A_691, %get3A_692] {strides = array<i32>} : memref<512x64xf32, #tpu.memory_space<vmem>>, vector<1x16xf32>,
        %get3A_694 = vector.shape_cast %get3A_693 : vector<1x16xf32> to vector<16xf32>
        %mul3A_695 = arith.constant 8.000000e+00 : f32
        %mul3A_696 = vector.broadcast %mul3A_695 : f32 to vector<16xf32>
        %mul3A_697 = arith.mulf %get3A_694, %mul3A_696 : vector<16xf32>
        %swap3A_698 = arith.index_cast %add3A_690 : i32 to index
        %swap3A_699 = arith.constant 0 : index
        %swap3A_700 = tpu.vector_load %arg7[%swap3A_698, %swap3A_699] {strides = array<i32>} : memref<512x64xf32, #tpu.memory_space<vmem>>, vector<1x16xf32>,
        %swap3A_701 = vector.shape_cast %swap3A_700 : vector<1x16xf32> to vector<16xf32>
        %swap3A_702 = vector.shape_cast %mul3A_697 : vector<16xf32> to vector<1x16xf32>
        tpu.vector_store %arg7[%swap3A_698, %swap3A_699], %swap3A_702 {strides = array<i32>} : memref<512x64xf32, #tpu.memory_space<vmem>>, vector<1x16xf32>,
        %get3A_703 = arith.index_cast %add3A_690 : i32 to index
        %get3A_704 = arith.constant 16 : index
        %get3A_705 = tpu.vector_load %arg7[%get3A_703, %get3A_704] {strides = array<i32>} : memref<512x64xf32, #tpu.memory_space<vmem>>, vector<1x16xf32>,
        %get3A_706 = vector.shape_cast %get3A_705 : vector<1x16xf32> to vector<16xf32>
        %mul3A_707 = arith.constant 8.000000e+00 : f32
        %mul3A_708 = vector.broadcast %mul3A_707 : f32 to vector<16xf32>
        %mul3A_709 = arith.mulf %get3A_706, %mul3A_708 : vector<16xf32>
        %swap3A_710 = arith.index_cast %add3A_690 : i32 to index
        %swap3A_711 = arith.constant 16 : index
        %swap3A_712 = tpu.vector_load %arg7[%swap3A_710, %swap3A_711] {strides = array<i32>} : memref<512x64xf32, #tpu.memory_space<vmem>>, vector<1x16xf32>,
        %swap3A_713 = vector.shape_cast %swap3A_712 : vector<1x16xf32> to vector<16xf32>
        %swap3A_714 = vector.shape_cast %mul3A_709 : vector<16xf32> to vector<1x16xf32>
        tpu.vector_store %arg7[%swap3A_710, %swap3A_711], %swap3A_714 {strides = array<i32>} : memref<512x64xf32, #tpu.memory_space<vmem>>, vector<1x16xf32>,
        %get3A_715 = arith.index_cast %add3A_690 : i32 to index
        %get3A_716 = arith.constant 32 : index
        %get3A_717 = tpu.vector_load %arg7[%get3A_715, %get3A_716] {strides = array<i32>} : memref<512x64xf32, #tpu.memory_space<vmem>>, vector<1x16xf32>,
        %get3A_718 = vector.shape_cast %get3A_717 : vector<1x16xf32> to vector<16xf32>
        %mul3A_719 = arith.constant 8.000000e+00 : f32
        %mul3A_720 = vector.broadcast %mul3A_719 : f32 to vector<16xf32>
        %mul3A_721 = arith.mulf %get3A_718, %mul3A_720 : vector<16xf32>
        %swap3A_722 = arith.index_cast %add3A_690 : i32 to index
        %swap3A_723 = arith.constant 32 : index
        %swap3A_724 = tpu.vector_load %arg7[%swap3A_722, %swap3A_723] {strides = array<i32>} : memref<512x64xf32, #tpu.memory_space<vmem>>, vector<1x16xf32>,
        %swap3A_725 = vector.shape_cast %swap3A_724 : vector<1x16xf32> to vector<16xf32>
        %swap3A_726 = vector.shape_cast %mul3A_721 : vector<16xf32> to vector<1x16xf32>
        tpu.vector_store %arg7[%swap3A_722, %swap3A_723], %swap3A_726 {strides = array<i32>} : memref<512x64xf32, #tpu.memory_space<vmem>>, vector<1x16xf32>,
        %get3A_727 = arith.index_cast %add3A_690 : i32 to index
        %get3A_728 = arith.constant 48 : index
        %get3A_729 = tpu.vector_load %arg7[%get3A_727, %get3A_728] {strides = array<i32>} : memref<512x64xf32, #tpu.memory_space<vmem>>, vector<1x16xf32>,
        %get3A_730 = vector.shape_cast %get3A_729 : vector<1x16xf32> to vector<16xf32>
        %mul3A_731 = arith.constant 8.000000e+00 : f32
        %mul3A_732 = vector.broadcast %mul3A_731 : f32 to vector<16xf32>
        %mul3A_733 = arith.mulf %get3A_730, %mul3A_732 : vector<16xf32>
        %swap3A_734 = arith.index_cast %add3A_690 : i32 to index
        %swap3A_735 = arith.constant 48 : index
        %swap3A_736 = tpu.vector_load %arg7[%swap3A_734, %swap3A_735] {strides = array<i32>} : memref<512x64xf32, #tpu.memory_space<vmem>>, vector<1x16xf32>,
        %swap3A_737 = vector.shape_cast %swap3A_736 : vector<1x16xf32> to vector<16xf32>
        %swap3A_738 = vector.shape_cast %mul3A_733 : vector<16xf32> to vector<1x16xf32>
        tpu.vector_store %arg7[%swap3A_734, %swap3A_735], %swap3A_738 {strides = array<i32>} : memref<512x64xf32, #tpu.memory_space<vmem>>, vector<1x16xf32>,
        %scan3A_739 = arith.constant 7 : i32
        %scan3A_740 = arith.addi %scan3A_364, %scan3A_739 : i32
        %mul3A_741 = arith.constant 1 : i32
        %mul3A_742 = arith.muli %scan3A_740, %mul3A_741 : i32
        %add3A_743 = arith.constant 0 : i32
        %add3A_744 = arith.addi %add3A_743, %mul3A_742 : i32
        %get3A_745 = arith.index_cast %add3A_744 : i32 to index
        %get3A_746 = arith.constant 0 : index
        %get3A_747 = tpu.vector_load %arg7[%get3A_745, %get3A_746] {strides = array<i32>} : memref<512x64xf32, #tpu.memory_space<vmem>>, vector<1x16xf32>,
        %get3A_748 = vector.shape_cast %get3A_747 : vector<1x16xf32> to vector<16xf32>
        %mul3A_749 = arith.constant 8.000000e+00 : f32
        %mul3A_750 = vector.broadcast %mul3A_749 : f32 to vector<16xf32>
        %mul3A_751 = arith.mulf %get3A_748, %mul3A_750 : vector<16xf32>
        %swap3A_752 = arith.index_cast %add3A_744 : i32 to index
        %swap3A_753 = arith.constant 0 : index
        %swap3A_754 = tpu.vector_load %arg7[%swap3A_752, %swap3A_753] {strides = array<i32>} : memref<512x64xf32, #tpu.memory_space<vmem>>, vector<1x16xf32>,
        %swap3A_755 = vector.shape_cast %swap3A_754 : vector<1x16xf32> to vector<16xf32>
        %swap3A_756 = vector.shape_cast %mul3A_751 : vector<16xf32> to vector<1x16xf32>
        tpu.vector_store %arg7[%swap3A_752, %swap3A_753], %swap3A_756 {strides = array<i32>} : memref<512x64xf32, #tpu.memory_space<vmem>>, vector<1x16xf32>,
        %get3A_757 = arith.index_cast %add3A_744 : i32 to index
        %get3A_758 = arith.constant 16 : index
        %get3A_759 = tpu.vector_load %arg7[%get3A_757, %get3A_758] {strides = array<i32>} : memref<512x64xf32, #tpu.memory_space<vmem>>, vector<1x16xf32>,
        %get3A_760 = vector.shape_cast %get3A_759 : vector<1x16xf32> to vector<16xf32>
        %mul3A_761 = arith.constant 8.000000e+00 : f32
        %mul3A_762 = vector.broadcast %mul3A_761 : f32 to vector<16xf32>
        %mul3A_763 = arith.mulf %get3A_760, %mul3A_762 : vector<16xf32>
        %swap3A_764 = arith.index_cast %add3A_744 : i32 to index
        %swap3A_765 = arith.constant 16 : index
        %swap3A_766 = tpu.vector_load %arg7[%swap3A_764, %swap3A_765] {strides = array<i32>} : memref<512x64xf32, #tpu.memory_space<vmem>>, vector<1x16xf32>,
        %swap3A_767 = vector.shape_cast %swap3A_766 : vector<1x16xf32> to vector<16xf32>
        %swap3A_768 = vector.shape_cast %mul3A_763 : vector<16xf32> to vector<1x16xf32>
        tpu.vector_store %arg7[%swap3A_764, %swap3A_765], %swap3A_768 {strides = array<i32>} : memref<512x64xf32, #tpu.memory_space<vmem>>, vector<1x16xf32>,
        %get3A_769 = arith.index_cast %add3A_744 : i32 to index
        %get3A_770 = arith.constant 32 : index
        %get3A_771 = tpu.vector_load %arg7[%get3A_769, %get3A_770] {strides = array<i32>} : memref<512x64xf32, #tpu.memory_space<vmem>>, vector<1x16xf32>,
        %get3A_772 = vector.shape_cast %get3A_771 : vector<1x16xf32> to vector<16xf32>
        %mul3A_773 = arith.constant 8.000000e+00 : f32
        %mul3A_774 = vector.broadcast %mul3A_773 : f32 to vector<16xf32>
        %mul3A_775 = arith.mulf %get3A_772, %mul3A_774 : vector<16xf32>
        %swap3A_776 = arith.index_cast %add3A_744 : i32 to index
        %swap3A_777 = arith.constant 32 : index
        %swap3A_778 = tpu.vector_load %arg7[%swap3A_776, %swap3A_777] {strides = array<i32>} : memref<512x64xf32, #tpu.memory_space<vmem>>, vector<1x16xf32>,
        %swap3A_779 = vector.shape_cast %swap3A_778 : vector<1x16xf32> to vector<16xf32>
        %swap3A_780 = vector.shape_cast %mul3A_775 : vector<16xf32> to vector<1x16xf32>
        tpu.vector_store %arg7[%swap3A_776, %swap3A_777], %swap3A_780 {strides = array<i32>} : memref<512x64xf32, #tpu.memory_space<vmem>>, vector<1x16xf32>,
        %get3A_781 = arith.index_cast %add3A_744 : i32 to index
        %get3A_782 = arith.constant 48 : index
        %get3A_783 = tpu.vector_load %arg7[%get3A_781, %get3A_782] {strides = array<i32>} : memref<512x64xf32, #tpu.memory_space<vmem>>, vector<1x16xf32>,
        %get3A_784 = vector.shape_cast %get3A_783 : vector<1x16xf32> to vector<16xf32>
        %mul3A_785 = arith.constant 8.000000e+00 : f32
        %mul3A_786 = vector.broadcast %mul3A_785 : f32 to vector<16xf32>
        %mul3A_787 = arith.mulf %get3A_784, %mul3A_786 : vector<16xf32>
        %swap3A_788 = arith.index_cast %add3A_744 : i32 to index
        %swap3A_789 = arith.constant 48 : index
        %swap3A_790 = tpu.vector_load %arg7[%swap3A_788, %swap3A_789] {strides = array<i32>} : memref<512x64xf32, #tpu.memory_space<vmem>>, vector<1x16xf32>,
        %swap3A_791 = vector.shape_cast %swap3A_790 : vector<1x16xf32> to vector<16xf32>
        %swap3A_792 = vector.shape_cast %mul3A_787 : vector<16xf32> to vector<1x16xf32>
        tpu.vector_store %arg7[%swap3A_788, %swap3A_789], %swap3A_792 {strides = array<i32>} : memref<512x64xf32, #tpu.memory_space<vmem>>, vector<1x16xf32>,
      }
      %scan3A_212 = arith.constant 512 : i32
      %add3A_213 = arith.constant 0 : i32
      %add3A_214 = arith.addi %add3A_175, %add3A_213 : i32
      %mul3A_215 = arith.constant 512 : i32
      %mul3A_216 = arith.muli %add3A_214, %mul3A_215 : i32
      %add3A_217 = arith.addi %mul3A_2, %mul3A_216 : i32
      %dma_start3A_218 = arith.constant 0 : i32
      %dma_start3A_219 = tpu.memref_slice %arg4[%add3A_217, %dma_start3A_218] : memref<819200x64xf32, #tpu.memory_space<hbm>> -> memref<512x64xf32, #tpu.memory_space<hbm>>
      %dma_start3A_220 = arith.constant 0 : i32
      %dma_start3A_221 = tpu.memref_slice %arg4[%add3A_217, %dma_start3A_220] : memref<819200x64xf32, #tpu.memory_space<hbm>> -> memref<512x64xf32, #tpu.memory_space<hbm>>
      tpu.enqueue_dma source(%arg7 : memref<512x64xf32, #tpu.memory_space<vmem>>) target(%dma_start3A_221 : memref<512x64xf32, #tpu.memory_space<hbm>>) target_semaphore(%arg11 : memref<!tpu.dma_semaphore, #tpu.memory_space<semaphore_mem>>)
      %dma_wait3A_222 = arith.constant 0 : i32
      %dma_wait3A_223 = arith.constant 0 : i32
      %dma_wait3A_224 = tpu.memref_slice %arg8[%dma_wait3A_222, %dma_wait3A_223] : memref<512x64xf32, #tpu.memory_space<vmem>> -> memref<128x64xf32, #tpu.memory_space<vmem>>
      %dma_wait3A_225 = arith.constant 0 : i32
      %dma_wait3A_226 = tpu.memref_slice %arg6[%dma_wait3A_225] : memref<512xi32, #tpu.memory_space<vmem>> -> memref<128xi32, #tpu.memory_space<vmem>>
      %dma_wait3A_227 = arith.constant 0 : i32
      %dma_wait3A_228 = arith.constant 0 : i32
      %dma_wait3A_229 = tpu.memref_slice %arg2[%dma_wait3A_227, %dma_wait3A_228] : memref<1000000x64xf32, #tpu.memory_space<hbm>> -> memref<1000000x64xf32, #tpu.memory_space<hbm>>
      tpu.wait_indirect_dma semaphore(%arg10 : memref<!tpu.dma_semaphore, #tpu.memory_space<semaphore_mem>>) src(%dma_wait3A_229 : memref<1000000x64xf32, #tpu.memory_space<hbm>>) dst(%dma_wait3A_224 : memref<128x64xf32, #tpu.memory_space<vmem>>)
      %dma_wait3A_230 = arith.constant 128 : i32
      %dma_wait3A_231 = arith.constant 0 : i32
      %dma_wait3A_232 = tpu.memref_slice %arg8[%dma_wait3A_230, %dma_wait3A_231] : memref<512x64xf32, #tpu.memory_space<vmem>> -> memref<128x64xf32, #tpu.memory_space<vmem>>
      %dma_wait3A_233 = arith.constant 128 : i32
      %dma_wait3A_234 = tpu.memref_slice %arg6[%dma_wait3A_233] : memref<512xi32, #tpu.memory_space<vmem>> -> memref<128xi32, #tpu.memory_space<vmem>>
      %dma_wait3A_235 = arith.constant 0 : i32
      %dma_wait3A_236 = arith.constant 0 : i32
      %dma_wait3A_237 = tpu.memref_slice %arg2[%dma_wait3A_235, %dma_wait3A_236] : memref<1000000x64xf32, #tpu.memory_space<hbm>> -> memref<1000000x64xf32, #tpu.memory_space<hbm>>
      tpu.wait_indirect_dma semaphore(%arg10 : memref<!tpu.dma_semaphore, #tpu.memory_space<semaphore_mem>>) src(%dma_wait3A_237 : memref<1000000x64xf32, #tpu.memory_space<hbm>>) dst(%dma_wait3A_232 : memref<128x64xf32, #tpu.memory_space<vmem>>)
      %dma_wait3A_238 = arith.constant 256 : i32
      %dma_wait3A_239 = arith.constant 0 : i32
      %dma_wait3A_240 = tpu.memref_slice %arg8[%dma_wait3A_238, %dma_wait3A_239] : memref<512x64xf32, #tpu.memory_space<vmem>> -> memref<128x64xf32, #tpu.memory_space<vmem>>
      %dma_wait3A_241 = arith.constant 256 : i32
      %dma_wait3A_242 = tpu.memref_slice %arg6[%dma_wait3A_241] : memref<512xi32, #tpu.memory_space<vmem>> -> memref<128xi32, #tpu.memory_space<vmem>>
      %dma_wait3A_243 = arith.constant 0 : i32
      %dma_wait3A_244 = arith.constant 0 : i32
      %dma_wait3A_245 = tpu.memref_slice %arg2[%dma_wait3A_243, %dma_wait3A_244] : memref<1000000x64xf32, #tpu.memory_space<hbm>> -> memref<1000000x64xf32, #tpu.memory_space<hbm>>
      tpu.wait_indirect_dma semaphore(%arg10 : memref<!tpu.dma_semaphore, #tpu.memory_space<semaphore_mem>>) src(%dma_wait3A_245 : memref<1000000x64xf32, #tpu.memory_space<hbm>>) dst(%dma_wait3A_240 : memref<128x64xf32, #tpu.memory_space<vmem>>)
      %dma_wait3A_246 = arith.constant 384 : i32
      %dma_wait3A_247 = arith.constant 0 : i32
      %dma_wait3A_248 = tpu.memref_slice %arg8[%dma_wait3A_246, %dma_wait3A_247] : memref<512x64xf32, #tpu.memory_space<vmem>> -> memref<128x64xf32, #tpu.memory_space<vmem>>
      %dma_wait3A_249 = arith.constant 384 : i32
      %dma_wait3A_250 = tpu.memref_slice %arg6[%dma_wait3A_249] : memref<512xi32, #tpu.memory_space<vmem>> -> memref<128xi32, #tpu.memory_space<vmem>>
      %dma_wait3A_251 = arith.constant 0 : i32
      %dma_wait3A_252 = arith.constant 0 : i32
      %dma_wait3A_253 = tpu.memref_slice %arg2[%dma_wait3A_251, %dma_wait3A_252] : memref<1000000x64xf32, #tpu.memory_space<hbm>> -> memref<1000000x64xf32, #tpu.memory_space<hbm>>
      tpu.wait_indirect_dma semaphore(%arg10 : memref<!tpu.dma_semaphore, #tpu.memory_space<semaphore_mem>>) src(%dma_wait3A_253 : memref<1000000x64xf32, #tpu.memory_space<hbm>>) dst(%dma_wait3A_248 : memref<128x64xf32, #tpu.memory_space<vmem>>)
      %scan3A_254 = arith.constant 0 : i32
      %scan3A_255 = arith.constant 512 : i32
      %scan3A_256 = arith.addi %scan3A_254, %scan3A_255 : i32
      %scan3A_257 = arith.constant 8 : i32
      scf.for %scan3A_364 = %scan3A_254 to %scan3A_256 step %scan3A_257  : i32 {
        %mul3A_365 = arith.constant 1 : i32
        %mul3A_366 = arith.muli %scan3A_364, %mul3A_365 : i32
        %add3A_367 = arith.constant 0 : i32
        %add3A_368 = arith.addi %add3A_367, %mul3A_366 : i32
        %get3A = arith.index_cast %add3A_368 : i32 to index
        %get3A_369 = arith.constant 0 : index
        %get3A_370 = tpu.vector_load %arg8[%get3A, %get3A_369] {strides = array<i32>} : memref<512x64xf32, #tpu.memory_space<vmem>>, vector<1x16xf32>,
        %get3A_371 = vector.shape_cast %get3A_370 : vector<1x16xf32> to vector<16xf32>
        %mul3A_372 = arith.constant 8.000000e+00 : f32
        %mul3A_373 = vector.broadcast %mul3A_372 : f32 to vector<16xf32>
        %mul3A_374 = arith.mulf %get3A_371, %mul3A_373 : vector<16xf32>
        %swap3A = arith.index_cast %add3A_368 : i32 to index
        %swap3A_375 = arith.constant 0 : index
        %swap3A_376 = tpu.vector_load %arg8[%swap3A, %swap3A_375] {strides = array<i32>} : memref<512x64xf32, #tpu.memory_space<vmem>>, vector<1x16xf32>,
        %swap3A_377 = vector.shape_cast %swap3A_376 : vector<1x16xf32> to vector<16xf32>
        %swap3A_378 = vector.shape_cast %mul3A_374 : vector<16xf32> to vector<1x16xf32>
        tpu.vector_store %arg8[%swap3A, %swap3A_375], %swap3A_378 {strides = array<i32>} : memref<512x64xf32, #tpu.memory_space<vmem>>, vector<1x16xf32>,
        %get3A_379 = arith.index_cast %add3A_368 : i32 to index
        %get3A_380 = arith.constant 16 : index
        %get3A_381 = tpu.vector_load %arg8[%get3A_379, %get3A_380] {strides = array<i32>} : memref<512x64xf32, #tpu.memory_space<vmem>>, vector<1x16xf32>,
        %get3A_382 = vector.shape_cast %get3A_381 : vector<1x16xf32> to vector<16xf32>
        %mul3A_383 = arith.constant 8.000000e+00 : f32
        %mul3A_384 = vector.broadcast %mul3A_383 : f32 to vector<16xf32>
        %mul3A_385 = arith.mulf %get3A_382, %mul3A_384 : vector<16xf32>
        %swap3A_386 = arith.index_cast %add3A_368 : i32 to index
        %swap3A_387 = arith.constant 16 : index
        %swap3A_388 = tpu.vector_load %arg8[%swap3A_386, %swap3A_387] {strides = array<i32>} : memref<512x64xf32, #tpu.memory_space<vmem>>, vector<1x16xf32>,
        %swap3A_389 = vector.shape_cast %swap3A_388 : vector<1x16xf32> to vector<16xf32>
        %swap3A_390 = vector.shape_cast %mul3A_385 : vector<16xf32> to vector<1x16xf32>
        tpu.vector_store %arg8[%swap3A_386, %swap3A_387], %swap3A_390 {strides = array<i32>} : memref<512x64xf32, #tpu.memory_space<vmem>>, vector<1x16xf32>,
        %get3A_391 = arith.index_cast %add3A_368 : i32 to index
        %get3A_392 = arith.constant 32 : index
        %get3A_393 = tpu.vector_load %arg8[%get3A_391, %get3A_392] {strides = array<i32>} : memref<512x64xf32, #tpu.memory_space<vmem>>, vector<1x16xf32>,
        %get3A_394 = vector.shape_cast %get3A_393 : vector<1x16xf32> to vector<16xf32>
        %mul3A_395 = arith.constant 8.000000e+00 : f32
        %mul3A_396 = vector.broadcast %mul3A_395 : f32 to vector<16xf32>
        %mul3A_397 = arith.mulf %get3A_394, %mul3A_396 : vector<16xf32>
        %swap3A_398 = arith.index_cast %add3A_368 : i32 to index
        %swap3A_399 = arith.constant 32 : index
        %swap3A_400 = tpu.vector_load %arg8[%swap3A_398, %swap3A_399] {strides = array<i32>} : memref<512x64xf32, #tpu.memory_space<vmem>>, vector<1x16xf32>,
        %swap3A_401 = vector.shape_cast %swap3A_400 : vector<1x16xf32> to vector<16xf32>
        %swap3A_402 = vector.shape_cast %mul3A_397 : vector<16xf32> to vector<1x16xf32>
        tpu.vector_store %arg8[%swap3A_398, %swap3A_399], %swap3A_402 {strides = array<i32>} : memref<512x64xf32, #tpu.memory_space<vmem>>, vector<1x16xf32>,
        %get3A_403 = arith.index_cast %add3A_368 : i32 to index
        %get3A_404 = arith.constant 48 : index
        %get3A_405 = tpu.vector_load %arg8[%get3A_403, %get3A_404] {strides = array<i32>} : memref<512x64xf32, #tpu.memory_space<vmem>>, vector<1x16xf32>,
        %get3A_406 = vector.shape_cast %get3A_405 : vector<1x16xf32> to vector<16xf32>
        %mul3A_407 = arith.constant 8.000000e+00 : f32
        %mul3A_408 = vector.broadcast %mul3A_407 : f32 to vector<16xf32>
        %mul3A_409 = arith.mulf %get3A_406, %mul3A_408 : vector<16xf32>
        %swap3A_410 = arith.index_cast %add3A_368 : i32 to index
        %swap3A_411 = arith.constant 48 : index
        %swap3A_412 = tpu.vector_load %arg8[%swap3A_410, %swap3A_411] {strides = array<i32>} : memref<512x64xf32, #tpu.memory_space<vmem>>, vector<1x16xf32>,
        %swap3A_413 = vector.shape_cast %swap3A_412 : vector<1x16xf32> to vector<16xf32>
        %swap3A_414 = vector.shape_cast %mul3A_409 : vector<16xf32> to vector<1x16xf32>
        tpu.vector_store %arg8[%swap3A_410, %swap3A_411], %swap3A_414 {strides = array<i32>} : memref<512x64xf32, #tpu.memory_space<vmem>>, vector<1x16xf32>,
        %scan3A_415 = arith.constant 1 : i32
        %scan3A_416 = arith.addi %scan3A_364, %scan3A_415 : i32
        %mul3A_417 = arith.constant 1 : i32
        %mul3A_418 = arith.muli %scan3A_416, %mul3A_417 : i32
        %add3A_419 = arith.constant 0 : i32
        %add3A_420 = arith.addi %add3A_419, %mul3A_418 : i32
        %get3A_421 = arith.index_cast %add3A_420 : i32 to index
        %get3A_422 = arith.constant 0 : index
        %get3A_423 = tpu.vector_load %arg8[%get3A_421, %get3A_422] {strides = array<i32>} : memref<512x64xf32, #tpu.memory_space<vmem>>, vector<1x16xf32>,
        %get3A_424 = vector.shape_cast %get3A_423 : vector<1x16xf32> to vector<16xf32>
        %mul3A_425 = arith.constant 8.000000e+00 : f32
        %mul3A_426 = vector.broadcast %mul3A_425 : f32 to vector<16xf32>
        %mul3A_427 = arith.mulf %get3A_424, %mul3A_426 : vector<16xf32>
        %swap3A_428 = arith.index_cast %add3A_420 : i32 to index
        %swap3A_429 = arith.constant 0 : index
        %swap3A_430 = tpu.vector_load %arg8[%swap3A_428, %swap3A_429] {strides = array<i32>} : memref<512x64xf32, #tpu.memory_space<vmem>>, vector<1x16xf32>,
        %swap3A_431 = vector.shape_cast %swap3A_430 : vector<1x16xf32> to vector<16xf32>
        %swap3A_432 = vector.shape_cast %mul3A_427 : vector<16xf32> to vector<1x16xf32>
        tpu.vector_store %arg8[%swap3A_428, %swap3A_429], %swap3A_432 {strides = array<i32>} : memref<512x64xf32, #tpu.memory_space<vmem>>, vector<1x16xf32>,
        %get3A_433 = arith.index_cast %add3A_420 : i32 to index
        %get3A_434 = arith.constant 16 : index
        %get3A_435 = tpu.vector_load %arg8[%get3A_433, %get3A_434] {strides = array<i32>} : memref<512x64xf32, #tpu.memory_space<vmem>>, vector<1x16xf32>,
        %get3A_436 = vector.shape_cast %get3A_435 : vector<1x16xf32> to vector<16xf32>
        %mul3A_437 = arith.constant 8.000000e+00 : f32
        %mul3A_438 = vector.broadcast %mul3A_437 : f32 to vector<16xf32>
        %mul3A_439 = arith.mulf %get3A_436, %mul3A_438 : vector<16xf32>
        %swap3A_440 = arith.index_cast %add3A_420 : i32 to index
        %swap3A_441 = arith.constant 16 : index
        %swap3A_442 = tpu.vector_load %arg8[%swap3A_440, %swap3A_441] {strides = array<i32>} : memref<512x64xf32, #tpu.memory_space<vmem>>, vector<1x16xf32>,
        %swap3A_443 = vector.shape_cast %swap3A_442 : vector<1x16xf32> to vector<16xf32>
        %swap3A_444 = vector.shape_cast %mul3A_439 : vector<16xf32> to vector<1x16xf32>
        tpu.vector_store %arg8[%swap3A_440, %swap3A_441], %swap3A_444 {strides = array<i32>} : memref<512x64xf32, #tpu.memory_space<vmem>>, vector<1x16xf32>,
        %get3A_445 = arith.index_cast %add3A_420 : i32 to index
        %get3A_446 = arith.constant 32 : index
        %get3A_447 = tpu.vector_load %arg8[%get3A_445, %get3A_446] {strides = array<i32>} : memref<512x64xf32, #tpu.memory_space<vmem>>, vector<1x16xf32>,
        %get3A_448 = vector.shape_cast %get3A_447 : vector<1x16xf32> to vector<16xf32>
        %mul3A_449 = arith.constant 8.000000e+00 : f32
        %mul3A_450 = vector.broadcast %mul3A_449 : f32 to vector<16xf32>
        %mul3A_451 = arith.mulf %get3A_448, %mul3A_450 : vector<16xf32>
        %swap3A_452 = arith.index_cast %add3A_420 : i32 to index
        %swap3A_453 = arith.constant 32 : index
        %swap3A_454 = tpu.vector_load %arg8[%swap3A_452, %swap3A_453] {strides = array<i32>} : memref<512x64xf32, #tpu.memory_space<vmem>>, vector<1x16xf32>,
        %swap3A_455 = vector.shape_cast %swap3A_454 : vector<1x16xf32> to vector<16xf32>
        %swap3A_456 = vector.shape_cast %mul3A_451 : vector<16xf32> to vector<1x16xf32>
        tpu.vector_store %arg8[%swap3A_452, %swap3A_453], %swap3A_456 {strides = array<i32>} : memref<512x64xf32, #tpu.memory_space<vmem>>, vector<1x16xf32>,
        %get3A_457 = arith.index_cast %add3A_420 : i32 to index
        %get3A_458 = arith.constant 48 : index
        %get3A_459 = tpu.vector_load %arg8[%get3A_457, %get3A_458] {strides = array<i32>} : memref<512x64xf32, #tpu.memory_space<vmem>>, vector<1x16xf32>,
        %get3A_460 = vector.shape_cast %get3A_459 : vector<1x16xf32> to vector<16xf32>
        %mul3A_461 = arith.constant 8.000000e+00 : f32
        %mul3A_462 = vector.broadcast %mul3A_461 : f32 to vector<16xf32>
        %mul3A_463 = arith.mulf %get3A_460, %mul3A_462 : vector<16xf32>
        %swap3A_464 = arith.index_cast %add3A_420 : i32 to index
        %swap3A_465 = arith.constant 48 : index
        %swap3A_466 = tpu.vector_load %arg8[%swap3A_464, %swap3A_465] {strides = array<i32>} : memref<512x64xf32, #tpu.memory_space<vmem>>, vector<1x16xf32>,
        %swap3A_467 = vector.shape_cast %swap3A_466 : vector<1x16xf32> to vector<16xf32>
        %swap3A_468 = vector.shape_cast %mul3A_463 : vector<16xf32> to vector<1x16xf32>
        tpu.vector_store %arg8[%swap3A_464, %swap3A_465], %swap3A_468 {strides = array<i32>} : memref<512x64xf32, #tpu.memory_space<vmem>>, vector<1x16xf32>,
        %scan3A_469 = arith.constant 2 : i32
        %scan3A_470 = arith.addi %scan3A_364, %scan3A_469 : i32
        %mul3A_471 = arith.constant 1 : i32
        %mul3A_472 = arith.muli %scan3A_470, %mul3A_471 : i32
        %add3A_473 = arith.constant 0 : i32
        %add3A_474 = arith.addi %add3A_473, %mul3A_472 : i32
        %get3A_475 = arith.index_cast %add3A_474 : i32 to index
        %get3A_476 = arith.constant 0 : index
        %get3A_477 = tpu.vector_load %arg8[%get3A_475, %get3A_476] {strides = array<i32>} : memref<512x64xf32, #tpu.memory_space<vmem>>, vector<1x16xf32>,
        %get3A_478 = vector.shape_cast %get3A_477 : vector<1x16xf32> to vector<16xf32>
        %mul3A_479 = arith.constant 8.000000e+00 : f32
        %mul3A_480 = vector.broadcast %mul3A_479 : f32 to vector<16xf32>
        %mul3A_481 = arith.mulf %get3A_478, %mul3A_480 : vector<16xf32>
        %swap3A_482 = arith.index_cast %add3A_474 : i32 to index
        %swap3A_483 = arith.constant 0 : index
        %swap3A_484 = tpu.vector_load %arg8[%swap3A_482, %swap3A_483] {strides = array<i32>} : memref<512x64xf32, #tpu.memory_space<vmem>>, vector<1x16xf32>,
        %swap3A_485 = vector.shape_cast %swap3A_484 : vector<1x16xf32> to vector<16xf32>
        %swap3A_486 = vector.shape_cast %mul3A_481 : vector<16xf32> to vector<1x16xf32>
        tpu.vector_store %arg8[%swap3A_482, %swap3A_483], %swap3A_486 {strides = array<i32>} : memref<512x64xf32, #tpu.memory_space<vmem>>, vector<1x16xf32>,
        %get3A_487 = arith.index_cast %add3A_474 : i32 to index
        %get3A_488 = arith.constant 16 : index
        %get3A_489 = tpu.vector_load %arg8[%get3A_487, %get3A_488] {strides = array<i32>} : memref<512x64xf32, #tpu.memory_space<vmem>>, vector<1x16xf32>,
        %get3A_490 = vector.shape_cast %get3A_489 : vector<1x16xf32> to vector<16xf32>
        %mul3A_491 = arith.constant 8.000000e+00 : f32
        %mul3A_492 = vector.broadcast %mul3A_491 : f32 to vector<16xf32>
        %mul3A_493 = arith.mulf %get3A_490, %mul3A_492 : vector<16xf32>
        %swap3A_494 = arith.index_cast %add3A_474 : i32 to index
        %swap3A_495 = arith.constant 16 : index
        %swap3A_496 = tpu.vector_load %arg8[%swap3A_494, %swap3A_495] {strides = array<i32>} : memref<512x64xf32, #tpu.memory_space<vmem>>, vector<1x16xf32>,
        %swap3A_497 = vector.shape_cast %swap3A_496 : vector<1x16xf32> to vector<16xf32>
        %swap3A_498 = vector.shape_cast %mul3A_493 : vector<16xf32> to vector<1x16xf32>
        tpu.vector_store %arg8[%swap3A_494, %swap3A_495], %swap3A_498 {strides = array<i32>} : memref<512x64xf32, #tpu.memory_space<vmem>>, vector<1x16xf32>,
        %get3A_499 = arith.index_cast %add3A_474 : i32 to index
        %get3A_500 = arith.constant 32 : index
        %get3A_501 = tpu.vector_load %arg8[%get3A_499, %get3A_500] {strides = array<i32>} : memref<512x64xf32, #tpu.memory_space<vmem>>, vector<1x16xf32>,
        %get3A_502 = vector.shape_cast %get3A_501 : vector<1x16xf32> to vector<16xf32>
        %mul3A_503 = arith.constant 8.000000e+00 : f32
        %mul3A_504 = vector.broadcast %mul3A_503 : f32 to vector<16xf32>
        %mul3A_505 = arith.mulf %get3A_502, %mul3A_504 : vector<16xf32>
        %swap3A_506 = arith.index_cast %add3A_474 : i32 to index
        %swap3A_507 = arith.constant 32 : index
        %swap3A_508 = tpu.vector_load %arg8[%swap3A_506, %swap3A_507] {strides = array<i32>} : memref<512x64xf32, #tpu.memory_space<vmem>>, vector<1x16xf32>,
        %swap3A_509 = vector.shape_cast %swap3A_508 : vector<1x16xf32> to vector<16xf32>
        %swap3A_510 = vector.shape_cast %mul3A_505 : vector<16xf32> to vector<1x16xf32>
        tpu.vector_store %arg8[%swap3A_506, %swap3A_507], %swap3A_510 {strides = array<i32>} : memref<512x64xf32, #tpu.memory_space<vmem>>, vector<1x16xf32>,
        %get3A_511 = arith.index_cast %add3A_474 : i32 to index
        %get3A_512 = arith.constant 48 : index
        %get3A_513 = tpu.vector_load %arg8[%get3A_511, %get3A_512] {strides = array<i32>} : memref<512x64xf32, #tpu.memory_space<vmem>>, vector<1x16xf32>,
        %get3A_514 = vector.shape_cast %get3A_513 : vector<1x16xf32> to vector<16xf32>
        %mul3A_515 = arith.constant 8.000000e+00 : f32
        %mul3A_516 = vector.broadcast %mul3A_515 : f32 to vector<16xf32>
        %mul3A_517 = arith.mulf %get3A_514, %mul3A_516 : vector<16xf32>
        %swap3A_518 = arith.index_cast %add3A_474 : i32 to index
        %swap3A_519 = arith.constant 48 : index
        %swap3A_520 = tpu.vector_load %arg8[%swap3A_518, %swap3A_519] {strides = array<i32>} : memref<512x64xf32, #tpu.memory_space<vmem>>, vector<1x16xf32>,
        %swap3A_521 = vector.shape_cast %swap3A_520 : vector<1x16xf32> to vector<16xf32>
        %swap3A_522 = vector.shape_cast %mul3A_517 : vector<16xf32> to vector<1x16xf32>
        tpu.vector_store %arg8[%swap3A_518, %swap3A_519], %swap3A_522 {strides = array<i32>} : memref<512x64xf32, #tpu.memory_space<vmem>>, vector<1x16xf32>,
        %scan3A_523 = arith.constant 3 : i32
        %scan3A_524 = arith.addi %scan3A_364, %scan3A_523 : i32
        %mul3A_525 = arith.constant 1 : i32
        %mul3A_526 = arith.muli %scan3A_524, %mul3A_525 : i32
        %add3A_527 = arith.constant 0 : i32
        %add3A_528 = arith.addi %add3A_527, %mul3A_526 : i32
        %get3A_529 = arith.index_cast %add3A_528 : i32 to index
        %get3A_530 = arith.constant 0 : index
        %get3A_531 = tpu.vector_load %arg8[%get3A_529, %get3A_530] {strides = array<i32>} : memref<512x64xf32, #tpu.memory_space<vmem>>, vector<1x16xf32>,
        %get3A_532 = vector.shape_cast %get3A_531 : vector<1x16xf32> to vector<16xf32>
        %mul3A_533 = arith.constant 8.000000e+00 : f32
        %mul3A_534 = vector.broadcast %mul3A_533 : f32 to vector<16xf32>
        %mul3A_535 = arith.mulf %get3A_532, %mul3A_534 : vector<16xf32>
        %swap3A_536 = arith.index_cast %add3A_528 : i32 to index
        %swap3A_537 = arith.constant 0 : index
        %swap3A_538 = tpu.vector_load %arg8[%swap3A_536, %swap3A_537] {strides = array<i32>} : memref<512x64xf32, #tpu.memory_space<vmem>>, vector<1x16xf32>,
        %swap3A_539 = vector.shape_cast %swap3A_538 : vector<1x16xf32> to vector<16xf32>
        %swap3A_540 = vector.shape_cast %mul3A_535 : vector<16xf32> to vector<1x16xf32>
        tpu.vector_store %arg8[%swap3A_536, %swap3A_537], %swap3A_540 {strides = array<i32>} : memref<512x64xf32, #tpu.memory_space<vmem>>, vector<1x16xf32>,
        %get3A_541 = arith.index_cast %add3A_528 : i32 to index
        %get3A_542 = arith.constant 16 : index
        %get3A_543 = tpu.vector_load %arg8[%get3A_541, %get3A_542] {strides = array<i32>} : memref<512x64xf32, #tpu.memory_space<vmem>>, vector<1x16xf32>,
        %get3A_544 = vector.shape_cast %get3A_543 : vector<1x16xf32> to vector<16xf32>
        %mul3A_545 = arith.constant 8.000000e+00 : f32
        %mul3A_546 = vector.broadcast %mul3A_545 : f32 to vector<16xf32>
        %mul3A_547 = arith.mulf %get3A_544, %mul3A_546 : vector<16xf32>
        %swap3A_548 = arith.index_cast %add3A_528 : i32 to index
        %swap3A_549 = arith.constant 16 : index
        %swap3A_550 = tpu.vector_load %arg8[%swap3A_548, %swap3A_549] {strides = array<i32>} : memref<512x64xf32, #tpu.memory_space<vmem>>, vector<1x16xf32>,
        %swap3A_551 = vector.shape_cast %swap3A_550 : vector<1x16xf32> to vector<16xf32>
        %swap3A_552 = vector.shape_cast %mul3A_547 : vector<16xf32> to vector<1x16xf32>
        tpu.vector_store %arg8[%swap3A_548, %swap3A_549], %swap3A_552 {strides = array<i32>} : memref<512x64xf32, #tpu.memory_space<vmem>>, vector<1x16xf32>,
        %get3A_553 = arith.index_cast %add3A_528 : i32 to index
        %get3A_554 = arith.constant 32 : index
        %get3A_555 = tpu.vector_load %arg8[%get3A_553, %get3A_554] {strides = array<i32>} : memref<512x64xf32, #tpu.memory_space<vmem>>, vector<1x16xf32>,
        %get3A_556 = vector.shape_cast %get3A_555 : vector<1x16xf32> to vector<16xf32>
        %mul3A_557 = arith.constant 8.000000e+00 : f32
        %mul3A_558 = vector.broadcast %mul3A_557 : f32 to vector<16xf32>
        %mul3A_559 = arith.mulf %get3A_556, %mul3A_558 : vector<16xf32>
        %swap3A_560 = arith.index_cast %add3A_528 : i32 to index
        %swap3A_561 = arith.constant 32 : index
        %swap3A_562 = tpu.vector_load %arg8[%swap3A_560, %swap3A_561] {strides = array<i32>} : memref<512x64xf32, #tpu.memory_space<vmem>>, vector<1x16xf32>,
        %swap3A_563 = vector.shape_cast %swap3A_562 : vector<1x16xf32> to vector<16xf32>
        %swap3A_564 = vector.shape_cast %mul3A_559 : vector<16xf32> to vector<1x16xf32>
        tpu.vector_store %arg8[%swap3A_560, %swap3A_561], %swap3A_564 {strides = array<i32>} : memref<512x64xf32, #tpu.memory_space<vmem>>, vector<1x16xf32>,
        %get3A_565 = arith.index_cast %add3A_528 : i32 to index
        %get3A_566 = arith.constant 48 : index
        %get3A_567 = tpu.vector_load %arg8[%get3A_565, %get3A_566] {strides = array<i32>} : memref<512x64xf32, #tpu.memory_space<vmem>>, vector<1x16xf32>,
        %get3A_568 = vector.shape_cast %get3A_567 : vector<1x16xf32> to vector<16xf32>
        %mul3A_569 = arith.constant 8.000000e+00 : f32
        %mul3A_570 = vector.broadcast %mul3A_569 : f32 to vector<16xf32>
        %mul3A_571 = arith.mulf %get3A_568, %mul3A_570 : vector<16xf32>
        %swap3A_572 = arith.index_cast %add3A_528 : i32 to index
        %swap3A_573 = arith.constant 48 : index
        %swap3A_574 = tpu.vector_load %arg8[%swap3A_572, %swap3A_573] {strides = array<i32>} : memref<512x64xf32, #tpu.memory_space<vmem>>, vector<1x16xf32>,
        %swap3A_575 = vector.shape_cast %swap3A_574 : vector<1x16xf32> to vector<16xf32>
        %swap3A_576 = vector.shape_cast %mul3A_571 : vector<16xf32> to vector<1x16xf32>
        tpu.vector_store %arg8[%swap3A_572, %swap3A_573], %swap3A_576 {strides = array<i32>} : memref<512x64xf32, #tpu.memory_space<vmem>>, vector<1x16xf32>,
        %scan3A_577 = arith.constant 4 : i32
        %scan3A_578 = arith.addi %scan3A_364, %scan3A_577 : i32
        %mul3A_579 = arith.constant 1 : i32
        %mul3A_580 = arith.muli %scan3A_578, %mul3A_579 : i32
        %add3A_581 = arith.constant 0 : i32
        %add3A_582 = arith.addi %add3A_581, %mul3A_580 : i32
        %get3A_583 = arith.index_cast %add3A_582 : i32 to index
        %get3A_584 = arith.constant 0 : index
        %get3A_585 = tpu.vector_load %arg8[%get3A_583, %get3A_584] {strides = array<i32>} : memref<512x64xf32, #tpu.memory_space<vmem>>, vector<1x16xf32>,
        %get3A_586 = vector.shape_cast %get3A_585 : vector<1x16xf32> to vector<16xf32>
        %mul3A_587 = arith.constant 8.000000e+00 : f32
        %mul3A_588 = vector.broadcast %mul3A_587 : f32 to vector<16xf32>
        %mul3A_589 = arith.mulf %get3A_586, %mul3A_588 : vector<16xf32>
        %swap3A_590 = arith.index_cast %add3A_582 : i32 to index
        %swap3A_591 = arith.constant 0 : index
        %swap3A_592 = tpu.vector_load %arg8[%swap3A_590, %swap3A_591] {strides = array<i32>} : memref<512x64xf32, #tpu.memory_space<vmem>>, vector<1x16xf32>,
        %swap3A_593 = vector.shape_cast %swap3A_592 : vector<1x16xf32> to vector<16xf32>
        %swap3A_594 = vector.shape_cast %mul3A_589 : vector<16xf32> to vector<1x16xf32>
        tpu.vector_store %arg8[%swap3A_590, %swap3A_591], %swap3A_594 {strides = array<i32>} : memref<512x64xf32, #tpu.memory_space<vmem>>, vector<1x16xf32>,
        %get3A_595 = arith.index_cast %add3A_582 : i32 to index
        %get3A_596 = arith.constant 16 : index
        %get3A_597 = tpu.vector_load %arg8[%get3A_595, %get3A_596] {strides = array<i32>} : memref<512x64xf32, #tpu.memory_space<vmem>>, vector<1x16xf32>,
        %get3A_598 = vector.shape_cast %get3A_597 : vector<1x16xf32> to vector<16xf32>
        %mul3A_599 = arith.constant 8.000000e+00 : f32
        %mul3A_600 = vector.broadcast %mul3A_599 : f32 to vector<16xf32>
        %mul3A_601 = arith.mulf %get3A_598, %mul3A_600 : vector<16xf32>
        %swap3A_602 = arith.index_cast %add3A_582 : i32 to index
        %swap3A_603 = arith.constant 16 : index
        %swap3A_604 = tpu.vector_load %arg8[%swap3A_602, %swap3A_603] {strides = array<i32>} : memref<512x64xf32, #tpu.memory_space<vmem>>, vector<1x16xf32>,
        %swap3A_605 = vector.shape_cast %swap3A_604 : vector<1x16xf32> to vector<16xf32>
        %swap3A_606 = vector.shape_cast %mul3A_601 : vector<16xf32> to vector<1x16xf32>
        tpu.vector_store %arg8[%swap3A_602, %swap3A_603], %swap3A_606 {strides = array<i32>} : memref<512x64xf32, #tpu.memory_space<vmem>>, vector<1x16xf32>,
        %get3A_607 = arith.index_cast %add3A_582 : i32 to index
        %get3A_608 = arith.constant 32 : index
        %get3A_609 = tpu.vector_load %arg8[%get3A_607, %get3A_608] {strides = array<i32>} : memref<512x64xf32, #tpu.memory_space<vmem>>, vector<1x16xf32>,
        %get3A_610 = vector.shape_cast %get3A_609 : vector<1x16xf32> to vector<16xf32>
        %mul3A_611 = arith.constant 8.000000e+00 : f32
        %mul3A_612 = vector.broadcast %mul3A_611 : f32 to vector<16xf32>
        %mul3A_613 = arith.mulf %get3A_610, %mul3A_612 : vector<16xf32>
        %swap3A_614 = arith.index_cast %add3A_582 : i32 to index
        %swap3A_615 = arith.constant 32 : index
        %swap3A_616 = tpu.vector_load %arg8[%swap3A_614, %swap3A_615] {strides = array<i32>} : memref<512x64xf32, #tpu.memory_space<vmem>>, vector<1x16xf32>,
        %swap3A_617 = vector.shape_cast %swap3A_616 : vector<1x16xf32> to vector<16xf32>
        %swap3A_618 = vector.shape_cast %mul3A_613 : vector<16xf32> to vector<1x16xf32>
        tpu.vector_store %arg8[%swap3A_614, %swap3A_615], %swap3A_618 {strides = array<i32>} : memref<512x64xf32, #tpu.memory_space<vmem>>, vector<1x16xf32>,
        %get3A_619 = arith.index_cast %add3A_582 : i32 to index
        %get3A_620 = arith.constant 48 : index
        %get3A_621 = tpu.vector_load %arg8[%get3A_619, %get3A_620] {strides = array<i32>} : memref<512x64xf32, #tpu.memory_space<vmem>>, vector<1x16xf32>,
        %get3A_622 = vector.shape_cast %get3A_621 : vector<1x16xf32> to vector<16xf32>
        %mul3A_623 = arith.constant 8.000000e+00 : f32
        %mul3A_624 = vector.broadcast %mul3A_623 : f32 to vector<16xf32>
        %mul3A_625 = arith.mulf %get3A_622, %mul3A_624 : vector<16xf32>
        %swap3A_626 = arith.index_cast %add3A_582 : i32 to index
        %swap3A_627 = arith.constant 48 : index
        %swap3A_628 = tpu.vector_load %arg8[%swap3A_626, %swap3A_627] {strides = array<i32>} : memref<512x64xf32, #tpu.memory_space<vmem>>, vector<1x16xf32>,
        %swap3A_629 = vector.shape_cast %swap3A_628 : vector<1x16xf32> to vector<16xf32>
        %swap3A_630 = vector.shape_cast %mul3A_625 : vector<16xf32> to vector<1x16xf32>
        tpu.vector_store %arg8[%swap3A_626, %swap3A_627], %swap3A_630 {strides = array<i32>} : memref<512x64xf32, #tpu.memory_space<vmem>>, vector<1x16xf32>,
        %scan3A_631 = arith.constant 5 : i32
        %scan3A_632 = arith.addi %scan3A_364, %scan3A_631 : i32
        %mul3A_633 = arith.constant 1 : i32
        %mul3A_634 = arith.muli %scan3A_632, %mul3A_633 : i32
        %add3A_635 = arith.constant 0 : i32
        %add3A_636 = arith.addi %add3A_635, %mul3A_634 : i32
        %get3A_637 = arith.index_cast %add3A_636 : i32 to index
        %get3A_638 = arith.constant 0 : index
        %get3A_639 = tpu.vector_load %arg8[%get3A_637, %get3A_638] {strides = array<i32>} : memref<512x64xf32, #tpu.memory_space<vmem>>, vector<1x16xf32>,
        %get3A_640 = vector.shape_cast %get3A_639 : vector<1x16xf32> to vector<16xf32>
        %mul3A_641 = arith.constant 8.000000e+00 : f32
        %mul3A_642 = vector.broadcast %mul3A_641 : f32 to vector<16xf32>
        %mul3A_643 = arith.mulf %get3A_640, %mul3A_642 : vector<16xf32>
        %swap3A_644 = arith.index_cast %add3A_636 : i32 to index
        %swap3A_645 = arith.constant 0 : index
        %swap3A_646 = tpu.vector_load %arg8[%swap3A_644, %swap3A_645] {strides = array<i32>} : memref<512x64xf32, #tpu.memory_space<vmem>>, vector<1x16xf32>,
        %swap3A_647 = vector.shape_cast %swap3A_646 : vector<1x16xf32> to vector<16xf32>
        %swap3A_648 = vector.shape_cast %mul3A_643 : vector<16xf32> to vector<1x16xf32>
        tpu.vector_store %arg8[%swap3A_644, %swap3A_645], %swap3A_648 {strides = array<i32>} : memref<512x64xf32, #tpu.memory_space<vmem>>, vector<1x16xf32>,
        %get3A_649 = arith.index_cast %add3A_636 : i32 to index
        %get3A_650 = arith.constant 16 : index
        %get3A_651 = tpu.vector_load %arg8[%get3A_649, %get3A_650] {strides = array<i32>} : memref<512x64xf32, #tpu.memory_space<vmem>>, vector<1x16xf32>,
        %get3A_652 = vector.shape_cast %get3A_651 : vector<1x16xf32> to vector<16xf32>
        %mul3A_653 = arith.constant 8.000000e+00 : f32
        %mul3A_654 = vector.broadcast %mul3A_653 : f32 to vector<16xf32>
        %mul3A_655 = arith.mulf %get3A_652, %mul3A_654 : vector<16xf32>
        %swap3A_656 = arith.index_cast %add3A_636 : i32 to index
        %swap3A_657 = arith.constant 16 : index
        %swap3A_658 = tpu.vector_load %arg8[%swap3A_656, %swap3A_657] {strides = array<i32>} : memref<512x64xf32, #tpu.memory_space<vmem>>, vector<1x16xf32>,
        %swap3A_659 = vector.shape_cast %swap3A_658 : vector<1x16xf32> to vector<16xf32>
        %swap3A_660 = vector.shape_cast %mul3A_655 : vector<16xf32> to vector<1x16xf32>
        tpu.vector_store %arg8[%swap3A_656, %swap3A_657], %swap3A_660 {strides = array<i32>} : memref<512x64xf32, #tpu.memory_space<vmem>>, vector<1x16xf32>,
        %get3A_661 = arith.index_cast %add3A_636 : i32 to index
        %get3A_662 = arith.constant 32 : index
        %get3A_663 = tpu.vector_load %arg8[%get3A_661, %get3A_662] {strides = array<i32>} : memref<512x64xf32, #tpu.memory_space<vmem>>, vector<1x16xf32>,
        %get3A_664 = vector.shape_cast %get3A_663 : vector<1x16xf32> to vector<16xf32>
        %mul3A_665 = arith.constant 8.000000e+00 : f32
        %mul3A_666 = vector.broadcast %mul3A_665 : f32 to vector<16xf32>
        %mul3A_667 = arith.mulf %get3A_664, %mul3A_666 : vector<16xf32>
        %swap3A_668 = arith.index_cast %add3A_636 : i32 to index
        %swap3A_669 = arith.constant 32 : index
        %swap3A_670 = tpu.vector_load %arg8[%swap3A_668, %swap3A_669] {strides = array<i32>} : memref<512x64xf32, #tpu.memory_space<vmem>>, vector<1x16xf32>,
        %swap3A_671 = vector.shape_cast %swap3A_670 : vector<1x16xf32> to vector<16xf32>
        %swap3A_672 = vector.shape_cast %mul3A_667 : vector<16xf32> to vector<1x16xf32>
        tpu.vector_store %arg8[%swap3A_668, %swap3A_669], %swap3A_672 {strides = array<i32>} : memref<512x64xf32, #tpu.memory_space<vmem>>, vector<1x16xf32>,
        %get3A_673 = arith.index_cast %add3A_636 : i32 to index
        %get3A_674 = arith.constant 48 : index
        %get3A_675 = tpu.vector_load %arg8[%get3A_673, %get3A_674] {strides = array<i32>} : memref<512x64xf32, #tpu.memory_space<vmem>>, vector<1x16xf32>,
        %get3A_676 = vector.shape_cast %get3A_675 : vector<1x16xf32> to vector<16xf32>
        %mul3A_677 = arith.constant 8.000000e+00 : f32
        %mul3A_678 = vector.broadcast %mul3A_677 : f32 to vector<16xf32>
        %mul3A_679 = arith.mulf %get3A_676, %mul3A_678 : vector<16xf32>
        %swap3A_680 = arith.index_cast %add3A_636 : i32 to index
        %swap3A_681 = arith.constant 48 : index
        %swap3A_682 = tpu.vector_load %arg8[%swap3A_680, %swap3A_681] {strides = array<i32>} : memref<512x64xf32, #tpu.memory_space<vmem>>, vector<1x16xf32>,
        %swap3A_683 = vector.shape_cast %swap3A_682 : vector<1x16xf32> to vector<16xf32>
        %swap3A_684 = vector.shape_cast %mul3A_679 : vector<16xf32> to vector<1x16xf32>
        tpu.vector_store %arg8[%swap3A_680, %swap3A_681], %swap3A_684 {strides = array<i32>} : memref<512x64xf32, #tpu.memory_space<vmem>>, vector<1x16xf32>,
        %scan3A_685 = arith.constant 6 : i32
        %scan3A_686 = arith.addi %scan3A_364, %scan3A_685 : i32
        %mul3A_687 = arith.constant 1 : i32
        %mul3A_688 = arith.muli %scan3A_686, %mul3A_687 : i32
        %add3A_689 = arith.constant 0 : i32
        %add3A_690 = arith.addi %add3A_689, %mul3A_688 : i32
        %get3A_691 = arith.index_cast %add3A_690 : i32 to index
        %get3A_692 = arith.constant 0 : index
        %get3A_693 = tpu.vector_load %arg8[%get3A_691, %get3A_692] {strides = array<i32>} : memref<512x64xf32, #tpu.memory_space<vmem>>, vector<1x16xf32>,
        %get3A_694 = vector.shape_cast %get3A_693 : vector<1x16xf32> to vector<16xf32>
        %mul3A_695 = arith.constant 8.000000e+00 : f32
        %mul3A_696 = vector.broadcast %mul3A_695 : f32 to vector<16xf32>
        %mul3A_697 = arith.mulf %get3A_694, %mul3A_696 : vector<16xf32>
        %swap3A_698 = arith.index_cast %add3A_690 : i32 to index
        %swap3A_699 = arith.constant 0 : index
        %swap3A_700 = tpu.vector_load %arg8[%swap3A_698, %swap3A_699] {strides = array<i32>} : memref<512x64xf32, #tpu.memory_space<vmem>>, vector<1x16xf32>,
        %swap3A_701 = vector.shape_cast %swap3A_700 : vector<1x16xf32> to vector<16xf32>
        %swap3A_702 = vector.shape_cast %mul3A_697 : vector<16xf32> to vector<1x16xf32>
        tpu.vector_store %arg8[%swap3A_698, %swap3A_699], %swap3A_702 {strides = array<i32>} : memref<512x64xf32, #tpu.memory_space<vmem>>, vector<1x16xf32>,
        %get3A_703 = arith.index_cast %add3A_690 : i32 to index
        %get3A_704 = arith.constant 16 : index
        %get3A_705 = tpu.vector_load %arg8[%get3A_703, %get3A_704] {strides = array<i32>} : memref<512x64xf32, #tpu.memory_space<vmem>>, vector<1x16xf32>,
        %get3A_706 = vector.shape_cast %get3A_705 : vector<1x16xf32> to vector<16xf32>
        %mul3A_707 = arith.constant 8.000000e+00 : f32
        %mul3A_708 = vector.broadcast %mul3A_707 : f32 to vector<16xf32>
        %mul3A_709 = arith.mulf %get3A_706, %mul3A_708 : vector<16xf32>
        %swap3A_710 = arith.index_cast %add3A_690 : i32 to index
        %swap3A_711 = arith.constant 16 : index
        %swap3A_712 = tpu.vector_load %arg8[%swap3A_710, %swap3A_711] {strides = array<i32>} : memref<512x64xf32, #tpu.memory_space<vmem>>, vector<1x16xf32>,
        %swap3A_713 = vector.shape_cast %swap3A_712 : vector<1x16xf32> to vector<16xf32>
        %swap3A_714 = vector.shape_cast %mul3A_709 : vector<16xf32> to vector<1x16xf32>
        tpu.vector_store %arg8[%swap3A_710, %swap3A_711], %swap3A_714 {strides = array<i32>} : memref<512x64xf32, #tpu.memory_space<vmem>>, vector<1x16xf32>,
        %get3A_715 = arith.index_cast %add3A_690 : i32 to index
        %get3A_716 = arith.constant 32 : index
        %get3A_717 = tpu.vector_load %arg8[%get3A_715, %get3A_716] {strides = array<i32>} : memref<512x64xf32, #tpu.memory_space<vmem>>, vector<1x16xf32>,
        %get3A_718 = vector.shape_cast %get3A_717 : vector<1x16xf32> to vector<16xf32>
        %mul3A_719 = arith.constant 8.000000e+00 : f32
        %mul3A_720 = vector.broadcast %mul3A_719 : f32 to vector<16xf32>
        %mul3A_721 = arith.mulf %get3A_718, %mul3A_720 : vector<16xf32>
        %swap3A_722 = arith.index_cast %add3A_690 : i32 to index
        %swap3A_723 = arith.constant 32 : index
        %swap3A_724 = tpu.vector_load %arg8[%swap3A_722, %swap3A_723] {strides = array<i32>} : memref<512x64xf32, #tpu.memory_space<vmem>>, vector<1x16xf32>,
        %swap3A_725 = vector.shape_cast %swap3A_724 : vector<1x16xf32> to vector<16xf32>
        %swap3A_726 = vector.shape_cast %mul3A_721 : vector<16xf32> to vector<1x16xf32>
        tpu.vector_store %arg8[%swap3A_722, %swap3A_723], %swap3A_726 {strides = array<i32>} : memref<512x64xf32, #tpu.memory_space<vmem>>, vector<1x16xf32>,
        %get3A_727 = arith.index_cast %add3A_690 : i32 to index
        %get3A_728 = arith.constant 48 : index
        %get3A_729 = tpu.vector_load %arg8[%get3A_727, %get3A_728] {strides = array<i32>} : memref<512x64xf32, #tpu.memory_space<vmem>>, vector<1x16xf32>,
        %get3A_730 = vector.shape_cast %get3A_729 : vector<1x16xf32> to vector<16xf32>
        %mul3A_731 = arith.constant 8.000000e+00 : f32
        %mul3A_732 = vector.broadcast %mul3A_731 : f32 to vector<16xf32>
        %mul3A_733 = arith.mulf %get3A_730, %mul3A_732 : vector<16xf32>
        %swap3A_734 = arith.index_cast %add3A_690 : i32 to index
        %swap3A_735 = arith.constant 48 : index
        %swap3A_736 = tpu.vector_load %arg8[%swap3A_734, %swap3A_735] {strides = array<i32>} : memref<512x64xf32, #tpu.memory_space<vmem>>, vector<1x16xf32>,
        %swap3A_737 = vector.shape_cast %swap3A_736 : vector<1x16xf32> to vector<16xf32>
        %swap3A_738 = vector.shape_cast %mul3A_733 : vector<16xf32> to vector<1x16xf32>
        tpu.vector_store %arg8[%swap3A_734, %swap3A_735], %swap3A_738 {strides = array<i32>} : memref<512x64xf32, #tpu.memory_space<vmem>>, vector<1x16xf32>,
        %scan3A_739 = arith.constant 7 : i32
        %scan3A_740 = arith.addi %scan3A_364, %scan3A_739 : i32
        %mul3A_741 = arith.constant 1 : i32
        %mul3A_742 = arith.muli %scan3A_740, %mul3A_741 : i32
        %add3A_743 = arith.constant 0 : i32
        %add3A_744 = arith.addi %add3A_743, %mul3A_742 : i32
        %get3A_745 = arith.index_cast %add3A_744 : i32 to index
        %get3A_746 = arith.constant 0 : index
        %get3A_747 = tpu.vector_load %arg8[%get3A_745, %get3A_746] {strides = array<i32>} : memref<512x64xf32, #tpu.memory_space<vmem>>, vector<1x16xf32>,
        %get3A_748 = vector.shape_cast %get3A_747 : vector<1x16xf32> to vector<16xf32>
        %mul3A_749 = arith.constant 8.000000e+00 : f32
        %mul3A_750 = vector.broadcast %mul3A_749 : f32 to vector<16xf32>
        %mul3A_751 = arith.mulf %get3A_748, %mul3A_750 : vector<16xf32>
        %swap3A_752 = arith.index_cast %add3A_744 : i32 to index
        %swap3A_753 = arith.constant 0 : index
        %swap3A_754 = tpu.vector_load %arg8[%swap3A_752, %swap3A_753] {strides = array<i32>} : memref<512x64xf32, #tpu.memory_space<vmem>>, vector<1x16xf32>,
        %swap3A_755 = vector.shape_cast %swap3A_754 : vector<1x16xf32> to vector<16xf32>
        %swap3A_756 = vector.shape_cast %mul3A_751 : vector<16xf32> to vector<1x16xf32>
        tpu.vector_store %arg8[%swap3A_752, %swap3A_753], %swap3A_756 {strides = array<i32>} : memref<512x64xf32, #tpu.memory_space<vmem>>, vector<1x16xf32>,
        %get3A_757 = arith.index_cast %add3A_744 : i32 to index
        %get3A_758 = arith.constant 16 : index
        %get3A_759 = tpu.vector_load %arg8[%get3A_757, %get3A_758] {strides = array<i32>} : memref<512x64xf32, #tpu.memory_space<vmem>>, vector<1x16xf32>,
        %get3A_760 = vector.shape_cast %get3A_759 : vector<1x16xf32> to vector<16xf32>
        %mul3A_761 = arith.constant 8.000000e+00 : f32
        %mul3A_762 = vector.broadcast %mul3A_761 : f32 to vector<16xf32>
        %mul3A_763 = arith.mulf %get3A_760, %mul3A_762 : vector<16xf32>
        %swap3A_764 = arith.index_cast %add3A_744 : i32 to index
        %swap3A_765 = arith.constant 16 : index
        %swap3A_766 = tpu.vector_load %arg8[%swap3A_764, %swap3A_765] {strides = array<i32>} : memref<512x64xf32, #tpu.memory_space<vmem>>, vector<1x16xf32>,
        %swap3A_767 = vector.shape_cast %swap3A_766 : vector<1x16xf32> to vector<16xf32>
        %swap3A_768 = vector.shape_cast %mul3A_763 : vector<16xf32> to vector<1x16xf32>
        tpu.vector_store %arg8[%swap3A_764, %swap3A_765], %swap3A_768 {strides = array<i32>} : memref<512x64xf32, #tpu.memory_space<vmem>>, vector<1x16xf32>,
        %get3A_769 = arith.index_cast %add3A_744 : i32 to index
        %get3A_770 = arith.constant 32 : index
        %get3A_771 = tpu.vector_load %arg8[%get3A_769, %get3A_770] {strides = array<i32>} : memref<512x64xf32, #tpu.memory_space<vmem>>, vector<1x16xf32>,
        %get3A_772 = vector.shape_cast %get3A_771 : vector<1x16xf32> to vector<16xf32>
        %mul3A_773 = arith.constant 8.000000e+00 : f32
        %mul3A_774 = vector.broadcast %mul3A_773 : f32 to vector<16xf32>
        %mul3A_775 = arith.mulf %get3A_772, %mul3A_774 : vector<16xf32>
        %swap3A_776 = arith.index_cast %add3A_744 : i32 to index
        %swap3A_777 = arith.constant 32 : index
        %swap3A_778 = tpu.vector_load %arg8[%swap3A_776, %swap3A_777] {strides = array<i32>} : memref<512x64xf32, #tpu.memory_space<vmem>>, vector<1x16xf32>,
        %swap3A_779 = vector.shape_cast %swap3A_778 : vector<1x16xf32> to vector<16xf32>
        %swap3A_780 = vector.shape_cast %mul3A_775 : vector<16xf32> to vector<1x16xf32>
        tpu.vector_store %arg8[%swap3A_776, %swap3A_777], %swap3A_780 {strides = array<i32>} : memref<512x64xf32, #tpu.memory_space<vmem>>, vector<1x16xf32>,
        %get3A_781 = arith.index_cast %add3A_744 : i32 to index
        %get3A_782 = arith.constant 48 : index
        %get3A_783 = tpu.vector_load %arg8[%get3A_781, %get3A_782] {strides = array<i32>} : memref<512x64xf32, #tpu.memory_space<vmem>>, vector<1x16xf32>,
        %get3A_784 = vector.shape_cast %get3A_783 : vector<1x16xf32> to vector<16xf32>
        %mul3A_785 = arith.constant 8.000000e+00 : f32
        %mul3A_786 = vector.broadcast %mul3A_785 : f32 to vector<16xf32>
        %mul3A_787 = arith.mulf %get3A_784, %mul3A_786 : vector<16xf32>
        %swap3A_788 = arith.index_cast %add3A_744 : i32 to index
        %swap3A_789 = arith.constant 48 : index
        %swap3A_790 = tpu.vector_load %arg8[%swap3A_788, %swap3A_789] {strides = array<i32>} : memref<512x64xf32, #tpu.memory_space<vmem>>, vector<1x16xf32>,
        %swap3A_791 = vector.shape_cast %swap3A_790 : vector<1x16xf32> to vector<16xf32>
        %swap3A_792 = vector.shape_cast %mul3A_787 : vector<16xf32> to vector<1x16xf32>
        tpu.vector_store %arg8[%swap3A_788, %swap3A_789], %swap3A_792 {strides = array<i32>} : memref<512x64xf32, #tpu.memory_space<vmem>>, vector<1x16xf32>,
      }
      %scan3A_258 = arith.constant 512 : i32
      %add3A_259 = arith.constant 1 : i32
      %add3A_260 = arith.addi %add3A_175, %add3A_259 : i32
      %mul3A_261 = arith.constant 512 : i32
      %mul3A_262 = arith.muli %add3A_260, %mul3A_261 : i32
      %add3A_263 = arith.addi %mul3A_2, %mul3A_262 : i32
      %dma_start3A_264 = arith.constant 0 : i32
      %dma_start3A_265 = tpu.memref_slice %arg4[%add3A_263, %dma_start3A_264] : memref<819200x64xf32, #tpu.memory_space<hbm>> -> memref<512x64xf32, #tpu.memory_space<hbm>>
      %dma_start3A_266 = arith.constant 0 : i32
      %dma_start3A_267 = tpu.memref_slice %arg4[%add3A_263, %dma_start3A_266] : memref<819200x64xf32, #tpu.memory_space<hbm>> -> memref<512x64xf32, #tpu.memory_space<hbm>>
      tpu.enqueue_dma source(%arg8 : memref<512x64xf32, #tpu.memory_space<vmem>>) target(%dma_start3A_267 : memref<512x64xf32, #tpu.memory_space<hbm>>) target_semaphore(%arg12 : memref<!tpu.dma_semaphore, #tpu.memory_space<semaphore_mem>>)
      %add3A_268 = arith.constant 0 : i32
      %add3A_269 = arith.addi %add3A_175, %add3A_268 : i32
      %mul3A_270 = arith.constant 512 : i32
      %mul3A_271 = arith.muli %add3A_269, %mul3A_270 : i32
      %add3A_272 = arith.addi %mul3A_2, %mul3A_271 : i32
      %dma_wait3A_273 = arith.constant 0 : i32
      %dma_wait3A_274 = tpu.memref_slice %arg4[%add3A_272, %dma_wait3A_273] : memref<819200x64xf32, #tpu.memory_space<hbm>> -> memref<512x64xf32, #tpu.memory_space<hbm>>
      %dma_wait3A_275 = arith.constant 0 : i32
      %dma_wait3A_276 = tpu.memref_slice %arg4[%add3A_272, %dma_wait3A_275] : memref<819200x64xf32, #tpu.memory_space<hbm>> -> memref<512x64xf32, #tpu.memory_space<hbm>>
      tpu.wait_dma2 semaphore(%arg11 : memref<!tpu.dma_semaphore, #tpu.memory_space<semaphore_mem>>) src(%arg7 : memref<512x64xf32, #tpu.memory_space<vmem>>) dst(%dma_wait3A_276 : memref<512x64xf32, #tpu.memory_space<hbm>>)
      %add3A_277 = arith.constant 0 : i32
      %add3A_278 = arith.addi %add3A_175, %add3A_277 : i32
      %add3A_279 = arith.constant 2 : i32
      %add3A_280 = arith.addi %add3A_278, %add3A_279 : i32
      %mul3A_281 = arith.constant 512 : i32
      %mul3A_282 = arith.muli %add3A_280, %mul3A_281 : i32
      %add3A_283 = arith.addi %mul3A_2, %mul3A_282 : i32
      "tpu.region"() ({
        %run_scoped3A = tpu.sem_alloc : memref<!tpu.dma_semaphore, #tpu.memory_space<semaphore_mem>>
        %dma_start3A_364 = tpu.memref_slice %arg3[%add3A_283] : memref<819200xi32, #tpu.memory_space<hbm>> -> memref<512xi32, #tpu.memory_space<hbm>>
        %dma_start3A_365 = tpu.memref_slice %arg3[%add3A_283] : memref<819200xi32, #tpu.memory_space<hbm>> -> memref<512xi32, #tpu.memory_space<hbm>>
        tpu.enqueue_dma source(%dma_start3A_365 : memref<512xi32, #tpu.memory_space<hbm>>) target(%arg5 : memref<512xi32, #tpu.memory_space<vmem>>) target_semaphore(%run_scoped3A : memref<!tpu.dma_semaphore, #tpu.memory_space<semaphore_mem>>)
        %dma_wait3A_366 = tpu.memref_slice %arg3[%add3A_283] : memref<819200xi32, #tpu.memory_space<hbm>> -> memref<512xi32, #tpu.memory_space<hbm>>
        %dma_wait3A_367 = tpu.memref_slice %arg3[%add3A_283] : memref<819200xi32, #tpu.memory_space<hbm>> -> memref<512xi32, #tpu.memory_space<hbm>>
        tpu.wait_dma2 semaphore(%run_scoped3A : memref<!tpu.dma_semaphore, #tpu.memory_space<semaphore_mem>>) src(%dma_wait3A_367 : memref<512xi32, #tpu.memory_space<hbm>>) dst(%arg5 : memref<512xi32, #tpu.memory_space<vmem>>)
        tpu.yield
      }) : () -> ()
      %dma_start3A_284 = arith.constant 0 : i32
      %dma_start3A_285 = arith.constant 0 : i32
      %dma_start3A_286 = tpu.memref_slice %arg7[%dma_start3A_284, %dma_start3A_285] : memref<512x64xf32, #tpu.memory_space<vmem>> -> memref<128x64xf32, #tpu.memory_space<vmem>>
      %dma_start3A_287 = arith.constant 0 : i32
      %dma_start3A_288 = tpu.memref_slice %arg5[%dma_start3A_287] : memref<512xi32, #tpu.memory_space<vmem>> -> memref<128xi32, #tpu.memory_space<vmem>>
      %dma_start3A_289 = arith.constant 0 : i32
      %dma_start3A_290 = arith.constant 0 : i32
      %dma_start3A_291 = tpu.memref_slice %arg2[%dma_start3A_289, %dma_start3A_290] : memref<1000000x64xf32, #tpu.memory_space<hbm>> -> memref<1000000x64xf32, #tpu.memory_space<hbm>>
      tpu.enqueue_indirect_dma source(%dma_start3A_291 : memref<1000000x64xf32, #tpu.memory_space<hbm>>) target(%dma_start3A_286 : memref<128x64xf32, #tpu.memory_space<vmem>>) offsets(%dma_start3A_288 : memref<128xi32, #tpu.memory_space<vmem>>) semaphore(%arg9 : memref<!tpu.dma_semaphore, #tpu.memory_space<semaphore_mem>>)
      %dma_start3A_292 = arith.constant 128 : i32
      %dma_start3A_293 = arith.constant 0 : i32
      %dma_start3A_294 = tpu.memref_slice %arg7[%dma_start3A_292, %dma_start3A_293] : memref<512x64xf32, #tpu.memory_space<vmem>> -> memref<128x64xf32, #tpu.memory_space<vmem>>
      %dma_start3A_295 = arith.constant 128 : i32
      %dma_start3A_296 = tpu.memref_slice %arg5[%dma_start3A_295] : memref<512xi32, #tpu.memory_space<vmem>> -> memref<128xi32, #tpu.memory_space<vmem>>
      %dma_start3A_297 = arith.constant 0 : i32
      %dma_start3A_298 = arith.constant 0 : i32
      %dma_start3A_299 = tpu.memref_slice %arg2[%dma_start3A_297, %dma_start3A_298] : memref<1000000x64xf32, #tpu.memory_space<hbm>> -> memref<1000000x64xf32, #tpu.memory_space<hbm>>
      tpu.enqueue_indirect_dma source(%dma_start3A_299 : memref<1000000x64xf32, #tpu.memory_space<hbm>>) target(%dma_start3A_294 : memref<128x64xf32, #tpu.memory_space<vmem>>) offsets(%dma_start3A_296 : memref<128xi32, #tpu.memory_space<vmem>>) semaphore(%arg9 : memref<!tpu.dma_semaphore, #tpu.memory_space<semaphore_mem>>)
      %dma_start3A_300 = arith.constant 256 : i32
      %dma_start3A_301 = arith.constant 0 : i32
      %dma_start3A_302 = tpu.memref_slice %arg7[%dma_start3A_300, %dma_start3A_301] : memref<512x64xf32, #tpu.memory_space<vmem>> -> memref<128x64xf32, #tpu.memory_space<vmem>>
      %dma_start3A_303 = arith.constant 256 : i32
      %dma_start3A_304 = tpu.memref_slice %arg5[%dma_start3A_303] : memref<512xi32, #tpu.memory_space<vmem>> -> memref<128xi32, #tpu.memory_space<vmem>>
      %dma_start3A_305 = arith.constant 0 : i32
      %dma_start3A_306 = arith.constant 0 : i32
      %dma_start3A_307 = tpu.memref_slice %arg2[%dma_start3A_305, %dma_start3A_306] : memref<1000000x64xf32, #tpu.memory_space<hbm>> -> memref<1000000x64xf32, #tpu.memory_space<hbm>>
      tpu.enqueue_indirect_dma source(%dma_start3A_307 : memref<1000000x64xf32, #tpu.memory_space<hbm>>) target(%dma_start3A_302 : memref<128x64xf32, #tpu.memory_space<vmem>>) offsets(%dma_start3A_304 : memref<128xi32, #tpu.memory_space<vmem>>) semaphore(%arg9 : memref<!tpu.dma_semaphore, #tpu.memory_space<semaphore_mem>>)
      %dma_start3A_308 = arith.constant 384 : i32
      %dma_start3A_309 = arith.constant 0 : i32
      %dma_start3A_310 = tpu.memref_slice %arg7[%dma_start3A_308, %dma_start3A_309] : memref<512x64xf32, #tpu.memory_space<vmem>> -> memref<128x64xf32, #tpu.memory_space<vmem>>
      %dma_start3A_311 = arith.constant 384 : i32
      %dma_start3A_312 = tpu.memref_slice %arg5[%dma_start3A_311] : memref<512xi32, #tpu.memory_space<vmem>> -> memref<128xi32, #tpu.memory_space<vmem>>
      %dma_start3A_313 = arith.constant 0 : i32
      %dma_start3A_314 = arith.constant 0 : i32
      %dma_start3A_315 = tpu.memref_slice %arg2[%dma_start3A_313, %dma_start3A_314] : memref<1000000x64xf32, #tpu.memory_space<hbm>> -> memref<1000000x64xf32, #tpu.memory_space<hbm>>
      tpu.enqueue_indirect_dma source(%dma_start3A_315 : memref<1000000x64xf32, #tpu.memory_space<hbm>>) target(%dma_start3A_310 : memref<128x64xf32, #tpu.memory_space<vmem>>) offsets(%dma_start3A_312 : memref<128xi32, #tpu.memory_space<vmem>>) semaphore(%arg9 : memref<!tpu.dma_semaphore, #tpu.memory_space<semaphore_mem>>)
      %add3A_316 = arith.constant 1 : i32
      %add3A_317 = arith.addi %add3A_175, %add3A_316 : i32
      %mul3A_318 = arith.constant 512 : i32
      %mul3A_319 = arith.muli %add3A_317, %mul3A_318 : i32
      %add3A_320 = arith.addi %mul3A_2, %mul3A_319 : i32
      %dma_wait3A_321 = arith.constant 0 : i32
      %dma_wait3A_322 = tpu.memref_slice %arg4[%add3A_320, %dma_wait3A_321] : memref<819200x64xf32, #tpu.memory_space<hbm>> -> memref<512x64xf32, #tpu.memory_space<hbm>>
      %dma_wait3A_323 = arith.constant 0 : i32
      %dma_wait3A_324 = tpu.memref_slice %arg4[%add3A_320, %dma_wait3A_323] : memref<819200x64xf32, #tpu.memory_space<hbm>> -> memref<512x64xf32, #tpu.memory_space<hbm>>
      tpu.wait_dma2 semaphore(%arg12 : memref<!tpu.dma_semaphore, #tpu.memory_space<semaphore_mem>>) src(%arg8 : memref<512x64xf32, #tpu.memory_space<vmem>>) dst(%dma_wait3A_324 : memref<512x64xf32, #tpu.memory_space<hbm>>)
      %add3A_325 = arith.constant 1 : i32
      %add3A_326 = arith.addi %add3A_175, %add3A_325 : i32
      %add3A_327 = arith.constant 2 : i32
      %add3A_328 = arith.addi %add3A_326, %add3A_327 : i32
      %mul3A_329 = arith.constant 512 : i32
      %mul3A_330 = arith.muli %add3A_328, %mul3A_329 : i32
      %add3A_331 = arith.addi %mul3A_2, %mul3A_330 : i32
      "tpu.region"() ({
        %run_scoped3A = tpu.sem_alloc : memref<!tpu.dma_semaphore, #tpu.memory_space<semaphore_mem>>
        %dma_start3A_364 = tpu.memref_slice %arg3[%add3A_331] : memref<819200xi32, #tpu.memory_space<hbm>> -> memref<512xi32, #tpu.memory_space<hbm>>
        %dma_start3A_365 = tpu.memref_slice %arg3[%add3A_331] : memref<819200xi32, #tpu.memory_space<hbm>> -> memref<512xi32, #tpu.memory_space<hbm>>
        tpu.enqueue_dma source(%dma_start3A_365 : memref<512xi32, #tpu.memory_space<hbm>>) target(%arg6 : memref<512xi32, #tpu.memory_space<vmem>>) target_semaphore(%run_scoped3A : memref<!tpu.dma_semaphore, #tpu.memory_space<semaphore_mem>>)
        %dma_wait3A_366 = tpu.memref_slice %arg3[%add3A_331] : memref<819200xi32, #tpu.memory_space<hbm>> -> memref<512xi32, #tpu.memory_space<hbm>>
        %dma_wait3A_367 = tpu.memref_slice %arg3[%add3A_331] : memref<819200xi32, #tpu.memory_space<hbm>> -> memref<512xi32, #tpu.memory_space<hbm>>
        tpu.wait_dma2 semaphore(%run_scoped3A : memref<!tpu.dma_semaphore, #tpu.memory_space<semaphore_mem>>) src(%dma_wait3A_367 : memref<512xi32, #tpu.memory_space<hbm>>) dst(%arg6 : memref<512xi32, #tpu.memory_space<vmem>>)
        tpu.yield
      }) : () -> ()
      %dma_start3A_332 = arith.constant 0 : i32
      %dma_start3A_333 = arith.constant 0 : i32
      %dma_start3A_334 = tpu.memref_slice %arg8[%dma_start3A_332, %dma_start3A_333] : memref<512x64xf32, #tpu.memory_space<vmem>> -> memref<128x64xf32, #tpu.memory_space<vmem>>
      %dma_start3A_335 = arith.constant 0 : i32
      %dma_start3A_336 = tpu.memref_slice %arg6[%dma_start3A_335] : memref<512xi32, #tpu.memory_space<vmem>> -> memref<128xi32, #tpu.memory_space<vmem>>
      %dma_start3A_337 = arith.constant 0 : i32
      %dma_start3A_338 = arith.constant 0 : i32
      %dma_start3A_339 = tpu.memref_slice %arg2[%dma_start3A_337, %dma_start3A_338] : memref<1000000x64xf32, #tpu.memory_space<hbm>> -> memref<1000000x64xf32, #tpu.memory_space<hbm>>
      tpu.enqueue_indirect_dma source(%dma_start3A_339 : memref<1000000x64xf32, #tpu.memory_space<hbm>>) target(%dma_start3A_334 : memref<128x64xf32, #tpu.memory_space<vmem>>) offsets(%dma_start3A_336 : memref<128xi32, #tpu.memory_space<vmem>>) semaphore(%arg10 : memref<!tpu.dma_semaphore, #tpu.memory_space<semaphore_mem>>)
      %dma_start3A_340 = arith.constant 128 : i32
      %dma_start3A_341 = arith.constant 0 : i32
      %dma_start3A_342 = tpu.memref_slice %arg8[%dma_start3A_340, %dma_start3A_341] : memref<512x64xf32, #tpu.memory_space<vmem>> -> memref<128x64xf32, #tpu.memory_space<vmem>>
      %dma_start3A_343 = arith.constant 128 : i32
      %dma_start3A_344 = tpu.memref_slice %arg6[%dma_start3A_343] : memref<512xi32, #tpu.memory_space<vmem>> -> memref<128xi32, #tpu.memory_space<vmem>>
      %dma_start3A_345 = arith.constant 0 : i32
      %dma_start3A_346 = arith.constant 0 : i32
      %dma_start3A_347 = tpu.memref_slice %arg2[%dma_start3A_345, %dma_start3A_346] : memref<1000000x64xf32, #tpu.memory_space<hbm>> -> memref<1000000x64xf32, #tpu.memory_space<hbm>>
      tpu.enqueue_indirect_dma source(%dma_start3A_347 : memref<1000000x64xf32, #tpu.memory_space<hbm>>) target(%dma_start3A_342 : memref<128x64xf32, #tpu.memory_space<vmem>>) offsets(%dma_start3A_344 : memref<128xi32, #tpu.memory_space<vmem>>) semaphore(%arg10 : memref<!tpu.dma_semaphore, #tpu.memory_space<semaphore_mem>>)
      %dma_start3A_348 = arith.constant 256 : i32
      %dma_start3A_349 = arith.constant 0 : i32
      %dma_start3A_350 = tpu.memref_slice %arg8[%dma_start3A_348, %dma_start3A_349] : memref<512x64xf32, #tpu.memory_space<vmem>> -> memref<128x64xf32, #tpu.memory_space<vmem>>
      %dma_start3A_351 = arith.constant 256 : i32
      %dma_start3A_352 = tpu.memref_slice %arg6[%dma_start3A_351] : memref<512xi32, #tpu.memory_space<vmem>> -> memref<128xi32, #tpu.memory_space<vmem>>
      %dma_start3A_353 = arith.constant 0 : i32
      %dma_start3A_354 = arith.constant 0 : i32
      %dma_start3A_355 = tpu.memref_slice %arg2[%dma_start3A_353, %dma_start3A_354] : memref<1000000x64xf32, #tpu.memory_space<hbm>> -> memref<1000000x64xf32, #tpu.memory_space<hbm>>
      tpu.enqueue_indirect_dma source(%dma_start3A_355 : memref<1000000x64xf32, #tpu.memory_space<hbm>>) target(%dma_start3A_350 : memref<128x64xf32, #tpu.memory_space<vmem>>) offsets(%dma_start3A_352 : memref<128xi32, #tpu.memory_space<vmem>>) semaphore(%arg10 : memref<!tpu.dma_semaphore, #tpu.memory_space<semaphore_mem>>)
      %dma_start3A_356 = arith.constant 384 : i32
      %dma_start3A_357 = arith.constant 0 : i32
      %dma_start3A_358 = tpu.memref_slice %arg8[%dma_start3A_356, %dma_start3A_357] : memref<512x64xf32, #tpu.memory_space<vmem>> -> memref<128x64xf32, #tpu.memory_space<vmem>>
      %dma_start3A_359 = arith.constant 384 : i32
      %dma_start3A_360 = tpu.memref_slice %arg6[%dma_start3A_359] : memref<512xi32, #tpu.memory_space<vmem>> -> memref<128xi32, #tpu.memory_space<vmem>>
      %dma_start3A_361 = arith.constant 0 : i32
      %dma_start3A_362 = arith.constant 0 : i32
      %dma_start3A_363 = tpu.memref_slice %arg2[%dma_start3A_361, %dma_start3A_362] : memref<1000000x64xf32, #tpu.memory_space<hbm>> -> memref<1000000x64xf32, #tpu.memory_space<hbm>>
      tpu.enqueue_indirect_dma source(%dma_start3A_363 : memref<1000000x64xf32, #tpu.memory_space<hbm>>) target(%dma_start3A_358 : memref<128x64xf32, #tpu.memory_space<vmem>>) offsets(%dma_start3A_360 : memref<128xi32, #tpu.memory_space<vmem>>) semaphore(%arg10 : memref<!tpu.dma_semaphore, #tpu.memory_space<semaphore_mem>>)
    }
    %scan3A_73 = arith.constant 24 : i32
    %dma_wait3A = arith.constant 0 : i32
    %dma_wait3A_74 = arith.constant 0 : i32
    %dma_wait3A_75 = tpu.memref_slice %arg7[%dma_wait3A, %dma_wait3A_74] : memref<512x64xf32, #tpu.memory_space<vmem>> -> memref<128x64xf32, #tpu.memory_space<vmem>>
    %dma_wait3A_76 = arith.constant 0 : i32
    %dma_wait3A_77 = tpu.memref_slice %arg5[%dma_wait3A_76] : memref<512xi32, #tpu.memory_space<vmem>> -> memref<128xi32, #tpu.memory_space<vmem>>
    %dma_wait3A_78 = arith.constant 0 : i32
    %dma_wait3A_79 = arith.constant 0 : i32
    %dma_wait3A_80 = tpu.memref_slice %arg2[%dma_wait3A_78, %dma_wait3A_79] : memref<1000000x64xf32, #tpu.memory_space<hbm>> -> memref<1000000x64xf32, #tpu.memory_space<hbm>>
    tpu.wait_indirect_dma semaphore(%arg9 : memref<!tpu.dma_semaphore, #tpu.memory_space<semaphore_mem>>) src(%dma_wait3A_80 : memref<1000000x64xf32, #tpu.memory_space<hbm>>) dst(%dma_wait3A_75 : memref<128x64xf32, #tpu.memory_space<vmem>>)
    %dma_wait3A_81 = arith.constant 128 : i32
    %dma_wait3A_82 = arith.constant 0 : i32
    %dma_wait3A_83 = tpu.memref_slice %arg7[%dma_wait3A_81, %dma_wait3A_82] : memref<512x64xf32, #tpu.memory_space<vmem>> -> memref<128x64xf32, #tpu.memory_space<vmem>>
    %dma_wait3A_84 = arith.constant 128 : i32
    %dma_wait3A_85 = tpu.memref_slice %arg5[%dma_wait3A_84] : memref<512xi32, #tpu.memory_space<vmem>> -> memref<128xi32, #tpu.memory_space<vmem>>
    %dma_wait3A_86 = arith.constant 0 : i32
    %dma_wait3A_87 = arith.constant 0 : i32
    %dma_wait3A_88 = tpu.memref_slice %arg2[%dma_wait3A_86, %dma_wait3A_87] : memref<1000000x64xf32, #tpu.memory_space<hbm>> -> memref<1000000x64xf32, #tpu.memory_space<hbm>>
    tpu.wait_indirect_dma semaphore(%arg9 : memref<!tpu.dma_semaphore, #tpu.memory_space<semaphore_mem>>) src(%dma_wait3A_88 : memref<1000000x64xf32, #tpu.memory_space<hbm>>) dst(%dma_wait3A_83 : memref<128x64xf32, #tpu.memory_space<vmem>>)
    %dma_wait3A_89 = arith.constant 256 : i32
    %dma_wait3A_90 = arith.constant 0 : i32
    %dma_wait3A_91 = tpu.memref_slice %arg7[%dma_wait3A_89, %dma_wait3A_90] : memref<512x64xf32, #tpu.memory_space<vmem>> -> memref<128x64xf32, #tpu.memory_space<vmem>>
    %dma_wait3A_92 = arith.constant 256 : i32
    %dma_wait3A_93 = tpu.memref_slice %arg5[%dma_wait3A_92] : memref<512xi32, #tpu.memory_space<vmem>> -> memref<128xi32, #tpu.memory_space<vmem>>
    %dma_wait3A_94 = arith.constant 0 : i32
    %dma_wait3A_95 = arith.constant 0 : i32
    %dma_wait3A_96 = tpu.memref_slice %arg2[%dma_wait3A_94, %dma_wait3A_95] : memref<1000000x64xf32, #tpu.memory_space<hbm>> -> memref<1000000x64xf32, #tpu.memory_space<hbm>>
    tpu.wait_indirect_dma semaphore(%arg9 : memref<!tpu.dma_semaphore, #tpu.memory_space<semaphore_mem>>) src(%dma_wait3A_96 : memref<1000000x64xf32, #tpu.memory_space<hbm>>) dst(%dma_wait3A_91 : memref<128x64xf32, #tpu.memory_space<vmem>>)
    %dma_wait3A_97 = arith.constant 384 : i32
    %dma_wait3A_98 = arith.constant 0 : i32
    %dma_wait3A_99 = tpu.memref_slice %arg7[%dma_wait3A_97, %dma_wait3A_98] : memref<512x64xf32, #tpu.memory_space<vmem>> -> memref<128x64xf32, #tpu.memory_space<vmem>>
    %dma_wait3A_100 = arith.constant 384 : i32
    %dma_wait3A_101 = tpu.memref_slice %arg5[%dma_wait3A_100] : memref<512xi32, #tpu.memory_space<vmem>> -> memref<128xi32, #tpu.memory_space<vmem>>
    %dma_wait3A_102 = arith.constant 0 : i32
    %dma_wait3A_103 = arith.constant 0 : i32
    %dma_wait3A_104 = tpu.memref_slice %arg2[%dma_wait3A_102, %dma_wait3A_103] : memref<1000000x64xf32, #tpu.memory_space<hbm>> -> memref<1000000x64xf32, #tpu.memory_space<hbm>>
    tpu.wait_indirect_dma semaphore(%arg9 : memref<!tpu.dma_semaphore, #tpu.memory_space<semaphore_mem>>) src(%dma_wait3A_104 : memref<1000000x64xf32, #tpu.memory_space<hbm>>) dst(%dma_wait3A_99 : memref<128x64xf32, #tpu.memory_space<vmem>>)
    %scan3A_105 = arith.constant 0 : i32
    %scan3A_106 = arith.constant 512 : i32
    %scan3A_107 = arith.addi %scan3A_105, %scan3A_106 : i32
    %scan3A_108 = arith.constant 8 : i32
    scf.for %scan3A_171 = %scan3A_105 to %scan3A_107 step %scan3A_108  : i32 {
      %mul3A_172 = arith.constant 1 : i32
      %mul3A_173 = arith.muli %scan3A_171, %mul3A_172 : i32
      %add3A_174 = arith.constant 0 : i32
      %add3A_175 = arith.addi %add3A_174, %mul3A_173 : i32
      %get3A = arith.index_cast %add3A_175 : i32 to index
      %get3A_176 = arith.constant 0 : index
      %get3A_177 = tpu.vector_load %arg7[%get3A, %get3A_176] {strides = array<i32>} : memref<512x64xf32, #tpu.memory_space<vmem>>, vector<1x16xf32>,
      %get3A_178 = vector.shape_cast %get3A_177 : vector<1x16xf32> to vector<16xf32>
      %mul3A_179 = arith.constant 8.000000e+00 : f32
      %mul3A_180 = vector.broadcast %mul3A_179 : f32 to vector<16xf32>
      %mul3A_181 = arith.mulf %get3A_178, %mul3A_180 : vector<16xf32>
      %swap3A = arith.index_cast %add3A_175 : i32 to index
      %swap3A_182 = arith.constant 0 : index
      %swap3A_183 = tpu.vector_load %arg7[%swap3A, %swap3A_182] {strides = array<i32>} : memref<512x64xf32, #tpu.memory_space<vmem>>, vector<1x16xf32>,
      %swap3A_184 = vector.shape_cast %swap3A_183 : vector<1x16xf32> to vector<16xf32>
      %swap3A_185 = vector.shape_cast %mul3A_181 : vector<16xf32> to vector<1x16xf32>
      tpu.vector_store %arg7[%swap3A, %swap3A_182], %swap3A_185 {strides = array<i32>} : memref<512x64xf32, #tpu.memory_space<vmem>>, vector<1x16xf32>,
      %get3A_186 = arith.index_cast %add3A_175 : i32 to index
      %get3A_187 = arith.constant 16 : index
      %get3A_188 = tpu.vector_load %arg7[%get3A_186, %get3A_187] {strides = array<i32>} : memref<512x64xf32, #tpu.memory_space<vmem>>, vector<1x16xf32>,
      %get3A_189 = vector.shape_cast %get3A_188 : vector<1x16xf32> to vector<16xf32>
      %mul3A_190 = arith.constant 8.000000e+00 : f32
      %mul3A_191 = vector.broadcast %mul3A_190 : f32 to vector<16xf32>
      %mul3A_192 = arith.mulf %get3A_189, %mul3A_191 : vector<16xf32>
      %swap3A_193 = arith.index_cast %add3A_175 : i32 to index
      %swap3A_194 = arith.constant 16 : index
      %swap3A_195 = tpu.vector_load %arg7[%swap3A_193, %swap3A_194] {strides = array<i32>} : memref<512x64xf32, #tpu.memory_space<vmem>>, vector<1x16xf32>,
      %swap3A_196 = vector.shape_cast %swap3A_195 : vector<1x16xf32> to vector<16xf32>
      %swap3A_197 = vector.shape_cast %mul3A_192 : vector<16xf32> to vector<1x16xf32>
      tpu.vector_store %arg7[%swap3A_193, %swap3A_194], %swap3A_197 {strides = array<i32>} : memref<512x64xf32, #tpu.memory_space<vmem>>, vector<1x16xf32>,
      %get3A_198 = arith.index_cast %add3A_175 : i32 to index
      %get3A_199 = arith.constant 32 : index
      %get3A_200 = tpu.vector_load %arg7[%get3A_198, %get3A_199] {strides = array<i32>} : memref<512x64xf32, #tpu.memory_space<vmem>>, vector<1x16xf32>,
      %get3A_201 = vector.shape_cast %get3A_200 : vector<1x16xf32> to vector<16xf32>
      %mul3A_202 = arith.constant 8.000000e+00 : f32
      %mul3A_203 = vector.broadcast %mul3A_202 : f32 to vector<16xf32>
      %mul3A_204 = arith.mulf %get3A_201, %mul3A_203 : vector<16xf32>
      %swap3A_205 = arith.index_cast %add3A_175 : i32 to index
      %swap3A_206 = arith.constant 32 : index
      %swap3A_207 = tpu.vector_load %arg7[%swap3A_205, %swap3A_206] {strides = array<i32>} : memref<512x64xf32, #tpu.memory_space<vmem>>, vector<1x16xf32>,
      %swap3A_208 = vector.shape_cast %swap3A_207 : vector<1x16xf32> to vector<16xf32>
      %swap3A_209 = vector.shape_cast %mul3A_204 : vector<16xf32> to vector<1x16xf32>
      tpu.vector_store %arg7[%swap3A_205, %swap3A_206], %swap3A_209 {strides = array<i32>} : memref<512x64xf32, #tpu.memory_space<vmem>>, vector<1x16xf32>,
      %get3A_210 = arith.index_cast %add3A_175 : i32 to index
      %get3A_211 = arith.constant 48 : index
      %get3A_212 = tpu.vector_load %arg7[%get3A_210, %get3A_211] {strides = array<i32>} : memref<512x64xf32, #tpu.memory_space<vmem>>, vector<1x16xf32>,
      %get3A_213 = vector.shape_cast %get3A_212 : vector<1x16xf32> to vector<16xf32>
      %mul3A_214 = arith.constant 8.000000e+00 : f32
      %mul3A_215 = vector.broadcast %mul3A_214 : f32 to vector<16xf32>
      %mul3A_216 = arith.mulf %get3A_213, %mul3A_215 : vector<16xf32>
      %swap3A_217 = arith.index_cast %add3A_175 : i32 to index
      %swap3A_218 = arith.constant 48 : index
      %swap3A_219 = tpu.vector_load %arg7[%swap3A_217, %swap3A_218] {strides = array<i32>} : memref<512x64xf32, #tpu.memory_space<vmem>>, vector<1x16xf32>,
      %swap3A_220 = vector.shape_cast %swap3A_219 : vector<1x16xf32> to vector<16xf32>
      %swap3A_221 = vector.shape_cast %mul3A_216 : vector<16xf32> to vector<1x16xf32>
      tpu.vector_store %arg7[%swap3A_217, %swap3A_218], %swap3A_221 {strides = array<i32>} : memref<512x64xf32, #tpu.memory_space<vmem>>, vector<1x16xf32>,
      %scan3A_222 = arith.constant 1 : i32
      %scan3A_223 = arith.addi %scan3A_171, %scan3A_222 : i32
      %mul3A_224 = arith.constant 1 : i32
      %mul3A_225 = arith.muli %scan3A_223, %mul3A_224 : i32
      %add3A_226 = arith.constant 0 : i32
      %add3A_227 = arith.addi %add3A_226, %mul3A_225 : i32
      %get3A_228 = arith.index_cast %add3A_227 : i32 to index
      %get3A_229 = arith.constant 0 : index
      %get3A_230 = tpu.vector_load %arg7[%get3A_228, %get3A_229] {strides = array<i32>} : memref<512x64xf32, #tpu.memory_space<vmem>>, vector<1x16xf32>,
      %get3A_231 = vector.shape_cast %get3A_230 : vector<1x16xf32> to vector<16xf32>
      %mul3A_232 = arith.constant 8.000000e+00 : f32
      %mul3A_233 = vector.broadcast %mul3A_232 : f32 to vector<16xf32>
      %mul3A_234 = arith.mulf %get3A_231, %mul3A_233 : vector<16xf32>
      %swap3A_235 = arith.index_cast %add3A_227 : i32 to index
      %swap3A_236 = arith.constant 0 : index
      %swap3A_237 = tpu.vector_load %arg7[%swap3A_235, %swap3A_236] {strides = array<i32>} : memref<512x64xf32, #tpu.memory_space<vmem>>, vector<1x16xf32>,
      %swap3A_238 = vector.shape_cast %swap3A_237 : vector<1x16xf32> to vector<16xf32>
      %swap3A_239 = vector.shape_cast %mul3A_234 : vector<16xf32> to vector<1x16xf32>
      tpu.vector_store %arg7[%swap3A_235, %swap3A_236], %swap3A_239 {strides = array<i32>} : memref<512x64xf32, #tpu.memory_space<vmem>>, vector<1x16xf32>,
      %get3A_240 = arith.index_cast %add3A_227 : i32 to index
      %get3A_241 = arith.constant 16 : index
      %get3A_242 = tpu.vector_load %arg7[%get3A_240, %get3A_241] {strides = array<i32>} : memref<512x64xf32, #tpu.memory_space<vmem>>, vector<1x16xf32>,
      %get3A_243 = vector.shape_cast %get3A_242 : vector<1x16xf32> to vector<16xf32>
      %mul3A_244 = arith.constant 8.000000e+00 : f32
      %mul3A_245 = vector.broadcast %mul3A_244 : f32 to vector<16xf32>
      %mul3A_246 = arith.mulf %get3A_243, %mul3A_245 : vector<16xf32>
      %swap3A_247 = arith.index_cast %add3A_227 : i32 to index
      %swap3A_248 = arith.constant 16 : index
      %swap3A_249 = tpu.vector_load %arg7[%swap3A_247, %swap3A_248] {strides = array<i32>} : memref<512x64xf32, #tpu.memory_space<vmem>>, vector<1x16xf32>,
      %swap3A_250 = vector.shape_cast %swap3A_249 : vector<1x16xf32> to vector<16xf32>
      %swap3A_251 = vector.shape_cast %mul3A_246 : vector<16xf32> to vector<1x16xf32>
      tpu.vector_store %arg7[%swap3A_247, %swap3A_248], %swap3A_251 {strides = array<i32>} : memref<512x64xf32, #tpu.memory_space<vmem>>, vector<1x16xf32>,
      %get3A_252 = arith.index_cast %add3A_227 : i32 to index
      %get3A_253 = arith.constant 32 : index
      %get3A_254 = tpu.vector_load %arg7[%get3A_252, %get3A_253] {strides = array<i32>} : memref<512x64xf32, #tpu.memory_space<vmem>>, vector<1x16xf32>,
      %get3A_255 = vector.shape_cast %get3A_254 : vector<1x16xf32> to vector<16xf32>
      %mul3A_256 = arith.constant 8.000000e+00 : f32
      %mul3A_257 = vector.broadcast %mul3A_256 : f32 to vector<16xf32>
      %mul3A_258 = arith.mulf %get3A_255, %mul3A_257 : vector<16xf32>
      %swap3A_259 = arith.index_cast %add3A_227 : i32 to index
      %swap3A_260 = arith.constant 32 : index
      %swap3A_261 = tpu.vector_load %arg7[%swap3A_259, %swap3A_260] {strides = array<i32>} : memref<512x64xf32, #tpu.memory_space<vmem>>, vector<1x16xf32>,
      %swap3A_262 = vector.shape_cast %swap3A_261 : vector<1x16xf32> to vector<16xf32>
      %swap3A_263 = vector.shape_cast %mul3A_258 : vector<16xf32> to vector<1x16xf32>
      tpu.vector_store %arg7[%swap3A_259, %swap3A_260], %swap3A_263 {strides = array<i32>} : memref<512x64xf32, #tpu.memory_space<vmem>>, vector<1x16xf32>,
      %get3A_264 = arith.index_cast %add3A_227 : i32 to index
      %get3A_265 = arith.constant 48 : index
      %get3A_266 = tpu.vector_load %arg7[%get3A_264, %get3A_265] {strides = array<i32>} : memref<512x64xf32, #tpu.memory_space<vmem>>, vector<1x16xf32>,
      %get3A_267 = vector.shape_cast %get3A_266 : vector<1x16xf32> to vector<16xf32>
      %mul3A_268 = arith.constant 8.000000e+00 : f32
      %mul3A_269 = vector.broadcast %mul3A_268 : f32 to vector<16xf32>
      %mul3A_270 = arith.mulf %get3A_267, %mul3A_269 : vector<16xf32>
      %swap3A_271 = arith.index_cast %add3A_227 : i32 to index
      %swap3A_272 = arith.constant 48 : index
      %swap3A_273 = tpu.vector_load %arg7[%swap3A_271, %swap3A_272] {strides = array<i32>} : memref<512x64xf32, #tpu.memory_space<vmem>>, vector<1x16xf32>,
      %swap3A_274 = vector.shape_cast %swap3A_273 : vector<1x16xf32> to vector<16xf32>
      %swap3A_275 = vector.shape_cast %mul3A_270 : vector<16xf32> to vector<1x16xf32>
      tpu.vector_store %arg7[%swap3A_271, %swap3A_272], %swap3A_275 {strides = array<i32>} : memref<512x64xf32, #tpu.memory_space<vmem>>, vector<1x16xf32>,
      %scan3A_276 = arith.constant 2 : i32
      %scan3A_277 = arith.addi %scan3A_171, %scan3A_276 : i32
      %mul3A_278 = arith.constant 1 : i32
      %mul3A_279 = arith.muli %scan3A_277, %mul3A_278 : i32
      %add3A_280 = arith.constant 0 : i32
      %add3A_281 = arith.addi %add3A_280, %mul3A_279 : i32
      %get3A_282 = arith.index_cast %add3A_281 : i32 to index
      %get3A_283 = arith.constant 0 : index
      %get3A_284 = tpu.vector_load %arg7[%get3A_282, %get3A_283] {strides = array<i32>} : memref<512x64xf32, #tpu.memory_space<vmem>>, vector<1x16xf32>,
      %get3A_285 = vector.shape_cast %get3A_284 : vector<1x16xf32> to vector<16xf32>
      %mul3A_286 = arith.constant 8.000000e+00 : f32
      %mul3A_287 = vector.broadcast %mul3A_286 : f32 to vector<16xf32>
      %mul3A_288 = arith.mulf %get3A_285, %mul3A_287 : vector<16xf32>
      %swap3A_289 = arith.index_cast %add3A_281 : i32 to index
      %swap3A_290 = arith.constant 0 : index
      %swap3A_291 = tpu.vector_load %arg7[%swap3A_289, %swap3A_290] {strides = array<i32>} : memref<512x64xf32, #tpu.memory_space<vmem>>, vector<1x16xf32>,
      %swap3A_292 = vector.shape_cast %swap3A_291 : vector<1x16xf32> to vector<16xf32>
      %swap3A_293 = vector.shape_cast %mul3A_288 : vector<16xf32> to vector<1x16xf32>
      tpu.vector_store %arg7[%swap3A_289, %swap3A_290], %swap3A_293 {strides = array<i32>} : memref<512x64xf32, #tpu.memory_space<vmem>>, vector<1x16xf32>,
      %get3A_294 = arith.index_cast %add3A_281 : i32 to index
      %get3A_295 = arith.constant 16 : index
      %get3A_296 = tpu.vector_load %arg7[%get3A_294, %get3A_295] {strides = array<i32>} : memref<512x64xf32, #tpu.memory_space<vmem>>, vector<1x16xf32>,
      %get3A_297 = vector.shape_cast %get3A_296 : vector<1x16xf32> to vector<16xf32>
      %mul3A_298 = arith.constant 8.000000e+00 : f32
      %mul3A_299 = vector.broadcast %mul3A_298 : f32 to vector<16xf32>
      %mul3A_300 = arith.mulf %get3A_297, %mul3A_299 : vector<16xf32>
      %swap3A_301 = arith.index_cast %add3A_281 : i32 to index
      %swap3A_302 = arith.constant 16 : index
      %swap3A_303 = tpu.vector_load %arg7[%swap3A_301, %swap3A_302] {strides = array<i32>} : memref<512x64xf32, #tpu.memory_space<vmem>>, vector<1x16xf32>,
      %swap3A_304 = vector.shape_cast %swap3A_303 : vector<1x16xf32> to vector<16xf32>
      %swap3A_305 = vector.shape_cast %mul3A_300 : vector<16xf32> to vector<1x16xf32>
      tpu.vector_store %arg7[%swap3A_301, %swap3A_302], %swap3A_305 {strides = array<i32>} : memref<512x64xf32, #tpu.memory_space<vmem>>, vector<1x16xf32>,
      %get3A_306 = arith.index_cast %add3A_281 : i32 to index
      %get3A_307 = arith.constant 32 : index
      %get3A_308 = tpu.vector_load %arg7[%get3A_306, %get3A_307] {strides = array<i32>} : memref<512x64xf32, #tpu.memory_space<vmem>>, vector<1x16xf32>,
      %get3A_309 = vector.shape_cast %get3A_308 : vector<1x16xf32> to vector<16xf32>
      %mul3A_310 = arith.constant 8.000000e+00 : f32
      %mul3A_311 = vector.broadcast %mul3A_310 : f32 to vector<16xf32>
      %mul3A_312 = arith.mulf %get3A_309, %mul3A_311 : vector<16xf32>
      %swap3A_313 = arith.index_cast %add3A_281 : i32 to index
      %swap3A_314 = arith.constant 32 : index
      %swap3A_315 = tpu.vector_load %arg7[%swap3A_313, %swap3A_314] {strides = array<i32>} : memref<512x64xf32, #tpu.memory_space<vmem>>, vector<1x16xf32>,
      %swap3A_316 = vector.shape_cast %swap3A_315 : vector<1x16xf32> to vector<16xf32>
      %swap3A_317 = vector.shape_cast %mul3A_312 : vector<16xf32> to vector<1x16xf32>
      tpu.vector_store %arg7[%swap3A_313, %swap3A_314], %swap3A_317 {strides = array<i32>} : memref<512x64xf32, #tpu.memory_space<vmem>>, vector<1x16xf32>,
      %get3A_318 = arith.index_cast %add3A_281 : i32 to index
      %get3A_319 = arith.constant 48 : index
      %get3A_320 = tpu.vector_load %arg7[%get3A_318, %get3A_319] {strides = array<i32>} : memref<512x64xf32, #tpu.memory_space<vmem>>, vector<1x16xf32>,
      %get3A_321 = vector.shape_cast %get3A_320 : vector<1x16xf32> to vector<16xf32>
      %mul3A_322 = arith.constant 8.000000e+00 : f32
      %mul3A_323 = vector.broadcast %mul3A_322 : f32 to vector<16xf32>
      %mul3A_324 = arith.mulf %get3A_321, %mul3A_323 : vector<16xf32>
      %swap3A_325 = arith.index_cast %add3A_281 : i32 to index
      %swap3A_326 = arith.constant 48 : index
      %swap3A_327 = tpu.vector_load %arg7[%swap3A_325, %swap3A_326] {strides = array<i32>} : memref<512x64xf32, #tpu.memory_space<vmem>>, vector<1x16xf32>,
      %swap3A_328 = vector.shape_cast %swap3A_327 : vector<1x16xf32> to vector<16xf32>
      %swap3A_329 = vector.shape_cast %mul3A_324 : vector<16xf32> to vector<1x16xf32>
      tpu.vector_store %arg7[%swap3A_325, %swap3A_326], %swap3A_329 {strides = array<i32>} : memref<512x64xf32, #tpu.memory_space<vmem>>, vector<1x16xf32>,
      %scan3A_330 = arith.constant 3 : i32
      %scan3A_331 = arith.addi %scan3A_171, %scan3A_330 : i32
      %mul3A_332 = arith.constant 1 : i32
      %mul3A_333 = arith.muli %scan3A_331, %mul3A_332 : i32
      %add3A_334 = arith.constant 0 : i32
      %add3A_335 = arith.addi %add3A_334, %mul3A_333 : i32
      %get3A_336 = arith.index_cast %add3A_335 : i32 to index
      %get3A_337 = arith.constant 0 : index
      %get3A_338 = tpu.vector_load %arg7[%get3A_336, %get3A_337] {strides = array<i32>} : memref<512x64xf32, #tpu.memory_space<vmem>>, vector<1x16xf32>,
      %get3A_339 = vector.shape_cast %get3A_338 : vector<1x16xf32> to vector<16xf32>
      %mul3A_340 = arith.constant 8.000000e+00 : f32
      %mul3A_341 = vector.broadcast %mul3A_340 : f32 to vector<16xf32>
      %mul3A_342 = arith.mulf %get3A_339, %mul3A_341 : vector<16xf32>
      %swap3A_343 = arith.index_cast %add3A_335 : i32 to index
      %swap3A_344 = arith.constant 0 : index
      %swap3A_345 = tpu.vector_load %arg7[%swap3A_343, %swap3A_344] {strides = array<i32>} : memref<512x64xf32, #tpu.memory_space<vmem>>, vector<1x16xf32>,
      %swap3A_346 = vector.shape_cast %swap3A_345 : vector<1x16xf32> to vector<16xf32>
      %swap3A_347 = vector.shape_cast %mul3A_342 : vector<16xf32> to vector<1x16xf32>
      tpu.vector_store %arg7[%swap3A_343, %swap3A_344], %swap3A_347 {strides = array<i32>} : memref<512x64xf32, #tpu.memory_space<vmem>>, vector<1x16xf32>,
      %get3A_348 = arith.index_cast %add3A_335 : i32 to index
      %get3A_349 = arith.constant 16 : index
      %get3A_350 = tpu.vector_load %arg7[%get3A_348, %get3A_349] {strides = array<i32>} : memref<512x64xf32, #tpu.memory_space<vmem>>, vector<1x16xf32>,
      %get3A_351 = vector.shape_cast %get3A_350 : vector<1x16xf32> to vector<16xf32>
      %mul3A_352 = arith.constant 8.000000e+00 : f32
      %mul3A_353 = vector.broadcast %mul3A_352 : f32 to vector<16xf32>
      %mul3A_354 = arith.mulf %get3A_351, %mul3A_353 : vector<16xf32>
      %swap3A_355 = arith.index_cast %add3A_335 : i32 to index
      %swap3A_356 = arith.constant 16 : index
      %swap3A_357 = tpu.vector_load %arg7[%swap3A_355, %swap3A_356] {strides = array<i32>} : memref<512x64xf32, #tpu.memory_space<vmem>>, vector<1x16xf32>,
      %swap3A_358 = vector.shape_cast %swap3A_357 : vector<1x16xf32> to vector<16xf32>
      %swap3A_359 = vector.shape_cast %mul3A_354 : vector<16xf32> to vector<1x16xf32>
      tpu.vector_store %arg7[%swap3A_355, %swap3A_356], %swap3A_359 {strides = array<i32>} : memref<512x64xf32, #tpu.memory_space<vmem>>, vector<1x16xf32>,
      %get3A_360 = arith.index_cast %add3A_335 : i32 to index
      %get3A_361 = arith.constant 32 : index
      %get3A_362 = tpu.vector_load %arg7[%get3A_360, %get3A_361] {strides = array<i32>} : memref<512x64xf32, #tpu.memory_space<vmem>>, vector<1x16xf32>,
      %get3A_363 = vector.shape_cast %get3A_362 : vector<1x16xf32> to vector<16xf32>
      %mul3A_364 = arith.constant 8.000000e+00 : f32
      %mul3A_365 = vector.broadcast %mul3A_364 : f32 to vector<16xf32>
      %mul3A_366 = arith.mulf %get3A_363, %mul3A_365 : vector<16xf32>
      %swap3A_367 = arith.index_cast %add3A_335 : i32 to index
      %swap3A_368 = arith.constant 32 : index
      %swap3A_369 = tpu.vector_load %arg7[%swap3A_367, %swap3A_368] {strides = array<i32>} : memref<512x64xf32, #tpu.memory_space<vmem>>, vector<1x16xf32>,
      %swap3A_370 = vector.shape_cast %swap3A_369 : vector<1x16xf32> to vector<16xf32>
      %swap3A_371 = vector.shape_cast %mul3A_366 : vector<16xf32> to vector<1x16xf32>
      tpu.vector_store %arg7[%swap3A_367, %swap3A_368], %swap3A_371 {strides = array<i32>} : memref<512x64xf32, #tpu.memory_space<vmem>>, vector<1x16xf32>,
      %get3A_372 = arith.index_cast %add3A_335 : i32 to index
      %get3A_373 = arith.constant 48 : index
      %get3A_374 = tpu.vector_load %arg7[%get3A_372, %get3A_373] {strides = array<i32>} : memref<512x64xf32, #tpu.memory_space<vmem>>, vector<1x16xf32>,
      %get3A_375 = vector.shape_cast %get3A_374 : vector<1x16xf32> to vector<16xf32>
      %mul3A_376 = arith.constant 8.000000e+00 : f32
      %mul3A_377 = vector.broadcast %mul3A_376 : f32 to vector<16xf32>
      %mul3A_378 = arith.mulf %get3A_375, %mul3A_377 : vector<16xf32>
      %swap3A_379 = arith.index_cast %add3A_335 : i32 to index
      %swap3A_380 = arith.constant 48 : index
      %swap3A_381 = tpu.vector_load %arg7[%swap3A_379, %swap3A_380] {strides = array<i32>} : memref<512x64xf32, #tpu.memory_space<vmem>>, vector<1x16xf32>,
      %swap3A_382 = vector.shape_cast %swap3A_381 : vector<1x16xf32> to vector<16xf32>
      %swap3A_383 = vector.shape_cast %mul3A_378 : vector<16xf32> to vector<1x16xf32>
      tpu.vector_store %arg7[%swap3A_379, %swap3A_380], %swap3A_383 {strides = array<i32>} : memref<512x64xf32, #tpu.memory_space<vmem>>, vector<1x16xf32>,
      %scan3A_384 = arith.constant 4 : i32
      %scan3A_385 = arith.addi %scan3A_171, %scan3A_384 : i32
      %mul3A_386 = arith.constant 1 : i32
      %mul3A_387 = arith.muli %scan3A_385, %mul3A_386 : i32
      %add3A_388 = arith.constant 0 : i32
      %add3A_389 = arith.addi %add3A_388, %mul3A_387 : i32
      %get3A_390 = arith.index_cast %add3A_389 : i32 to index
      %get3A_391 = arith.constant 0 : index
      %get3A_392 = tpu.vector_load %arg7[%get3A_390, %get3A_391] {strides = array<i32>} : memref<512x64xf32, #tpu.memory_space<vmem>>, vector<1x16xf32>,
      %get3A_393 = vector.shape_cast %get3A_392 : vector<1x16xf32> to vector<16xf32>
      %mul3A_394 = arith.constant 8.000000e+00 : f32
      %mul3A_395 = vector.broadcast %mul3A_394 : f32 to vector<16xf32>
      %mul3A_396 = arith.mulf %get3A_393, %mul3A_395 : vector<16xf32>
      %swap3A_397 = arith.index_cast %add3A_389 : i32 to index
      %swap3A_398 = arith.constant 0 : index
      %swap3A_399 = tpu.vector_load %arg7[%swap3A_397, %swap3A_398] {strides = array<i32>} : memref<512x64xf32, #tpu.memory_space<vmem>>, vector<1x16xf32>,
      %swap3A_400 = vector.shape_cast %swap3A_399 : vector<1x16xf32> to vector<16xf32>
      %swap3A_401 = vector.shape_cast %mul3A_396 : vector<16xf32> to vector<1x16xf32>
      tpu.vector_store %arg7[%swap3A_397, %swap3A_398], %swap3A_401 {strides = array<i32>} : memref<512x64xf32, #tpu.memory_space<vmem>>, vector<1x16xf32>,
      %get3A_402 = arith.index_cast %add3A_389 : i32 to index
      %get3A_403 = arith.constant 16 : index
      %get3A_404 = tpu.vector_load %arg7[%get3A_402, %get3A_403] {strides = array<i32>} : memref<512x64xf32, #tpu.memory_space<vmem>>, vector<1x16xf32>,
      %get3A_405 = vector.shape_cast %get3A_404 : vector<1x16xf32> to vector<16xf32>
      %mul3A_406 = arith.constant 8.000000e+00 : f32
      %mul3A_407 = vector.broadcast %mul3A_406 : f32 to vector<16xf32>
      %mul3A_408 = arith.mulf %get3A_405, %mul3A_407 : vector<16xf32>
      %swap3A_409 = arith.index_cast %add3A_389 : i32 to index
      %swap3A_410 = arith.constant 16 : index
      %swap3A_411 = tpu.vector_load %arg7[%swap3A_409, %swap3A_410] {strides = array<i32>} : memref<512x64xf32, #tpu.memory_space<vmem>>, vector<1x16xf32>,
      %swap3A_412 = vector.shape_cast %swap3A_411 : vector<1x16xf32> to vector<16xf32>
      %swap3A_413 = vector.shape_cast %mul3A_408 : vector<16xf32> to vector<1x16xf32>
      tpu.vector_store %arg7[%swap3A_409, %swap3A_410], %swap3A_413 {strides = array<i32>} : memref<512x64xf32, #tpu.memory_space<vmem>>, vector<1x16xf32>,
      %get3A_414 = arith.index_cast %add3A_389 : i32 to index
      %get3A_415 = arith.constant 32 : index
      %get3A_416 = tpu.vector_load %arg7[%get3A_414, %get3A_415] {strides = array<i32>} : memref<512x64xf32, #tpu.memory_space<vmem>>, vector<1x16xf32>,
      %get3A_417 = vector.shape_cast %get3A_416 : vector<1x16xf32> to vector<16xf32>
      %mul3A_418 = arith.constant 8.000000e+00 : f32
      %mul3A_419 = vector.broadcast %mul3A_418 : f32 to vector<16xf32>
      %mul3A_420 = arith.mulf %get3A_417, %mul3A_419 : vector<16xf32>
      %swap3A_421 = arith.index_cast %add3A_389 : i32 to index
      %swap3A_422 = arith.constant 32 : index
      %swap3A_423 = tpu.vector_load %arg7[%swap3A_421, %swap3A_422] {strides = array<i32>} : memref<512x64xf32, #tpu.memory_space<vmem>>, vector<1x16xf32>,
      %swap3A_424 = vector.shape_cast %swap3A_423 : vector<1x16xf32> to vector<16xf32>
      %swap3A_425 = vector.shape_cast %mul3A_420 : vector<16xf32> to vector<1x16xf32>
      tpu.vector_store %arg7[%swap3A_421, %swap3A_422], %swap3A_425 {strides = array<i32>} : memref<512x64xf32, #tpu.memory_space<vmem>>, vector<1x16xf32>,
      %get3A_426 = arith.index_cast %add3A_389 : i32 to index
      %get3A_427 = arith.constant 48 : index
      %get3A_428 = tpu.vector_load %arg7[%get3A_426, %get3A_427] {strides = array<i32>} : memref<512x64xf32, #tpu.memory_space<vmem>>, vector<1x16xf32>,
      %get3A_429 = vector.shape_cast %get3A_428 : vector<1x16xf32> to vector<16xf32>
      %mul3A_430 = arith.constant 8.000000e+00 : f32
      %mul3A_431 = vector.broadcast %mul3A_430 : f32 to vector<16xf32>
      %mul3A_432 = arith.mulf %get3A_429, %mul3A_431 : vector<16xf32>
      %swap3A_433 = arith.index_cast %add3A_389 : i32 to index
      %swap3A_434 = arith.constant 48 : index
      %swap3A_435 = tpu.vector_load %arg7[%swap3A_433, %swap3A_434] {strides = array<i32>} : memref<512x64xf32, #tpu.memory_space<vmem>>, vector<1x16xf32>,
      %swap3A_436 = vector.shape_cast %swap3A_435 : vector<1x16xf32> to vector<16xf32>
      %swap3A_437 = vector.shape_cast %mul3A_432 : vector<16xf32> to vector<1x16xf32>
      tpu.vector_store %arg7[%swap3A_433, %swap3A_434], %swap3A_437 {strides = array<i32>} : memref<512x64xf32, #tpu.memory_space<vmem>>, vector<1x16xf32>,
      %scan3A_438 = arith.constant 5 : i32
      %scan3A_439 = arith.addi %scan3A_171, %scan3A_438 : i32
      %mul3A_440 = arith.constant 1 : i32
      %mul3A_441 = arith.muli %scan3A_439, %mul3A_440 : i32
      %add3A_442 = arith.constant 0 : i32
      %add3A_443 = arith.addi %add3A_442, %mul3A_441 : i32
      %get3A_444 = arith.index_cast %add3A_443 : i32 to index
      %get3A_445 = arith.constant 0 : index
      %get3A_446 = tpu.vector_load %arg7[%get3A_444, %get3A_445] {strides = array<i32>} : memref<512x64xf32, #tpu.memory_space<vmem>>, vector<1x16xf32>,
      %get3A_447 = vector.shape_cast %get3A_446 : vector<1x16xf32> to vector<16xf32>
      %mul3A_448 = arith.constant 8.000000e+00 : f32
      %mul3A_449 = vector.broadcast %mul3A_448 : f32 to vector<16xf32>
      %mul3A_450 = arith.mulf %get3A_447, %mul3A_449 : vector<16xf32>
      %swap3A_451 = arith.index_cast %add3A_443 : i32 to index
      %swap3A_452 = arith.constant 0 : index
      %swap3A_453 = tpu.vector_load %arg7[%swap3A_451, %swap3A_452] {strides = array<i32>} : memref<512x64xf32, #tpu.memory_space<vmem>>, vector<1x16xf32>,
      %swap3A_454 = vector.shape_cast %swap3A_453 : vector<1x16xf32> to vector<16xf32>
      %swap3A_455 = vector.shape_cast %mul3A_450 : vector<16xf32> to vector<1x16xf32>
      tpu.vector_store %arg7[%swap3A_451, %swap3A_452], %swap3A_455 {strides = array<i32>} : memref<512x64xf32, #tpu.memory_space<vmem>>, vector<1x16xf32>,
      %get3A_456 = arith.index_cast %add3A_443 : i32 to index
      %get3A_457 = arith.constant 16 : index
      %get3A_458 = tpu.vector_load %arg7[%get3A_456, %get3A_457] {strides = array<i32>} : memref<512x64xf32, #tpu.memory_space<vmem>>, vector<1x16xf32>,
      %get3A_459 = vector.shape_cast %get3A_458 : vector<1x16xf32> to vector<16xf32>
      %mul3A_460 = arith.constant 8.000000e+00 : f32
      %mul3A_461 = vector.broadcast %mul3A_460 : f32 to vector<16xf32>
      %mul3A_462 = arith.mulf %get3A_459, %mul3A_461 : vector<16xf32>
      %swap3A_463 = arith.index_cast %add3A_443 : i32 to index
      %swap3A_464 = arith.constant 16 : index
      %swap3A_465 = tpu.vector_load %arg7[%swap3A_463, %swap3A_464] {strides = array<i32>} : memref<512x64xf32, #tpu.memory_space<vmem>>, vector<1x16xf32>,
      %swap3A_466 = vector.shape_cast %swap3A_465 : vector<1x16xf32> to vector<16xf32>
      %swap3A_467 = vector.shape_cast %mul3A_462 : vector<16xf32> to vector<1x16xf32>
      tpu.vector_store %arg7[%swap3A_463, %swap3A_464], %swap3A_467 {strides = array<i32>} : memref<512x64xf32, #tpu.memory_space<vmem>>, vector<1x16xf32>,
      %get3A_468 = arith.index_cast %add3A_443 : i32 to index
      %get3A_469 = arith.constant 32 : index
      %get3A_470 = tpu.vector_load %arg7[%get3A_468, %get3A_469] {strides = array<i32>} : memref<512x64xf32, #tpu.memory_space<vmem>>, vector<1x16xf32>,
      %get3A_471 = vector.shape_cast %get3A_470 : vector<1x16xf32> to vector<16xf32>
      %mul3A_472 = arith.constant 8.000000e+00 : f32
      %mul3A_473 = vector.broadcast %mul3A_472 : f32 to vector<16xf32>
      %mul3A_474 = arith.mulf %get3A_471, %mul3A_473 : vector<16xf32>
      %swap3A_475 = arith.index_cast %add3A_443 : i32 to index
      %swap3A_476 = arith.constant 32 : index
      %swap3A_477 = tpu.vector_load %arg7[%swap3A_475, %swap3A_476] {strides = array<i32>} : memref<512x64xf32, #tpu.memory_space<vmem>>, vector<1x16xf32>,
      %swap3A_478 = vector.shape_cast %swap3A_477 : vector<1x16xf32> to vector<16xf32>
      %swap3A_479 = vector.shape_cast %mul3A_474 : vector<16xf32> to vector<1x16xf32>
      tpu.vector_store %arg7[%swap3A_475, %swap3A_476], %swap3A_479 {strides = array<i32>} : memref<512x64xf32, #tpu.memory_space<vmem>>, vector<1x16xf32>,
      %get3A_480 = arith.index_cast %add3A_443 : i32 to index
      %get3A_481 = arith.constant 48 : index
      %get3A_482 = tpu.vector_load %arg7[%get3A_480, %get3A_481] {strides = array<i32>} : memref<512x64xf32, #tpu.memory_space<vmem>>, vector<1x16xf32>,
      %get3A_483 = vector.shape_cast %get3A_482 : vector<1x16xf32> to vector<16xf32>
      %mul3A_484 = arith.constant 8.000000e+00 : f32
      %mul3A_485 = vector.broadcast %mul3A_484 : f32 to vector<16xf32>
      %mul3A_486 = arith.mulf %get3A_483, %mul3A_485 : vector<16xf32>
      %swap3A_487 = arith.index_cast %add3A_443 : i32 to index
      %swap3A_488 = arith.constant 48 : index
      %swap3A_489 = tpu.vector_load %arg7[%swap3A_487, %swap3A_488] {strides = array<i32>} : memref<512x64xf32, #tpu.memory_space<vmem>>, vector<1x16xf32>,
      %swap3A_490 = vector.shape_cast %swap3A_489 : vector<1x16xf32> to vector<16xf32>
      %swap3A_491 = vector.shape_cast %mul3A_486 : vector<16xf32> to vector<1x16xf32>
      tpu.vector_store %arg7[%swap3A_487, %swap3A_488], %swap3A_491 {strides = array<i32>} : memref<512x64xf32, #tpu.memory_space<vmem>>, vector<1x16xf32>,
      %scan3A_492 = arith.constant 6 : i32
      %scan3A_493 = arith.addi %scan3A_171, %scan3A_492 : i32
      %mul3A_494 = arith.constant 1 : i32
      %mul3A_495 = arith.muli %scan3A_493, %mul3A_494 : i32
      %add3A_496 = arith.constant 0 : i32
      %add3A_497 = arith.addi %add3A_496, %mul3A_495 : i32
      %get3A_498 = arith.index_cast %add3A_497 : i32 to index
      %get3A_499 = arith.constant 0 : index
      %get3A_500 = tpu.vector_load %arg7[%get3A_498, %get3A_499] {strides = array<i32>} : memref<512x64xf32, #tpu.memory_space<vmem>>, vector<1x16xf32>,
      %get3A_501 = vector.shape_cast %get3A_500 : vector<1x16xf32> to vector<16xf32>
      %mul3A_502 = arith.constant 8.000000e+00 : f32
      %mul3A_503 = vector.broadcast %mul3A_502 : f32 to vector<16xf32>
      %mul3A_504 = arith.mulf %get3A_501, %mul3A_503 : vector<16xf32>
      %swap3A_505 = arith.index_cast %add3A_497 : i32 to index
      %swap3A_506 = arith.constant 0 : index
      %swap3A_507 = tpu.vector_load %arg7[%swap3A_505, %swap3A_506] {strides = array<i32>} : memref<512x64xf32, #tpu.memory_space<vmem>>, vector<1x16xf32>,
      %swap3A_508 = vector.shape_cast %swap3A_507 : vector<1x16xf32> to vector<16xf32>
      %swap3A_509 = vector.shape_cast %mul3A_504 : vector<16xf32> to vector<1x16xf32>
      tpu.vector_store %arg7[%swap3A_505, %swap3A_506], %swap3A_509 {strides = array<i32>} : memref<512x64xf32, #tpu.memory_space<vmem>>, vector<1x16xf32>,
      %get3A_510 = arith.index_cast %add3A_497 : i32 to index
      %get3A_511 = arith.constant 16 : index
      %get3A_512 = tpu.vector_load %arg7[%get3A_510, %get3A_511] {strides = array<i32>} : memref<512x64xf32, #tpu.memory_space<vmem>>, vector<1x16xf32>,
      %get3A_513 = vector.shape_cast %get3A_512 : vector<1x16xf32> to vector<16xf32>
      %mul3A_514 = arith.constant 8.000000e+00 : f32
      %mul3A_515 = vector.broadcast %mul3A_514 : f32 to vector<16xf32>
      %mul3A_516 = arith.mulf %get3A_513, %mul3A_515 : vector<16xf32>
      %swap3A_517 = arith.index_cast %add3A_497 : i32 to index
      %swap3A_518 = arith.constant 16 : index
      %swap3A_519 = tpu.vector_load %arg7[%swap3A_517, %swap3A_518] {strides = array<i32>} : memref<512x64xf32, #tpu.memory_space<vmem>>, vector<1x16xf32>,
      %swap3A_520 = vector.shape_cast %swap3A_519 : vector<1x16xf32> to vector<16xf32>
      %swap3A_521 = vector.shape_cast %mul3A_516 : vector<16xf32> to vector<1x16xf32>
      tpu.vector_store %arg7[%swap3A_517, %swap3A_518], %swap3A_521 {strides = array<i32>} : memref<512x64xf32, #tpu.memory_space<vmem>>, vector<1x16xf32>,
      %get3A_522 = arith.index_cast %add3A_497 : i32 to index
      %get3A_523 = arith.constant 32 : index
      %get3A_524 = tpu.vector_load %arg7[%get3A_522, %get3A_523] {strides = array<i32>} : memref<512x64xf32, #tpu.memory_space<vmem>>, vector<1x16xf32>,
      %get3A_525 = vector.shape_cast %get3A_524 : vector<1x16xf32> to vector<16xf32>
      %mul3A_526 = arith.constant 8.000000e+00 : f32
      %mul3A_527 = vector.broadcast %mul3A_526 : f32 to vector<16xf32>
      %mul3A_528 = arith.mulf %get3A_525, %mul3A_527 : vector<16xf32>
      %swap3A_529 = arith.index_cast %add3A_497 : i32 to index
      %swap3A_530 = arith.constant 32 : index
      %swap3A_531 = tpu.vector_load %arg7[%swap3A_529, %swap3A_530] {strides = array<i32>} : memref<512x64xf32, #tpu.memory_space<vmem>>, vector<1x16xf32>,
      %swap3A_532 = vector.shape_cast %swap3A_531 : vector<1x16xf32> to vector<16xf32>
      %swap3A_533 = vector.shape_cast %mul3A_528 : vector<16xf32> to vector<1x16xf32>
      tpu.vector_store %arg7[%swap3A_529, %swap3A_530], %swap3A_533 {strides = array<i32>} : memref<512x64xf32, #tpu.memory_space<vmem>>, vector<1x16xf32>,
      %get3A_534 = arith.index_cast %add3A_497 : i32 to index
      %get3A_535 = arith.constant 48 : index
      %get3A_536 = tpu.vector_load %arg7[%get3A_534, %get3A_535] {strides = array<i32>} : memref<512x64xf32, #tpu.memory_space<vmem>>, vector<1x16xf32>,
      %get3A_537 = vector.shape_cast %get3A_536 : vector<1x16xf32> to vector<16xf32>
      %mul3A_538 = arith.constant 8.000000e+00 : f32
      %mul3A_539 = vector.broadcast %mul3A_538 : f32 to vector<16xf32>
      %mul3A_540 = arith.mulf %get3A_537, %mul3A_539 : vector<16xf32>
      %swap3A_541 = arith.index_cast %add3A_497 : i32 to index
      %swap3A_542 = arith.constant 48 : index
      %swap3A_543 = tpu.vector_load %arg7[%swap3A_541, %swap3A_542] {strides = array<i32>} : memref<512x64xf32, #tpu.memory_space<vmem>>, vector<1x16xf32>,
      %swap3A_544 = vector.shape_cast %swap3A_543 : vector<1x16xf32> to vector<16xf32>
      %swap3A_545 = vector.shape_cast %mul3A_540 : vector<16xf32> to vector<1x16xf32>
      tpu.vector_store %arg7[%swap3A_541, %swap3A_542], %swap3A_545 {strides = array<i32>} : memref<512x64xf32, #tpu.memory_space<vmem>>, vector<1x16xf32>,
      %scan3A_546 = arith.constant 7 : i32
      %scan3A_547 = arith.addi %scan3A_171, %scan3A_546 : i32
      %mul3A_548 = arith.constant 1 : i32
      %mul3A_549 = arith.muli %scan3A_547, %mul3A_548 : i32
      %add3A_550 = arith.constant 0 : i32
      %add3A_551 = arith.addi %add3A_550, %mul3A_549 : i32
      %get3A_552 = arith.index_cast %add3A_551 : i32 to index
      %get3A_553 = arith.constant 0 : index
      %get3A_554 = tpu.vector_load %arg7[%get3A_552, %get3A_553] {strides = array<i32>} : memref<512x64xf32, #tpu.memory_space<vmem>>, vector<1x16xf32>,
      %get3A_555 = vector.shape_cast %get3A_554 : vector<1x16xf32> to vector<16xf32>
      %mul3A_556 = arith.constant 8.000000e+00 : f32
      %mul3A_557 = vector.broadcast %mul3A_556 : f32 to vector<16xf32>
      %mul3A_558 = arith.mulf %get3A_555, %mul3A_557 : vector<16xf32>
      %swap3A_559 = arith.index_cast %add3A_551 : i32 to index
      %swap3A_560 = arith.constant 0 : index
      %swap3A_561 = tpu.vector_load %arg7[%swap3A_559, %swap3A_560] {strides = array<i32>} : memref<512x64xf32, #tpu.memory_space<vmem>>, vector<1x16xf32>,
      %swap3A_562 = vector.shape_cast %swap3A_561 : vector<1x16xf32> to vector<16xf32>
      %swap3A_563 = vector.shape_cast %mul3A_558 : vector<16xf32> to vector<1x16xf32>
      tpu.vector_store %arg7[%swap3A_559, %swap3A_560], %swap3A_563 {strides = array<i32>} : memref<512x64xf32, #tpu.memory_space<vmem>>, vector<1x16xf32>,
      %get3A_564 = arith.index_cast %add3A_551 : i32 to index
      %get3A_565 = arith.constant 16 : index
      %get3A_566 = tpu.vector_load %arg7[%get3A_564, %get3A_565] {strides = array<i32>} : memref<512x64xf32, #tpu.memory_space<vmem>>, vector<1x16xf32>,
      %get3A_567 = vector.shape_cast %get3A_566 : vector<1x16xf32> to vector<16xf32>
      %mul3A_568 = arith.constant 8.000000e+00 : f32
      %mul3A_569 = vector.broadcast %mul3A_568 : f32 to vector<16xf32>
      %mul3A_570 = arith.mulf %get3A_567, %mul3A_569 : vector<16xf32>
      %swap3A_571 = arith.index_cast %add3A_551 : i32 to index
      %swap3A_572 = arith.constant 16 : index
      %swap3A_573 = tpu.vector_load %arg7[%swap3A_571, %swap3A_572] {strides = array<i32>} : memref<512x64xf32, #tpu.memory_space<vmem>>, vector<1x16xf32>,
      %swap3A_574 = vector.shape_cast %swap3A_573 : vector<1x16xf32> to vector<16xf32>
      %swap3A_575 = vector.shape_cast %mul3A_570 : vector<16xf32> to vector<1x16xf32>
      tpu.vector_store %arg7[%swap3A_571, %swap3A_572], %swap3A_575 {strides = array<i32>} : memref<512x64xf32, #tpu.memory_space<vmem>>, vector<1x16xf32>,
      %get3A_576 = arith.index_cast %add3A_551 : i32 to index
      %get3A_577 = arith.constant 32 : index
      %get3A_578 = tpu.vector_load %arg7[%get3A_576, %get3A_577] {strides = array<i32>} : memref<512x64xf32, #tpu.memory_space<vmem>>, vector<1x16xf32>,
      %get3A_579 = vector.shape_cast %get3A_578 : vector<1x16xf32> to vector<16xf32>
      %mul3A_580 = arith.constant 8.000000e+00 : f32
      %mul3A_581 = vector.broadcast %mul3A_580 : f32 to vector<16xf32>
      %mul3A_582 = arith.mulf %get3A_579, %mul3A_581 : vector<16xf32>
      %swap3A_583 = arith.index_cast %add3A_551 : i32 to index
      %swap3A_584 = arith.constant 32 : index
      %swap3A_585 = tpu.vector_load %arg7[%swap3A_583, %swap3A_584] {strides = array<i32>} : memref<512x64xf32, #tpu.memory_space<vmem>>, vector<1x16xf32>,
      %swap3A_586 = vector.shape_cast %swap3A_585 : vector<1x16xf32> to vector<16xf32>
      %swap3A_587 = vector.shape_cast %mul3A_582 : vector<16xf32> to vector<1x16xf32>
      tpu.vector_store %arg7[%swap3A_583, %swap3A_584], %swap3A_587 {strides = array<i32>} : memref<512x64xf32, #tpu.memory_space<vmem>>, vector<1x16xf32>,
      %get3A_588 = arith.index_cast %add3A_551 : i32 to index
      %get3A_589 = arith.constant 48 : index
      %get3A_590 = tpu.vector_load %arg7[%get3A_588, %get3A_589] {strides = array<i32>} : memref<512x64xf32, #tpu.memory_space<vmem>>, vector<1x16xf32>,
      %get3A_591 = vector.shape_cast %get3A_590 : vector<1x16xf32> to vector<16xf32>
      %mul3A_592 = arith.constant 8.000000e+00 : f32
      %mul3A_593 = vector.broadcast %mul3A_592 : f32 to vector<16xf32>
      %mul3A_594 = arith.mulf %get3A_591, %mul3A_593 : vector<16xf32>
      %swap3A_595 = arith.index_cast %add3A_551 : i32 to index
      %swap3A_596 = arith.constant 48 : index
      %swap3A_597 = tpu.vector_load %arg7[%swap3A_595, %swap3A_596] {strides = array<i32>} : memref<512x64xf32, #tpu.memory_space<vmem>>, vector<1x16xf32>,
      %swap3A_598 = vector.shape_cast %swap3A_597 : vector<1x16xf32> to vector<16xf32>
      %swap3A_599 = vector.shape_cast %mul3A_594 : vector<16xf32> to vector<1x16xf32>
      tpu.vector_store %arg7[%swap3A_595, %swap3A_596], %swap3A_599 {strides = array<i32>} : memref<512x64xf32, #tpu.memory_space<vmem>>, vector<1x16xf32>,
    }
    %scan3A_109 = arith.constant 512 : i32
    %add3A_110 = arith.constant 24576 : i32
    %add3A_111 = arith.addi %mul3A_2, %add3A_110 : i32
    %dma_start3A_112 = arith.constant 0 : i32
    %dma_start3A_113 = tpu.memref_slice %arg4[%add3A_111, %dma_start3A_112] : memref<819200x64xf32, #tpu.memory_space<hbm>> -> memref<512x64xf32, #tpu.memory_space<hbm>>
    %dma_start3A_114 = arith.constant 0 : i32
    %dma_start3A_115 = tpu.memref_slice %arg4[%add3A_111, %dma_start3A_114] : memref<819200x64xf32, #tpu.memory_space<hbm>> -> memref<512x64xf32, #tpu.memory_space<hbm>>
    tpu.enqueue_dma source(%arg7 : memref<512x64xf32, #tpu.memory_space<vmem>>) target(%dma_start3A_115 : memref<512x64xf32, #tpu.memory_space<hbm>>) target_semaphore(%arg11 : memref<!tpu.dma_semaphore, #tpu.memory_space<semaphore_mem>>)
    %dma_wait3A_116 = arith.constant 0 : i32
    %dma_wait3A_117 = arith.constant 0 : i32
    %dma_wait3A_118 = tpu.memref_slice %arg8[%dma_wait3A_116, %dma_wait3A_117] : memref<512x64xf32, #tpu.memory_space<vmem>> -> memref<128x64xf32, #tpu.memory_space<vmem>>
    %dma_wait3A_119 = arith.constant 0 : i32
    %dma_wait3A_120 = tpu.memref_slice %arg6[%dma_wait3A_119] : memref<512xi32, #tpu.memory_space<vmem>> -> memref<128xi32, #tpu.memory_space<vmem>>
    %dma_wait3A_121 = arith.constant 0 : i32
    %dma_wait3A_122 = arith.constant 0 : i32
    %dma_wait3A_123 = tpu.memref_slice %arg2[%dma_wait3A_121, %dma_wait3A_122] : memref<1000000x64xf32, #tpu.memory_space<hbm>> -> memref<1000000x64xf32, #tpu.memory_space<hbm>>
    tpu.wait_indirect_dma semaphore(%arg10 : memref<!tpu.dma_semaphore, #tpu.memory_space<semaphore_mem>>) src(%dma_wait3A_123 : memref<1000000x64xf32, #tpu.memory_space<hbm>>) dst(%dma_wait3A_118 : memref<128x64xf32, #tpu.memory_space<vmem>>)
    %dma_wait3A_124 = arith.constant 128 : i32
    %dma_wait3A_125 = arith.constant 0 : i32
    %dma_wait3A_126 = tpu.memref_slice %arg8[%dma_wait3A_124, %dma_wait3A_125] : memref<512x64xf32, #tpu.memory_space<vmem>> -> memref<128x64xf32, #tpu.memory_space<vmem>>
    %dma_wait3A_127 = arith.constant 128 : i32
    %dma_wait3A_128 = tpu.memref_slice %arg6[%dma_wait3A_127] : memref<512xi32, #tpu.memory_space<vmem>> -> memref<128xi32, #tpu.memory_space<vmem>>
    %dma_wait3A_129 = arith.constant 0 : i32
    %dma_wait3A_130 = arith.constant 0 : i32
    %dma_wait3A_131 = tpu.memref_slice %arg2[%dma_wait3A_129, %dma_wait3A_130] : memref<1000000x64xf32, #tpu.memory_space<hbm>> -> memref<1000000x64xf32, #tpu.memory_space<hbm>>
    tpu.wait_indirect_dma semaphore(%arg10 : memref<!tpu.dma_semaphore, #tpu.memory_space<semaphore_mem>>) src(%dma_wait3A_131 : memref<1000000x64xf32, #tpu.memory_space<hbm>>) dst(%dma_wait3A_126 : memref<128x64xf32, #tpu.memory_space<vmem>>)
    %dma_wait3A_132 = arith.constant 256 : i32
    %dma_wait3A_133 = arith.constant 0 : i32
    %dma_wait3A_134 = tpu.memref_slice %arg8[%dma_wait3A_132, %dma_wait3A_133] : memref<512x64xf32, #tpu.memory_space<vmem>> -> memref<128x64xf32, #tpu.memory_space<vmem>>
    %dma_wait3A_135 = arith.constant 256 : i32
    %dma_wait3A_136 = tpu.memref_slice %arg6[%dma_wait3A_135] : memref<512xi32, #tpu.memory_space<vmem>> -> memref<128xi32, #tpu.memory_space<vmem>>
    %dma_wait3A_137 = arith.constant 0 : i32
    %dma_wait3A_138 = arith.constant 0 : i32
    %dma_wait3A_139 = tpu.memref_slice %arg2[%dma_wait3A_137, %dma_wait3A_138] : memref<1000000x64xf32, #tpu.memory_space<hbm>> -> memref<1000000x64xf32, #tpu.memory_space<hbm>>
    tpu.wait_indirect_dma semaphore(%arg10 : memref<!tpu.dma_semaphore, #tpu.memory_space<semaphore_mem>>) src(%dma_wait3A_139 : memref<1000000x64xf32, #tpu.memory_space<hbm>>) dst(%dma_wait3A_134 : memref<128x64xf32, #tpu.memory_space<vmem>>)
    %dma_wait3A_140 = arith.constant 384 : i32
    %dma_wait3A_141 = arith.constant 0 : i32
    %dma_wait3A_142 = tpu.memref_slice %arg8[%dma_wait3A_140, %dma_wait3A_141] : memref<512x64xf32, #tpu.memory_space<vmem>> -> memref<128x64xf32, #tpu.memory_space<vmem>>
    %dma_wait3A_143 = arith.constant 384 : i32
    %dma_wait3A_144 = tpu.memref_slice %arg6[%dma_wait3A_143] : memref<512xi32, #tpu.memory_space<vmem>> -> memref<128xi32, #tpu.memory_space<vmem>>
    %dma_wait3A_145 = arith.constant 0 : i32
    %dma_wait3A_146 = arith.constant 0 : i32
    %dma_wait3A_147 = tpu.memref_slice %arg2[%dma_wait3A_145, %dma_wait3A_146] : memref<1000000x64xf32, #tpu.memory_space<hbm>> -> memref<1000000x64xf32, #tpu.memory_space<hbm>>
    tpu.wait_indirect_dma semaphore(%arg10 : memref<!tpu.dma_semaphore, #tpu.memory_space<semaphore_mem>>) src(%dma_wait3A_147 : memref<1000000x64xf32, #tpu.memory_space<hbm>>) dst(%dma_wait3A_142 : memref<128x64xf32, #tpu.memory_space<vmem>>)
    %scan3A_148 = arith.constant 0 : i32
    %scan3A_149 = arith.constant 512 : i32
    %scan3A_150 = arith.addi %scan3A_148, %scan3A_149 : i32
    %scan3A_151 = arith.constant 8 : i32
    scf.for %scan3A_171 = %scan3A_148 to %scan3A_150 step %scan3A_151  : i32 {
      %mul3A_172 = arith.constant 1 : i32
      %mul3A_173 = arith.muli %scan3A_171, %mul3A_172 : i32
      %add3A_174 = arith.constant 0 : i32
      %add3A_175 = arith.addi %add3A_174, %mul3A_173 : i32
      %get3A = arith.index_cast %add3A_175 : i32 to index
      %get3A_176 = arith.constant 0 : index
      %get3A_177 = tpu.vector_load %arg8[%get3A, %get3A_176] {strides = array<i32>} : memref<512x64xf32, #tpu.memory_space<vmem>>, vector<1x16xf32>,
      %get3A_178 = vector.shape_cast %get3A_177 : vector<1x16xf32> to vector<16xf32>
      %mul3A_179 = arith.constant 8.000000e+00 : f32
      %mul3A_180 = vector.broadcast %mul3A_179 : f32 to vector<16xf32>
      %mul3A_181 = arith.mulf %get3A_178, %mul3A_180 : vector<16xf32>
      %swap3A = arith.index_cast %add3A_175 : i32 to index
      %swap3A_182 = arith.constant 0 : index
      %swap3A_183 = tpu.vector_load %arg8[%swap3A, %swap3A_182] {strides = array<i32>} : memref<512x64xf32, #tpu.memory_space<vmem>>, vector<1x16xf32>,
      %swap3A_184 = vector.shape_cast %swap3A_183 : vector<1x16xf32> to vector<16xf32>
      %swap3A_185 = vector.shape_cast %mul3A_181 : vector<16xf32> to vector<1x16xf32>
      tpu.vector_store %arg8[%swap3A, %swap3A_182], %swap3A_185 {strides = array<i32>} : memref<512x64xf32, #tpu.memory_space<vmem>>, vector<1x16xf32>,
      %get3A_186 = arith.index_cast %add3A_175 : i32 to index
      %get3A_187 = arith.constant 16 : index
      %get3A_188 = tpu.vector_load %arg8[%get3A_186, %get3A_187] {strides = array<i32>} : memref<512x64xf32, #tpu.memory_space<vmem>>, vector<1x16xf32>,
      %get3A_189 = vector.shape_cast %get3A_188 : vector<1x16xf32> to vector<16xf32>
      %mul3A_190 = arith.constant 8.000000e+00 : f32
      %mul3A_191 = vector.broadcast %mul3A_190 : f32 to vector<16xf32>
      %mul3A_192 = arith.mulf %get3A_189, %mul3A_191 : vector<16xf32>
      %swap3A_193 = arith.index_cast %add3A_175 : i32 to index
      %swap3A_194 = arith.constant 16 : index
      %swap3A_195 = tpu.vector_load %arg8[%swap3A_193, %swap3A_194] {strides = array<i32>} : memref<512x64xf32, #tpu.memory_space<vmem>>, vector<1x16xf32>,
      %swap3A_196 = vector.shape_cast %swap3A_195 : vector<1x16xf32> to vector<16xf32>
      %swap3A_197 = vector.shape_cast %mul3A_192 : vector<16xf32> to vector<1x16xf32>
      tpu.vector_store %arg8[%swap3A_193, %swap3A_194], %swap3A_197 {strides = array<i32>} : memref<512x64xf32, #tpu.memory_space<vmem>>, vector<1x16xf32>,
      %get3A_198 = arith.index_cast %add3A_175 : i32 to index
      %get3A_199 = arith.constant 32 : index
      %get3A_200 = tpu.vector_load %arg8[%get3A_198, %get3A_199] {strides = array<i32>} : memref<512x64xf32, #tpu.memory_space<vmem>>, vector<1x16xf32>,
      %get3A_201 = vector.shape_cast %get3A_200 : vector<1x16xf32> to vector<16xf32>
      %mul3A_202 = arith.constant 8.000000e+00 : f32
      %mul3A_203 = vector.broadcast %mul3A_202 : f32 to vector<16xf32>
      %mul3A_204 = arith.mulf %get3A_201, %mul3A_203 : vector<16xf32>
      %swap3A_205 = arith.index_cast %add3A_175 : i32 to index
      %swap3A_206 = arith.constant 32 : index
      %swap3A_207 = tpu.vector_load %arg8[%swap3A_205, %swap3A_206] {strides = array<i32>} : memref<512x64xf32, #tpu.memory_space<vmem>>, vector<1x16xf32>,
      %swap3A_208 = vector.shape_cast %swap3A_207 : vector<1x16xf32> to vector<16xf32>
      %swap3A_209 = vector.shape_cast %mul3A_204 : vector<16xf32> to vector<1x16xf32>
      tpu.vector_store %arg8[%swap3A_205, %swap3A_206], %swap3A_209 {strides = array<i32>} : memref<512x64xf32, #tpu.memory_space<vmem>>, vector<1x16xf32>,
      %get3A_210 = arith.index_cast %add3A_175 : i32 to index
      %get3A_211 = arith.constant 48 : index
      %get3A_212 = tpu.vector_load %arg8[%get3A_210, %get3A_211] {strides = array<i32>} : memref<512x64xf32, #tpu.memory_space<vmem>>, vector<1x16xf32>,
      %get3A_213 = vector.shape_cast %get3A_212 : vector<1x16xf32> to vector<16xf32>
      %mul3A_214 = arith.constant 8.000000e+00 : f32
      %mul3A_215 = vector.broadcast %mul3A_214 : f32 to vector<16xf32>
      %mul3A_216 = arith.mulf %get3A_213, %mul3A_215 : vector<16xf32>
      %swap3A_217 = arith.index_cast %add3A_175 : i32 to index
      %swap3A_218 = arith.constant 48 : index
      %swap3A_219 = tpu.vector_load %arg8[%swap3A_217, %swap3A_218] {strides = array<i32>} : memref<512x64xf32, #tpu.memory_space<vmem>>, vector<1x16xf32>,
      %swap3A_220 = vector.shape_cast %swap3A_219 : vector<1x16xf32> to vector<16xf32>
      %swap3A_221 = vector.shape_cast %mul3A_216 : vector<16xf32> to vector<1x16xf32>
      tpu.vector_store %arg8[%swap3A_217, %swap3A_218], %swap3A_221 {strides = array<i32>} : memref<512x64xf32, #tpu.memory_space<vmem>>, vector<1x16xf32>,
      %scan3A_222 = arith.constant 1 : i32
      %scan3A_223 = arith.addi %scan3A_171, %scan3A_222 : i32
      %mul3A_224 = arith.constant 1 : i32
      %mul3A_225 = arith.muli %scan3A_223, %mul3A_224 : i32
      %add3A_226 = arith.constant 0 : i32
      %add3A_227 = arith.addi %add3A_226, %mul3A_225 : i32
      %get3A_228 = arith.index_cast %add3A_227 : i32 to index
      %get3A_229 = arith.constant 0 : index
      %get3A_230 = tpu.vector_load %arg8[%get3A_228, %get3A_229] {strides = array<i32>} : memref<512x64xf32, #tpu.memory_space<vmem>>, vector<1x16xf32>,
      %get3A_231 = vector.shape_cast %get3A_230 : vector<1x16xf32> to vector<16xf32>
      %mul3A_232 = arith.constant 8.000000e+00 : f32
      %mul3A_233 = vector.broadcast %mul3A_232 : f32 to vector<16xf32>
      %mul3A_234 = arith.mulf %get3A_231, %mul3A_233 : vector<16xf32>
      %swap3A_235 = arith.index_cast %add3A_227 : i32 to index
      %swap3A_236 = arith.constant 0 : index
      %swap3A_237 = tpu.vector_load %arg8[%swap3A_235, %swap3A_236] {strides = array<i32>} : memref<512x64xf32, #tpu.memory_space<vmem>>, vector<1x16xf32>,
      %swap3A_238 = vector.shape_cast %swap3A_237 : vector<1x16xf32> to vector<16xf32>
      %swap3A_239 = vector.shape_cast %mul3A_234 : vector<16xf32> to vector<1x16xf32>
      tpu.vector_store %arg8[%swap3A_235, %swap3A_236], %swap3A_239 {strides = array<i32>} : memref<512x64xf32, #tpu.memory_space<vmem>>, vector<1x16xf32>,
      %get3A_240 = arith.index_cast %add3A_227 : i32 to index
      %get3A_241 = arith.constant 16 : index
      %get3A_242 = tpu.vector_load %arg8[%get3A_240, %get3A_241] {strides = array<i32>} : memref<512x64xf32, #tpu.memory_space<vmem>>, vector<1x16xf32>,
      %get3A_243 = vector.shape_cast %get3A_242 : vector<1x16xf32> to vector<16xf32>
      %mul3A_244 = arith.constant 8.000000e+00 : f32
      %mul3A_245 = vector.broadcast %mul3A_244 : f32 to vector<16xf32>
      %mul3A_246 = arith.mulf %get3A_243, %mul3A_245 : vector<16xf32>
      %swap3A_247 = arith.index_cast %add3A_227 : i32 to index
      %swap3A_248 = arith.constant 16 : index
      %swap3A_249 = tpu.vector_load %arg8[%swap3A_247, %swap3A_248] {strides = array<i32>} : memref<512x64xf32, #tpu.memory_space<vmem>>, vector<1x16xf32>,
      %swap3A_250 = vector.shape_cast %swap3A_249 : vector<1x16xf32> to vector<16xf32>
      %swap3A_251 = vector.shape_cast %mul3A_246 : vector<16xf32> to vector<1x16xf32>
      tpu.vector_store %arg8[%swap3A_247, %swap3A_248], %swap3A_251 {strides = array<i32>} : memref<512x64xf32, #tpu.memory_space<vmem>>, vector<1x16xf32>,
      %get3A_252 = arith.index_cast %add3A_227 : i32 to index
      %get3A_253 = arith.constant 32 : index
      %get3A_254 = tpu.vector_load %arg8[%get3A_252, %get3A_253] {strides = array<i32>} : memref<512x64xf32, #tpu.memory_space<vmem>>, vector<1x16xf32>,
      %get3A_255 = vector.shape_cast %get3A_254 : vector<1x16xf32> to vector<16xf32>
      %mul3A_256 = arith.constant 8.000000e+00 : f32
      %mul3A_257 = vector.broadcast %mul3A_256 : f32 to vector<16xf32>
      %mul3A_258 = arith.mulf %get3A_255, %mul3A_257 : vector<16xf32>
      %swap3A_259 = arith.index_cast %add3A_227 : i32 to index
      %swap3A_260 = arith.constant 32 : index
      %swap3A_261 = tpu.vector_load %arg8[%swap3A_259, %swap3A_260] {strides = array<i32>} : memref<512x64xf32, #tpu.memory_space<vmem>>, vector<1x16xf32>,
      %swap3A_262 = vector.shape_cast %swap3A_261 : vector<1x16xf32> to vector<16xf32>
      %swap3A_263 = vector.shape_cast %mul3A_258 : vector<16xf32> to vector<1x16xf32>
      tpu.vector_store %arg8[%swap3A_259, %swap3A_260], %swap3A_263 {strides = array<i32>} : memref<512x64xf32, #tpu.memory_space<vmem>>, vector<1x16xf32>,
      %get3A_264 = arith.index_cast %add3A_227 : i32 to index
      %get3A_265 = arith.constant 48 : index
      %get3A_266 = tpu.vector_load %arg8[%get3A_264, %get3A_265] {strides = array<i32>} : memref<512x64xf32, #tpu.memory_space<vmem>>, vector<1x16xf32>,
      %get3A_267 = vector.shape_cast %get3A_266 : vector<1x16xf32> to vector<16xf32>
      %mul3A_268 = arith.constant 8.000000e+00 : f32
      %mul3A_269 = vector.broadcast %mul3A_268 : f32 to vector<16xf32>
      %mul3A_270 = arith.mulf %get3A_267, %mul3A_269 : vector<16xf32>
      %swap3A_271 = arith.index_cast %add3A_227 : i32 to index
      %swap3A_272 = arith.constant 48 : index
      %swap3A_273 = tpu.vector_load %arg8[%swap3A_271, %swap3A_272] {strides = array<i32>} : memref<512x64xf32, #tpu.memory_space<vmem>>, vector<1x16xf32>,
      %swap3A_274 = vector.shape_cast %swap3A_273 : vector<1x16xf32> to vector<16xf32>
      %swap3A_275 = vector.shape_cast %mul3A_270 : vector<16xf32> to vector<1x16xf32>
      tpu.vector_store %arg8[%swap3A_271, %swap3A_272], %swap3A_275 {strides = array<i32>} : memref<512x64xf32, #tpu.memory_space<vmem>>, vector<1x16xf32>,
      %scan3A_276 = arith.constant 2 : i32
      %scan3A_277 = arith.addi %scan3A_171, %scan3A_276 : i32
      %mul3A_278 = arith.constant 1 : i32
      %mul3A_279 = arith.muli %scan3A_277, %mul3A_278 : i32
      %add3A_280 = arith.constant 0 : i32
      %add3A_281 = arith.addi %add3A_280, %mul3A_279 : i32
      %get3A_282 = arith.index_cast %add3A_281 : i32 to index
      %get3A_283 = arith.constant 0 : index
      %get3A_284 = tpu.vector_load %arg8[%get3A_282, %get3A_283] {strides = array<i32>} : memref<512x64xf32, #tpu.memory_space<vmem>>, vector<1x16xf32>,
      %get3A_285 = vector.shape_cast %get3A_284 : vector<1x16xf32> to vector<16xf32>
      %mul3A_286 = arith.constant 8.000000e+00 : f32
      %mul3A_287 = vector.broadcast %mul3A_286 : f32 to vector<16xf32>
      %mul3A_288 = arith.mulf %get3A_285, %mul3A_287 : vector<16xf32>
      %swap3A_289 = arith.index_cast %add3A_281 : i32 to index
      %swap3A_290 = arith.constant 0 : index
      %swap3A_291 = tpu.vector_load %arg8[%swap3A_289, %swap3A_290] {strides = array<i32>} : memref<512x64xf32, #tpu.memory_space<vmem>>, vector<1x16xf32>,
      %swap3A_292 = vector.shape_cast %swap3A_291 : vector<1x16xf32> to vector<16xf32>
      %swap3A_293 = vector.shape_cast %mul3A_288 : vector<16xf32> to vector<1x16xf32>
      tpu.vector_store %arg8[%swap3A_289, %swap3A_290], %swap3A_293 {strides = array<i32>} : memref<512x64xf32, #tpu.memory_space<vmem>>, vector<1x16xf32>,
      %get3A_294 = arith.index_cast %add3A_281 : i32 to index
      %get3A_295 = arith.constant 16 : index
      %get3A_296 = tpu.vector_load %arg8[%get3A_294, %get3A_295] {strides = array<i32>} : memref<512x64xf32, #tpu.memory_space<vmem>>, vector<1x16xf32>,
      %get3A_297 = vector.shape_cast %get3A_296 : vector<1x16xf32> to vector<16xf32>
      %mul3A_298 = arith.constant 8.000000e+00 : f32
      %mul3A_299 = vector.broadcast %mul3A_298 : f32 to vector<16xf32>
      %mul3A_300 = arith.mulf %get3A_297, %mul3A_299 : vector<16xf32>
      %swap3A_301 = arith.index_cast %add3A_281 : i32 to index
      %swap3A_302 = arith.constant 16 : index
      %swap3A_303 = tpu.vector_load %arg8[%swap3A_301, %swap3A_302] {strides = array<i32>} : memref<512x64xf32, #tpu.memory_space<vmem>>, vector<1x16xf32>,
      %swap3A_304 = vector.shape_cast %swap3A_303 : vector<1x16xf32> to vector<16xf32>
      %swap3A_305 = vector.shape_cast %mul3A_300 : vector<16xf32> to vector<1x16xf32>
      tpu.vector_store %arg8[%swap3A_301, %swap3A_302], %swap3A_305 {strides = array<i32>} : memref<512x64xf32, #tpu.memory_space<vmem>>, vector<1x16xf32>,
      %get3A_306 = arith.index_cast %add3A_281 : i32 to index
      %get3A_307 = arith.constant 32 : index
      %get3A_308 = tpu.vector_load %arg8[%get3A_306, %get3A_307] {strides = array<i32>} : memref<512x64xf32, #tpu.memory_space<vmem>>, vector<1x16xf32>,
      %get3A_309 = vector.shape_cast %get3A_308 : vector<1x16xf32> to vector<16xf32>
      %mul3A_310 = arith.constant 8.000000e+00 : f32
      %mul3A_311 = vector.broadcast %mul3A_310 : f32 to vector<16xf32>
      %mul3A_312 = arith.mulf %get3A_309, %mul3A_311 : vector<16xf32>
      %swap3A_313 = arith.index_cast %add3A_281 : i32 to index
      %swap3A_314 = arith.constant 32 : index
      %swap3A_315 = tpu.vector_load %arg8[%swap3A_313, %swap3A_314] {strides = array<i32>} : memref<512x64xf32, #tpu.memory_space<vmem>>, vector<1x16xf32>,
      %swap3A_316 = vector.shape_cast %swap3A_315 : vector<1x16xf32> to vector<16xf32>
      %swap3A_317 = vector.shape_cast %mul3A_312 : vector<16xf32> to vector<1x16xf32>
      tpu.vector_store %arg8[%swap3A_313, %swap3A_314], %swap3A_317 {strides = array<i32>} : memref<512x64xf32, #tpu.memory_space<vmem>>, vector<1x16xf32>,
      %get3A_318 = arith.index_cast %add3A_281 : i32 to index
      %get3A_319 = arith.constant 48 : index
      %get3A_320 = tpu.vector_load %arg8[%get3A_318, %get3A_319] {strides = array<i32>} : memref<512x64xf32, #tpu.memory_space<vmem>>, vector<1x16xf32>,
      %get3A_321 = vector.shape_cast %get3A_320 : vector<1x16xf32> to vector<16xf32>
      %mul3A_322 = arith.constant 8.000000e+00 : f32
      %mul3A_323 = vector.broadcast %mul3A_322 : f32 to vector<16xf32>
      %mul3A_324 = arith.mulf %get3A_321, %mul3A_323 : vector<16xf32>
      %swap3A_325 = arith.index_cast %add3A_281 : i32 to index
      %swap3A_326 = arith.constant 48 : index
      %swap3A_327 = tpu.vector_load %arg8[%swap3A_325, %swap3A_326] {strides = array<i32>} : memref<512x64xf32, #tpu.memory_space<vmem>>, vector<1x16xf32>,
      %swap3A_328 = vector.shape_cast %swap3A_327 : vector<1x16xf32> to vector<16xf32>
      %swap3A_329 = vector.shape_cast %mul3A_324 : vector<16xf32> to vector<1x16xf32>
      tpu.vector_store %arg8[%swap3A_325, %swap3A_326], %swap3A_329 {strides = array<i32>} : memref<512x64xf32, #tpu.memory_space<vmem>>, vector<1x16xf32>,
      %scan3A_330 = arith.constant 3 : i32
      %scan3A_331 = arith.addi %scan3A_171, %scan3A_330 : i32
      %mul3A_332 = arith.constant 1 : i32
      %mul3A_333 = arith.muli %scan3A_331, %mul3A_332 : i32
      %add3A_334 = arith.constant 0 : i32
      %add3A_335 = arith.addi %add3A_334, %mul3A_333 : i32
      %get3A_336 = arith.index_cast %add3A_335 : i32 to index
      %get3A_337 = arith.constant 0 : index
      %get3A_338 = tpu.vector_load %arg8[%get3A_336, %get3A_337] {strides = array<i32>} : memref<512x64xf32, #tpu.memory_space<vmem>>, vector<1x16xf32>,
      %get3A_339 = vector.shape_cast %get3A_338 : vector<1x16xf32> to vector<16xf32>
      %mul3A_340 = arith.constant 8.000000e+00 : f32
      %mul3A_341 = vector.broadcast %mul3A_340 : f32 to vector<16xf32>
      %mul3A_342 = arith.mulf %get3A_339, %mul3A_341 : vector<16xf32>
      %swap3A_343 = arith.index_cast %add3A_335 : i32 to index
      %swap3A_344 = arith.constant 0 : index
      %swap3A_345 = tpu.vector_load %arg8[%swap3A_343, %swap3A_344] {strides = array<i32>} : memref<512x64xf32, #tpu.memory_space<vmem>>, vector<1x16xf32>,
      %swap3A_346 = vector.shape_cast %swap3A_345 : vector<1x16xf32> to vector<16xf32>
      %swap3A_347 = vector.shape_cast %mul3A_342 : vector<16xf32> to vector<1x16xf32>
      tpu.vector_store %arg8[%swap3A_343, %swap3A_344], %swap3A_347 {strides = array<i32>} : memref<512x64xf32, #tpu.memory_space<vmem>>, vector<1x16xf32>,
      %get3A_348 = arith.index_cast %add3A_335 : i32 to index
      %get3A_349 = arith.constant 16 : index
      %get3A_350 = tpu.vector_load %arg8[%get3A_348, %get3A_349] {strides = array<i32>} : memref<512x64xf32, #tpu.memory_space<vmem>>, vector<1x16xf32>,
      %get3A_351 = vector.shape_cast %get3A_350 : vector<1x16xf32> to vector<16xf32>
      %mul3A_352 = arith.constant 8.000000e+00 : f32
      %mul3A_353 = vector.broadcast %mul3A_352 : f32 to vector<16xf32>
      %mul3A_354 = arith.mulf %get3A_351, %mul3A_353 : vector<16xf32>
      %swap3A_355 = arith.index_cast %add3A_335 : i32 to index
      %swap3A_356 = arith.constant 16 : index
      %swap3A_357 = tpu.vector_load %arg8[%swap3A_355, %swap3A_356] {strides = array<i32>} : memref<512x64xf32, #tpu.memory_space<vmem>>, vector<1x16xf32>,
      %swap3A_358 = vector.shape_cast %swap3A_357 : vector<1x16xf32> to vector<16xf32>
      %swap3A_359 = vector.shape_cast %mul3A_354 : vector<16xf32> to vector<1x16xf32>
      tpu.vector_store %arg8[%swap3A_355, %swap3A_356], %swap3A_359 {strides = array<i32>} : memref<512x64xf32, #tpu.memory_space<vmem>>, vector<1x16xf32>,
      %get3A_360 = arith.index_cast %add3A_335 : i32 to index
      %get3A_361 = arith.constant 32 : index
      %get3A_362 = tpu.vector_load %arg8[%get3A_360, %get3A_361] {strides = array<i32>} : memref<512x64xf32, #tpu.memory_space<vmem>>, vector<1x16xf32>,
      %get3A_363 = vector.shape_cast %get3A_362 : vector<1x16xf32> to vector<16xf32>
      %mul3A_364 = arith.constant 8.000000e+00 : f32
      %mul3A_365 = vector.broadcast %mul3A_364 : f32 to vector<16xf32>
      %mul3A_366 = arith.mulf %get3A_363, %mul3A_365 : vector<16xf32>
      %swap3A_367 = arith.index_cast %add3A_335 : i32 to index
      %swap3A_368 = arith.constant 32 : index
      %swap3A_369 = tpu.vector_load %arg8[%swap3A_367, %swap3A_368] {strides = array<i32>} : memref<512x64xf32, #tpu.memory_space<vmem>>, vector<1x16xf32>,
      %swap3A_370 = vector.shape_cast %swap3A_369 : vector<1x16xf32> to vector<16xf32>
      %swap3A_371 = vector.shape_cast %mul3A_366 : vector<16xf32> to vector<1x16xf32>
      tpu.vector_store %arg8[%swap3A_367, %swap3A_368], %swap3A_371 {strides = array<i32>} : memref<512x64xf32, #tpu.memory_space<vmem>>, vector<1x16xf32>,
      %get3A_372 = arith.index_cast %add3A_335 : i32 to index
      %get3A_373 = arith.constant 48 : index
      %get3A_374 = tpu.vector_load %arg8[%get3A_372, %get3A_373] {strides = array<i32>} : memref<512x64xf32, #tpu.memory_space<vmem>>, vector<1x16xf32>,
      %get3A_375 = vector.shape_cast %get3A_374 : vector<1x16xf32> to vector<16xf32>
      %mul3A_376 = arith.constant 8.000000e+00 : f32
      %mul3A_377 = vector.broadcast %mul3A_376 : f32 to vector<16xf32>
      %mul3A_378 = arith.mulf %get3A_375, %mul3A_377 : vector<16xf32>
      %swap3A_379 = arith.index_cast %add3A_335 : i32 to index
      %swap3A_380 = arith.constant 48 : index
      %swap3A_381 = tpu.vector_load %arg8[%swap3A_379, %swap3A_380] {strides = array<i32>} : memref<512x64xf32, #tpu.memory_space<vmem>>, vector<1x16xf32>,
      %swap3A_382 = vector.shape_cast %swap3A_381 : vector<1x16xf32> to vector<16xf32>
      %swap3A_383 = vector.shape_cast %mul3A_378 : vector<16xf32> to vector<1x16xf32>
      tpu.vector_store %arg8[%swap3A_379, %swap3A_380], %swap3A_383 {strides = array<i32>} : memref<512x64xf32, #tpu.memory_space<vmem>>, vector<1x16xf32>,
      %scan3A_384 = arith.constant 4 : i32
      %scan3A_385 = arith.addi %scan3A_171, %scan3A_384 : i32
      %mul3A_386 = arith.constant 1 : i32
      %mul3A_387 = arith.muli %scan3A_385, %mul3A_386 : i32
      %add3A_388 = arith.constant 0 : i32
      %add3A_389 = arith.addi %add3A_388, %mul3A_387 : i32
      %get3A_390 = arith.index_cast %add3A_389 : i32 to index
      %get3A_391 = arith.constant 0 : index
      %get3A_392 = tpu.vector_load %arg8[%get3A_390, %get3A_391] {strides = array<i32>} : memref<512x64xf32, #tpu.memory_space<vmem>>, vector<1x16xf32>,
      %get3A_393 = vector.shape_cast %get3A_392 : vector<1x16xf32> to vector<16xf32>
      %mul3A_394 = arith.constant 8.000000e+00 : f32
      %mul3A_395 = vector.broadcast %mul3A_394 : f32 to vector<16xf32>
      %mul3A_396 = arith.mulf %get3A_393, %mul3A_395 : vector<16xf32>
      %swap3A_397 = arith.index_cast %add3A_389 : i32 to index
      %swap3A_398 = arith.constant 0 : index
      %swap3A_399 = tpu.vector_load %arg8[%swap3A_397, %swap3A_398] {strides = array<i32>} : memref<512x64xf32, #tpu.memory_space<vmem>>, vector<1x16xf32>,
      %swap3A_400 = vector.shape_cast %swap3A_399 : vector<1x16xf32> to vector<16xf32>
      %swap3A_401 = vector.shape_cast %mul3A_396 : vector<16xf32> to vector<1x16xf32>
      tpu.vector_store %arg8[%swap3A_397, %swap3A_398], %swap3A_401 {strides = array<i32>} : memref<512x64xf32, #tpu.memory_space<vmem>>, vector<1x16xf32>,
      %get3A_402 = arith.index_cast %add3A_389 : i32 to index
      %get3A_403 = arith.constant 16 : index
      %get3A_404 = tpu.vector_load %arg8[%get3A_402, %get3A_403] {strides = array<i32>} : memref<512x64xf32, #tpu.memory_space<vmem>>, vector<1x16xf32>,
      %get3A_405 = vector.shape_cast %get3A_404 : vector<1x16xf32> to vector<16xf32>
      %mul3A_406 = arith.constant 8.000000e+00 : f32
      %mul3A_407 = vector.broadcast %mul3A_406 : f32 to vector<16xf32>
      %mul3A_408 = arith.mulf %get3A_405, %mul3A_407 : vector<16xf32>
      %swap3A_409 = arith.index_cast %add3A_389 : i32 to index
      %swap3A_410 = arith.constant 16 : index
      %swap3A_411 = tpu.vector_load %arg8[%swap3A_409, %swap3A_410] {strides = array<i32>} : memref<512x64xf32, #tpu.memory_space<vmem>>, vector<1x16xf32>,
      %swap3A_412 = vector.shape_cast %swap3A_411 : vector<1x16xf32> to vector<16xf32>
      %swap3A_413 = vector.shape_cast %mul3A_408 : vector<16xf32> to vector<1x16xf32>
      tpu.vector_store %arg8[%swap3A_409, %swap3A_410], %swap3A_413 {strides = array<i32>} : memref<512x64xf32, #tpu.memory_space<vmem>>, vector<1x16xf32>,
      %get3A_414 = arith.index_cast %add3A_389 : i32 to index
      %get3A_415 = arith.constant 32 : index
      %get3A_416 = tpu.vector_load %arg8[%get3A_414, %get3A_415] {strides = array<i32>} : memref<512x64xf32, #tpu.memory_space<vmem>>, vector<1x16xf32>,
      %get3A_417 = vector.shape_cast %get3A_416 : vector<1x16xf32> to vector<16xf32>
      %mul3A_418 = arith.constant 8.000000e+00 : f32
      %mul3A_419 = vector.broadcast %mul3A_418 : f32 to vector<16xf32>
      %mul3A_420 = arith.mulf %get3A_417, %mul3A_419 : vector<16xf32>
      %swap3A_421 = arith.index_cast %add3A_389 : i32 to index
      %swap3A_422 = arith.constant 32 : index
      %swap3A_423 = tpu.vector_load %arg8[%swap3A_421, %swap3A_422] {strides = array<i32>} : memref<512x64xf32, #tpu.memory_space<vmem>>, vector<1x16xf32>,
      %swap3A_424 = vector.shape_cast %swap3A_423 : vector<1x16xf32> to vector<16xf32>
      %swap3A_425 = vector.shape_cast %mul3A_420 : vector<16xf32> to vector<1x16xf32>
      tpu.vector_store %arg8[%swap3A_421, %swap3A_422], %swap3A_425 {strides = array<i32>} : memref<512x64xf32, #tpu.memory_space<vmem>>, vector<1x16xf32>,
      %get3A_426 = arith.index_cast %add3A_389 : i32 to index
      %get3A_427 = arith.constant 48 : index
      %get3A_428 = tpu.vector_load %arg8[%get3A_426, %get3A_427] {strides = array<i32>} : memref<512x64xf32, #tpu.memory_space<vmem>>, vector<1x16xf32>,
      %get3A_429 = vector.shape_cast %get3A_428 : vector<1x16xf32> to vector<16xf32>
      %mul3A_430 = arith.constant 8.000000e+00 : f32
      %mul3A_431 = vector.broadcast %mul3A_430 : f32 to vector<16xf32>
      %mul3A_432 = arith.mulf %get3A_429, %mul3A_431 : vector<16xf32>
      %swap3A_433 = arith.index_cast %add3A_389 : i32 to index
      %swap3A_434 = arith.constant 48 : index
      %swap3A_435 = tpu.vector_load %arg8[%swap3A_433, %swap3A_434] {strides = array<i32>} : memref<512x64xf32, #tpu.memory_space<vmem>>, vector<1x16xf32>,
      %swap3A_436 = vector.shape_cast %swap3A_435 : vector<1x16xf32> to vector<16xf32>
      %swap3A_437 = vector.shape_cast %mul3A_432 : vector<16xf32> to vector<1x16xf32>
      tpu.vector_store %arg8[%swap3A_433, %swap3A_434], %swap3A_437 {strides = array<i32>} : memref<512x64xf32, #tpu.memory_space<vmem>>, vector<1x16xf32>,
      %scan3A_438 = arith.constant 5 : i32
      %scan3A_439 = arith.addi %scan3A_171, %scan3A_438 : i32
      %mul3A_440 = arith.constant 1 : i32
      %mul3A_441 = arith.muli %scan3A_439, %mul3A_440 : i32
      %add3A_442 = arith.constant 0 : i32
      %add3A_443 = arith.addi %add3A_442, %mul3A_441 : i32
      %get3A_444 = arith.index_cast %add3A_443 : i32 to index
      %get3A_445 = arith.constant 0 : index
      %get3A_446 = tpu.vector_load %arg8[%get3A_444, %get3A_445] {strides = array<i32>} : memref<512x64xf32, #tpu.memory_space<vmem>>, vector<1x16xf32>,
      %get3A_447 = vector.shape_cast %get3A_446 : vector<1x16xf32> to vector<16xf32>
      %mul3A_448 = arith.constant 8.000000e+00 : f32
      %mul3A_449 = vector.broadcast %mul3A_448 : f32 to vector<16xf32>
      %mul3A_450 = arith.mulf %get3A_447, %mul3A_449 : vector<16xf32>
      %swap3A_451 = arith.index_cast %add3A_443 : i32 to index
      %swap3A_452 = arith.constant 0 : index
      %swap3A_453 = tpu.vector_load %arg8[%swap3A_451, %swap3A_452] {strides = array<i32>} : memref<512x64xf32, #tpu.memory_space<vmem>>, vector<1x16xf32>,
      %swap3A_454 = vector.shape_cast %swap3A_453 : vector<1x16xf32> to vector<16xf32>
      %swap3A_455 = vector.shape_cast %mul3A_450 : vector<16xf32> to vector<1x16xf32>
      tpu.vector_store %arg8[%swap3A_451, %swap3A_452], %swap3A_455 {strides = array<i32>} : memref<512x64xf32, #tpu.memory_space<vmem>>, vector<1x16xf32>,
      %get3A_456 = arith.index_cast %add3A_443 : i32 to index
      %get3A_457 = arith.constant 16 : index
      %get3A_458 = tpu.vector_load %arg8[%get3A_456, %get3A_457] {strides = array<i32>} : memref<512x64xf32, #tpu.memory_space<vmem>>, vector<1x16xf32>,
      %get3A_459 = vector.shape_cast %get3A_458 : vector<1x16xf32> to vector<16xf32>
      %mul3A_460 = arith.constant 8.000000e+00 : f32
      %mul3A_461 = vector.broadcast %mul3A_460 : f32 to vector<16xf32>
      %mul3A_462 = arith.mulf %get3A_459, %mul3A_461 : vector<16xf32>
      %swap3A_463 = arith.index_cast %add3A_443 : i32 to index
      %swap3A_464 = arith.constant 16 : index
      %swap3A_465 = tpu.vector_load %arg8[%swap3A_463, %swap3A_464] {strides = array<i32>} : memref<512x64xf32, #tpu.memory_space<vmem>>, vector<1x16xf32>,
      %swap3A_466 = vector.shape_cast %swap3A_465 : vector<1x16xf32> to vector<16xf32>
      %swap3A_467 = vector.shape_cast %mul3A_462 : vector<16xf32> to vector<1x16xf32>
      tpu.vector_store %arg8[%swap3A_463, %swap3A_464], %swap3A_467 {strides = array<i32>} : memref<512x64xf32, #tpu.memory_space<vmem>>, vector<1x16xf32>,
      %get3A_468 = arith.index_cast %add3A_443 : i32 to index
      %get3A_469 = arith.constant 32 : index
      %get3A_470 = tpu.vector_load %arg8[%get3A_468, %get3A_469] {strides = array<i32>} : memref<512x64xf32, #tpu.memory_space<vmem>>, vector<1x16xf32>,
      %get3A_471 = vector.shape_cast %get3A_470 : vector<1x16xf32> to vector<16xf32>
      %mul3A_472 = arith.constant 8.000000e+00 : f32
      %mul3A_473 = vector.broadcast %mul3A_472 : f32 to vector<16xf32>
      %mul3A_474 = arith.mulf %get3A_471, %mul3A_473 : vector<16xf32>
      %swap3A_475 = arith.index_cast %add3A_443 : i32 to index
      %swap3A_476 = arith.constant 32 : index
      %swap3A_477 = tpu.vector_load %arg8[%swap3A_475, %swap3A_476] {strides = array<i32>} : memref<512x64xf32, #tpu.memory_space<vmem>>, vector<1x16xf32>,
      %swap3A_478 = vector.shape_cast %swap3A_477 : vector<1x16xf32> to vector<16xf32>
      %swap3A_479 = vector.shape_cast %mul3A_474 : vector<16xf32> to vector<1x16xf32>
      tpu.vector_store %arg8[%swap3A_475, %swap3A_476], %swap3A_479 {strides = array<i32>} : memref<512x64xf32, #tpu.memory_space<vmem>>, vector<1x16xf32>,
      %get3A_480 = arith.index_cast %add3A_443 : i32 to index
      %get3A_481 = arith.constant 48 : index
      %get3A_482 = tpu.vector_load %arg8[%get3A_480, %get3A_481] {strides = array<i32>} : memref<512x64xf32, #tpu.memory_space<vmem>>, vector<1x16xf32>,
      %get3A_483 = vector.shape_cast %get3A_482 : vector<1x16xf32> to vector<16xf32>
      %mul3A_484 = arith.constant 8.000000e+00 : f32
      %mul3A_485 = vector.broadcast %mul3A_484 : f32 to vector<16xf32>
      %mul3A_486 = arith.mulf %get3A_483, %mul3A_485 : vector<16xf32>
      %swap3A_487 = arith.index_cast %add3A_443 : i32 to index
      %swap3A_488 = arith.constant 48 : index
      %swap3A_489 = tpu.vector_load %arg8[%swap3A_487, %swap3A_488] {strides = array<i32>} : memref<512x64xf32, #tpu.memory_space<vmem>>, vector<1x16xf32>,
      %swap3A_490 = vector.shape_cast %swap3A_489 : vector<1x16xf32> to vector<16xf32>
      %swap3A_491 = vector.shape_cast %mul3A_486 : vector<16xf32> to vector<1x16xf32>
      tpu.vector_store %arg8[%swap3A_487, %swap3A_488], %swap3A_491 {strides = array<i32>} : memref<512x64xf32, #tpu.memory_space<vmem>>, vector<1x16xf32>,
      %scan3A_492 = arith.constant 6 : i32
      %scan3A_493 = arith.addi %scan3A_171, %scan3A_492 : i32
      %mul3A_494 = arith.constant 1 : i32
      %mul3A_495 = arith.muli %scan3A_493, %mul3A_494 : i32
      %add3A_496 = arith.constant 0 : i32
      %add3A_497 = arith.addi %add3A_496, %mul3A_495 : i32
      %get3A_498 = arith.index_cast %add3A_497 : i32 to index
      %get3A_499 = arith.constant 0 : index
      %get3A_500 = tpu.vector_load %arg8[%get3A_498, %get3A_499] {strides = array<i32>} : memref<512x64xf32, #tpu.memory_space<vmem>>, vector<1x16xf32>,
      %get3A_501 = vector.shape_cast %get3A_500 : vector<1x16xf32> to vector<16xf32>
      %mul3A_502 = arith.constant 8.000000e+00 : f32
      %mul3A_503 = vector.broadcast %mul3A_502 : f32 to vector<16xf32>
      %mul3A_504 = arith.mulf %get3A_501, %mul3A_503 : vector<16xf32>
      %swap3A_505 = arith.index_cast %add3A_497 : i32 to index
      %swap3A_506 = arith.constant 0 : index
      %swap3A_507 = tpu.vector_load %arg8[%swap3A_505, %swap3A_506] {strides = array<i32>} : memref<512x64xf32, #tpu.memory_space<vmem>>, vector<1x16xf32>,
      %swap3A_508 = vector.shape_cast %swap3A_507 : vector<1x16xf32> to vector<16xf32>
      %swap3A_509 = vector.shape_cast %mul3A_504 : vector<16xf32> to vector<1x16xf32>
      tpu.vector_store %arg8[%swap3A_505, %swap3A_506], %swap3A_509 {strides = array<i32>} : memref<512x64xf32, #tpu.memory_space<vmem>>, vector<1x16xf32>,
      %get3A_510 = arith.index_cast %add3A_497 : i32 to index
      %get3A_511 = arith.constant 16 : index
      %get3A_512 = tpu.vector_load %arg8[%get3A_510, %get3A_511] {strides = array<i32>} : memref<512x64xf32, #tpu.memory_space<vmem>>, vector<1x16xf32>,
      %get3A_513 = vector.shape_cast %get3A_512 : vector<1x16xf32> to vector<16xf32>
      %mul3A_514 = arith.constant 8.000000e+00 : f32
      %mul3A_515 = vector.broadcast %mul3A_514 : f32 to vector<16xf32>
      %mul3A_516 = arith.mulf %get3A_513, %mul3A_515 : vector<16xf32>
      %swap3A_517 = arith.index_cast %add3A_497 : i32 to index
      %swap3A_518 = arith.constant 16 : index
      %swap3A_519 = tpu.vector_load %arg8[%swap3A_517, %swap3A_518] {strides = array<i32>} : memref<512x64xf32, #tpu.memory_space<vmem>>, vector<1x16xf32>,
      %swap3A_520 = vector.shape_cast %swap3A_519 : vector<1x16xf32> to vector<16xf32>
      %swap3A_521 = vector.shape_cast %mul3A_516 : vector<16xf32> to vector<1x16xf32>
      tpu.vector_store %arg8[%swap3A_517, %swap3A_518], %swap3A_521 {strides = array<i32>} : memref<512x64xf32, #tpu.memory_space<vmem>>, vector<1x16xf32>,
      %get3A_522 = arith.index_cast %add3A_497 : i32 to index
      %get3A_523 = arith.constant 32 : index
      %get3A_524 = tpu.vector_load %arg8[%get3A_522, %get3A_523] {strides = array<i32>} : memref<512x64xf32, #tpu.memory_space<vmem>>, vector<1x16xf32>,
      %get3A_525 = vector.shape_cast %get3A_524 : vector<1x16xf32> to vector<16xf32>
      %mul3A_526 = arith.constant 8.000000e+00 : f32
      %mul3A_527 = vector.broadcast %mul3A_526 : f32 to vector<16xf32>
      %mul3A_528 = arith.mulf %get3A_525, %mul3A_527 : vector<16xf32>
      %swap3A_529 = arith.index_cast %add3A_497 : i32 to index
      %swap3A_530 = arith.constant 32 : index
      %swap3A_531 = tpu.vector_load %arg8[%swap3A_529, %swap3A_530] {strides = array<i32>} : memref<512x64xf32, #tpu.memory_space<vmem>>, vector<1x16xf32>,
      %swap3A_532 = vector.shape_cast %swap3A_531 : vector<1x16xf32> to vector<16xf32>
      %swap3A_533 = vector.shape_cast %mul3A_528 : vector<16xf32> to vector<1x16xf32>
      tpu.vector_store %arg8[%swap3A_529, %swap3A_530], %swap3A_533 {strides = array<i32>} : memref<512x64xf32, #tpu.memory_space<vmem>>, vector<1x16xf32>,
      %get3A_534 = arith.index_cast %add3A_497 : i32 to index
      %get3A_535 = arith.constant 48 : index
      %get3A_536 = tpu.vector_load %arg8[%get3A_534, %get3A_535] {strides = array<i32>} : memref<512x64xf32, #tpu.memory_space<vmem>>, vector<1x16xf32>,
      %get3A_537 = vector.shape_cast %get3A_536 : vector<1x16xf32> to vector<16xf32>
      %mul3A_538 = arith.constant 8.000000e+00 : f32
      %mul3A_539 = vector.broadcast %mul3A_538 : f32 to vector<16xf32>
      %mul3A_540 = arith.mulf %get3A_537, %mul3A_539 : vector<16xf32>
      %swap3A_541 = arith.index_cast %add3A_497 : i32 to index
      %swap3A_542 = arith.constant 48 : index
      %swap3A_543 = tpu.vector_load %arg8[%swap3A_541, %swap3A_542] {strides = array<i32>} : memref<512x64xf32, #tpu.memory_space<vmem>>, vector<1x16xf32>,
      %swap3A_544 = vector.shape_cast %swap3A_543 : vector<1x16xf32> to vector<16xf32>
      %swap3A_545 = vector.shape_cast %mul3A_540 : vector<16xf32> to vector<1x16xf32>
      tpu.vector_store %arg8[%swap3A_541, %swap3A_542], %swap3A_545 {strides = array<i32>} : memref<512x64xf32, #tpu.memory_space<vmem>>, vector<1x16xf32>,
      %scan3A_546 = arith.constant 7 : i32
      %scan3A_547 = arith.addi %scan3A_171, %scan3A_546 : i32
      %mul3A_548 = arith.constant 1 : i32
      %mul3A_549 = arith.muli %scan3A_547, %mul3A_548 : i32
      %add3A_550 = arith.constant 0 : i32
      %add3A_551 = arith.addi %add3A_550, %mul3A_549 : i32
      %get3A_552 = arith.index_cast %add3A_551 : i32 to index
      %get3A_553 = arith.constant 0 : index
      %get3A_554 = tpu.vector_load %arg8[%get3A_552, %get3A_553] {strides = array<i32>} : memref<512x64xf32, #tpu.memory_space<vmem>>, vector<1x16xf32>,
      %get3A_555 = vector.shape_cast %get3A_554 : vector<1x16xf32> to vector<16xf32>
      %mul3A_556 = arith.constant 8.000000e+00 : f32
      %mul3A_557 = vector.broadcast %mul3A_556 : f32 to vector<16xf32>
      %mul3A_558 = arith.mulf %get3A_555, %mul3A_557 : vector<16xf32>
      %swap3A_559 = arith.index_cast %add3A_551 : i32 to index
      %swap3A_560 = arith.constant 0 : index
      %swap3A_561 = tpu.vector_load %arg8[%swap3A_559, %swap3A_560] {strides = array<i32>} : memref<512x64xf32, #tpu.memory_space<vmem>>, vector<1x16xf32>,
      %swap3A_562 = vector.shape_cast %swap3A_561 : vector<1x16xf32> to vector<16xf32>
      %swap3A_563 = vector.shape_cast %mul3A_558 : vector<16xf32> to vector<1x16xf32>
      tpu.vector_store %arg8[%swap3A_559, %swap3A_560], %swap3A_563 {strides = array<i32>} : memref<512x64xf32, #tpu.memory_space<vmem>>, vector<1x16xf32>,
      %get3A_564 = arith.index_cast %add3A_551 : i32 to index
      %get3A_565 = arith.constant 16 : index
      %get3A_566 = tpu.vector_load %arg8[%get3A_564, %get3A_565] {strides = array<i32>} : memref<512x64xf32, #tpu.memory_space<vmem>>, vector<1x16xf32>,
      %get3A_567 = vector.shape_cast %get3A_566 : vector<1x16xf32> to vector<16xf32>
      %mul3A_568 = arith.constant 8.000000e+00 : f32
      %mul3A_569 = vector.broadcast %mul3A_568 : f32 to vector<16xf32>
      %mul3A_570 = arith.mulf %get3A_567, %mul3A_569 : vector<16xf32>
      %swap3A_571 = arith.index_cast %add3A_551 : i32 to index
      %swap3A_572 = arith.constant 16 : index
      %swap3A_573 = tpu.vector_load %arg8[%swap3A_571, %swap3A_572] {strides = array<i32>} : memref<512x64xf32, #tpu.memory_space<vmem>>, vector<1x16xf32>,
      %swap3A_574 = vector.shape_cast %swap3A_573 : vector<1x16xf32> to vector<16xf32>
      %swap3A_575 = vector.shape_cast %mul3A_570 : vector<16xf32> to vector<1x16xf32>
      tpu.vector_store %arg8[%swap3A_571, %swap3A_572], %swap3A_575 {strides = array<i32>} : memref<512x64xf32, #tpu.memory_space<vmem>>, vector<1x16xf32>,
      %get3A_576 = arith.index_cast %add3A_551 : i32 to index
      %get3A_577 = arith.constant 32 : index
      %get3A_578 = tpu.vector_load %arg8[%get3A_576, %get3A_577] {strides = array<i32>} : memref<512x64xf32, #tpu.memory_space<vmem>>, vector<1x16xf32>,
      %get3A_579 = vector.shape_cast %get3A_578 : vector<1x16xf32> to vector<16xf32>
      %mul3A_580 = arith.constant 8.000000e+00 : f32
      %mul3A_581 = vector.broadcast %mul3A_580 : f32 to vector<16xf32>
      %mul3A_582 = arith.mulf %get3A_579, %mul3A_581 : vector<16xf32>
      %swap3A_583 = arith.index_cast %add3A_551 : i32 to index
      %swap3A_584 = arith.constant 32 : index
      %swap3A_585 = tpu.vector_load %arg8[%swap3A_583, %swap3A_584] {strides = array<i32>} : memref<512x64xf32, #tpu.memory_space<vmem>>, vector<1x16xf32>,
      %swap3A_586 = vector.shape_cast %swap3A_585 : vector<1x16xf32> to vector<16xf32>
      %swap3A_587 = vector.shape_cast %mul3A_582 : vector<16xf32> to vector<1x16xf32>
      tpu.vector_store %arg8[%swap3A_583, %swap3A_584], %swap3A_587 {strides = array<i32>} : memref<512x64xf32, #tpu.memory_space<vmem>>, vector<1x16xf32>,
      %get3A_588 = arith.index_cast %add3A_551 : i32 to index
      %get3A_589 = arith.constant 48 : index
      %get3A_590 = tpu.vector_load %arg8[%get3A_588, %get3A_589] {strides = array<i32>} : memref<512x64xf32, #tpu.memory_space<vmem>>, vector<1x16xf32>,
      %get3A_591 = vector.shape_cast %get3A_590 : vector<1x16xf32> to vector<16xf32>
      %mul3A_592 = arith.constant 8.000000e+00 : f32
      %mul3A_593 = vector.broadcast %mul3A_592 : f32 to vector<16xf32>
      %mul3A_594 = arith.mulf %get3A_591, %mul3A_593 : vector<16xf32>
      %swap3A_595 = arith.index_cast %add3A_551 : i32 to index
      %swap3A_596 = arith.constant 48 : index
      %swap3A_597 = tpu.vector_load %arg8[%swap3A_595, %swap3A_596] {strides = array<i32>} : memref<512x64xf32, #tpu.memory_space<vmem>>, vector<1x16xf32>,
      %swap3A_598 = vector.shape_cast %swap3A_597 : vector<1x16xf32> to vector<16xf32>
      %swap3A_599 = vector.shape_cast %mul3A_594 : vector<16xf32> to vector<1x16xf32>
      tpu.vector_store %arg8[%swap3A_595, %swap3A_596], %swap3A_599 {strides = array<i32>} : memref<512x64xf32, #tpu.memory_space<vmem>>, vector<1x16xf32>,
    }
    %scan3A_152 = arith.constant 512 : i32
    %add3A_153 = arith.constant 25088 : i32
    %add3A_154 = arith.addi %mul3A_2, %add3A_153 : i32
    %dma_start3A_155 = arith.constant 0 : i32
    %dma_start3A_156 = tpu.memref_slice %arg4[%add3A_154, %dma_start3A_155] : memref<819200x64xf32, #tpu.memory_space<hbm>> -> memref<512x64xf32, #tpu.memory_space<hbm>>
    %dma_start3A_157 = arith.constant 0 : i32
    %dma_start3A_158 = tpu.memref_slice %arg4[%add3A_154, %dma_start3A_157] : memref<819200x64xf32, #tpu.memory_space<hbm>> -> memref<512x64xf32, #tpu.memory_space<hbm>>
    tpu.enqueue_dma source(%arg8 : memref<512x64xf32, #tpu.memory_space<vmem>>) target(%dma_start3A_158 : memref<512x64xf32, #tpu.memory_space<hbm>>) target_semaphore(%arg12 : memref<!tpu.dma_semaphore, #tpu.memory_space<semaphore_mem>>)
    %add3A_159 = arith.constant 24576 : i32
    %add3A_160 = arith.addi %mul3A_2, %add3A_159 : i32
    %dma_wait3A_161 = arith.constant 0 : i32
    %dma_wait3A_162 = tpu.memref_slice %arg4[%add3A_160, %dma_wait3A_161] : memref<819200x64xf32, #tpu.memory_space<hbm>> -> memref<512x64xf32, #tpu.memory_space<hbm>>
    %dma_wait3A_163 = arith.constant 0 : i32
    %dma_wait3A_164 = tpu.memref_slice %arg4[%add3A_160, %dma_wait3A_163] : memref<819200x64xf32, #tpu.memory_space<hbm>> -> memref<512x64xf32, #tpu.memory_space<hbm>>
    tpu.wait_dma2 semaphore(%arg11 : memref<!tpu.dma_semaphore, #tpu.memory_space<semaphore_mem>>) src(%arg7 : memref<512x64xf32, #tpu.memory_space<vmem>>) dst(%dma_wait3A_164 : memref<512x64xf32, #tpu.memory_space<hbm>>)
    %add3A_165 = arith.constant 25088 : i32
    %add3A_166 = arith.addi %mul3A_2, %add3A_165 : i32
    %dma_wait3A_167 = arith.constant 0 : i32
    %dma_wait3A_168 = tpu.memref_slice %arg4[%add3A_166, %dma_wait3A_167] : memref<819200x64xf32, #tpu.memory_space<hbm>> -> memref<512x64xf32, #tpu.memory_space<hbm>>
    %dma_wait3A_169 = arith.constant 0 : i32
    %dma_wait3A_170 = tpu.memref_slice %arg4[%add3A_166, %dma_wait3A_169] : memref<819200x64xf32, #tpu.memory_space<hbm>> -> memref<512x64xf32, #tpu.memory_space<hbm>>
    tpu.wait_dma2 semaphore(%arg12 : memref<!tpu.dma_semaphore, #tpu.memory_space<semaphore_mem>>) src(%arg8 : memref<512x64xf32, #tpu.memory_space<vmem>>) dst(%dma_wait3A_170 : memref<512x64xf32, #tpu.memory_space<hbm>>)
    return
  }
}

</mosaic_0001>

<sc_bundles>
// kernel: _emb_lookup.3.cloned.1.call-start
scs
__scs_entry_jumppad:
0x0: {  	(pc) =	sbr.rel $0x88, $3  }
0x1: {  	(tag) =	ssettag $0x0;
	lr =	simm.s32 $0x1  }
0x2: {  	[smem:$0x3F9F] =	sst lr;
	_ =	strace $0xD0000000  }
0x3: {  	_ = 	snop  }
0x4: {  	_ = 	snop  }
0x5: {  	_ = 	snop  }
0x6: {  	_ = 	snop  }
0x7: {  	_ = 	snop  }
__scs_overlays_trampoline_lowered:
0x8: {  	[smem:$0x3FAE] =	sst s0  }
0x9: {  	[smem:$0x3FAF] =	sst s1  }
0xa: {  	[smem:$0x3FB0] =	sst s2  }
0xb: {  	[smem:$0x3FB1] =	sst s3  }
0xc: {  	[smem:$0x3FB2] =	sst s4  }
0xd: {  	[smem:$0x3FB3] =	sst s5  }
0xe: {  	[smem:$0x3FB4] =	sst s6  }
0xf: {  	[smem:$0x3FB5] =	sst s7  }
0x10: {  	[smem:$0x3FB6] =	sst s8  }
0x11: {  	[smem:$0x3FB7] =	sst s9;
	s0 =	simm.s32 @!p0 $0x0  }
0x12: {  	s1 =	sld [smem:$0x3F9D];
	s0 =	simm.s32 @p0 $0x1  }
0x13: {  	[smem:$0x3FB8] =	sst s0;
	s0 =	simm.s32 @!p1 $0x0  }
0x14: {  	s2 =	sld [smem:$0x3F9C];
	s0 =	simm.s32 @p1 $0x1  }
0x15: {  	[smem:$0x3FB9] =	sst s0;
	s0 =	simm.s32 @!p2 $0x0  }
0x16: {  	s3 =	sld [smem:$0x3FDB];
	s0 =	simm.s32 @p2 $0x1  }
0x17: {  	s4 =	simm.s32 $0x1BF5;
	[smem:$0x3FBB] =	sst s0  }
0x18: {  	s0 =	sld [smem:$0x3F9E];
	_ =	swait.ge [sflag:s4], $0x0  }
0x19: {  	s7 =	sld [smem:$0x3F9F]  }
0x1a: {  	s8 =	sadd.s32 $0xFFFFE003, lr  }
0x1b: {  	s9 =	sadd.s32 $0xFFFFFEF7, lr;
	s5 =	simm.s32 $0xFFFFFFFF;
	p2 =	slt.u32 s8, $0xFFFFF086  }
0x1c: {  	p1 =	slt.u32 s9, $0xF7A;
	s5 =	simm.s32 @!p2 $0x0  }
0x1d: {  	s5 =	simm.s32 @p1 $0x1;
	p0 =	seq.s32 s7, s2  }
0x1e: {  	s7 =	smul.u32 @!p0 $0xF7A, s2;
	p2 =	seq.s32 @!p0 s5, $0x0  }
0x1f: {  	s9 =	smul.u32 $0xF7A, s1;
	s8 =	simm.s32 @!p0 $0x1BF5;
	p2 =	por !p2, p0  }
0x20: {  	[sflag:s8] =	ssyncset.s32 @!p0 $0xFFFFF086;
	s6 =	sadd.s32 @!p0 s3, s7;
	s7 =	simm.s32 @!p0 $0x108  }
0x21: {  	s3 =	sadd.s32 s3, s9;
	s6 =	sadd.s32 @!p0 $0x88, s6;
	s7 =	simm.s32 @p2 $0x1082  }
0x22: {  	[simem:s7], [sflag:s8] =	dma.local @!p0 [hbm:s6], $0xF7A  }
0x23: {  	s9 =	sor.u32 $0xD0000000, s2;
	s6 =	simm.s32 $0x108;
	_ =	swait.ge @!p0 [sflag:s8], $0x0  }
0x24: {  	s3 =	sadd.s32 $0x88, s3;
	s6 =	simm.s32 @!p1 $0x1082;
	[sflag:s4] =	ssyncset.s32 $0xFFFFF086  }
0x25: {  	[simem:s6], [sflag:s4] =	dma.local [hbm:s3], $0xF7A  }
0x26: {  	[smem:$0x3F9F] =	sst s1;
	(tag) =	ssettag s2;
	_ =	strace s9  }
0x27: {  	s1 =	sld [smem:$0x3FAF]  }
0x28: {  	s2 =	sld [smem:$0x3FB0]  }
0x29: {  	s4 =	sld [smem:$0x3FB2]  }
0x2a: {  	p0 =	seq.s32 s5, $0x0;
	s5 =	sld [smem:$0x3FB3]  }
0x2b: {  	s6 =	sld [smem:$0x3FB4]  }
0x2c: {  	s7 =	sld [smem:$0x3FB5]  }
0x2d: {  	s3 =	simm.s32 $0x108;
	s8 =	sld [smem:$0x3FB6]  }
0x2e: {  	s3 =	simm.s32 @!p0 $0x1082;
	s9 =	sld [smem:$0x3FB7]  }
0x2f: {  	lr =	sadd.s32 s0, s3;
	s0 =	sld [smem:$0x3FAE]  }
0x30: {  	s3 =	sld [smem:$0x3FB1]  }
0x31: {  	[smem:$0x3FBA] =	sst s10  }
0x32: {  	s10 =	sld [smem:$0x3FB8];
	_ =	sdelay $0x3  }
0x33: {  	p0 =	seq.s32 s10, $0x1;
	s10 =	sld [smem:$0x3FBA];
	_ =	sdelay $0x3  }
0x34: {  	[smem:$0x3FBA] =	sst s10  }
0x35: {  	s10 =	sld [smem:$0x3FB9];
	_ =	sdelay $0x3  }
0x36: {  	p1 =	seq.s32 s10, $0x1;
	s10 =	sld [smem:$0x3FBA];
	_ =	sdelay $0x3  }
0x37: {  	[smem:$0x3FBA] =	sst s10  }
0x38: {  	s10 =	sld [smem:$0x3FBB]  }
0x39: {  	_ = 	snop;
	(pc) =	sbr.ind lr, $3  }
0x3a: {  	_ = 	snop  }
0x3b: {  	_ = 	snop  }
0x3c: {  	p2 =	seq.s32 s10, $0x1;
	s10 =	sld [smem:$0x3FBA]  }
0x3d: {  	_ =	shalt  }
0x3e: {  	_ =	shalt  }
0x3f: {  	_ =	shalt  }
0x40: {  	_ =	shalt  }
0x41: {  	_ =	shalt  }
0x42: {  	_ =	shalt  }
0x43: {  	_ =	shalt  }
0x44: {  	_ =	shalt  }
0x45: {  	_ =	shalt  }
0x46: {  	_ =	shalt  }
0x47: {  	_ =	shalt  }
0x48: {  	_ =	shalt  }
0x49: {  	_ =	shalt  }
0x4a: {  	_ =	shalt  }
0x4b: {  	_ =	shalt  }
0x4c: {  	_ =	shalt  }
0x4d: {  	_ =	shalt  }
0x4e: {  	_ =	shalt  }
0x4f: {  	_ =	shalt  }
0x50: {  	_ =	shalt  }
0x51: {  	_ =	shalt  }
0x52: {  	_ =	shalt  }
0x53: {  	_ =	shalt  }
0x54: {  	_ =	shalt  }
0x55: {  	_ =	shalt  }
0x56: {  	_ =	shalt  }
0x57: {  	_ =	shalt  }
0x58: {  	_ =	shalt  }
0x59: {  	_ =	shalt  }
0x5a: {  	_ =	shalt  }
0x5b: {  	_ =	shalt  }
0x5c: {  	_ =	shalt  }
0x5d: {  	_ =	shalt  }
0x5e: {  	_ =	shalt  }
0x5f: {  	_ =	shalt  }
0x60: {  	_ =	shalt  }
0x61: {  	_ =	shalt  }
0x62: {  	_ =	shalt  }
0x63: {  	_ =	shalt  }
0x64: {  	_ =	shalt  }
0x65: {  	_ =	shalt  }
0x66: {  	_ =	shalt  }
0x67: {  	_ =	shalt  }
0x68: {  	_ =	shalt  }
0x69: {  	_ =	shalt  }
0x6a: {  	_ =	shalt  }
0x6b: {  	_ =	shalt  }
0x6c: {  	_ =	shalt  }
0x6d: {  	_ =	shalt  }
0x6e: {  	_ =	shalt  }
0x6f: {  	_ =	shalt  }
0x70: {  	_ =	shalt  }
0x71: {  	_ =	shalt  }
0x72: {  	_ =	shalt  }
0x73: {  	_ =	shalt  }
0x74: {  	_ =	shalt  }
0x75: {  	_ =	shalt  }
0x76: {  	_ =	shalt  }
0x77: {  	_ =	shalt  }
0x78: {  	_ =	shalt  }
0x79: {  	_ =	shalt  }
0x7a: {  	_ =	shalt  }
0x7b: {  	_ =	shalt  }
0x7c: {  	_ =	shalt  }
0x7d: {  	_ =	shalt  }
0x7e: {  	_ =	shalt  }
0x7f: {  	_ =	shalt  }
0x80: {  	_ =	shalt  }
0x81: {  	_ =	shalt  }
0x82: {  	_ =	shalt  }
0x83: {  	_ =	shalt  }
0x84: {  	_ =	shalt  }
0x85: {  	_ =	shalt  }
0x86: {  	_ =	shalt  }
0x87: {  	_ =	shalt  }
.Lfunc_end0:
.L_simem_size_0:
called_computation.1_lowered:
.L_overlay_start_0:
0x88: {  	s2 =	sld [smem:$0x3FD9]  }
0x89: {  	s3 =	sld [smem:$0x3FFE];
	_ =	sdelay $0x1  }
0x8a: {  	s1 =	srdreg.scid  }
0x8b: {  	s0 =	sand.u32 $0x1, s1  }
0x8c: {  	s17 =	sshll.u32 s0, $0xA;
	s2 =	sadd.s32 s3, s2  }
0x8d: {  	s2 =	sadd.s32 s2, s17  }
0x8e: {  	[smem:$0x3FC6] =	sst s2  }
0x8f: {  	_ = 	snop  }
0x90: {  	s2 =	sld [smem:$0x3FC8]  }
0x91: {  	s18 =	sld [smem:$0x3FD0];
	(tm) =	ssettm $0x1  }
0x92: {  	s4 =	sld [smem:$0x3FFB];
	_ =	sdelay $0x3  }
0x93: {  	_ =	strace s4  }
0x94: {  	s4 =	sld [smem:$0x3FFC];
	_ =	sdelay $0x3  }
0x95: {  	_ =	strace s4  }
0x96: {  	s4 =	sld [smem:$0x3FFD];
	_ =	sdelay $0x3  }
0x97: {  	_ =	strace s4  }
0x98: {  	_ =	strace $0x8FFFFFFF  }
0x99: {  	s19 =	sld [smem:$0x3FDB];
	_ =	sdelay $0x1  }
0x9a: {  	s5 =	simm.s32 $_scs_section_size  }
0x9b: {  	s6 =	simm.s32 $_size__tile_overlayer_lowered;
	s7 =	simm.s32 $_tile_overlayer_lowered  }
0x9c: {  	s22 =	simm.s32 $0x1BFF;
	s21 =	sshll.u32 s7, $0x1;
	s4 =	sadd.s32 s5, s19  }
0x9d: {  	s8 =	simm.s32 $0x0;
	s20 =	sshll.u32 s6, $0x1;
	s6 =	sadd.s32 s21, s4  }
0x9e: {  	[timem:s8], [sflag:s22] =	dma.local [hbm:s6], s20  }
0x9f: {  	_ =	swait.ge [sflag:s22], s20  }
0xa0: {  	s5 =	ssub.s32 $0x0, s20;
	[sflag:s22] =	ssyncset.done $0x0  }
0xa1: {  	[sflag:s22] =	ssyncadd.s32 s5;
	_ =	sdelay $0x1  }
0xa2: {  	s23 =	simm.s32 $0x1B8B  }
0xa3: {  	_ =	swait.ge [sflag:s23], $0x1  }
0xa4: {  	[sflag:s23] =	ssyncset.done $0x0  }
0xa5: {  	s25 =	simm.s32 $0x1B8E;
	s24 =	sld [smem:$0x3FFE];
	[sflag:s23] =	ssyncadd.s32 $0xFFFFFFFF  }
0xa6: {  	s26 =	simm.s32 $execute0_lowered;
	[smem:$0x3FD2] =	sst s25  }
0xa7: {  	s6 =	sshll.u32 s26, $0x1;
	_ =	strace $0x80000046;
	[dreg:$0x1] =	wrdreg $0xFFFFFFFF  }
0xa8: {  	s28 =	simm.s32 $_size_execute0_lowered;
	s4 =	sadd.s32 s4, s6;
	[dreg:$0x0] =	wrdreg $0x0  }
0xa9: {  	s6 =	sshll.u32 s28, $0x1;
	[dreg:$0x2] =	wrdreg s4  }
0xaa: {  	[dreg:$0x3] =	wrdreg s6  }
0xab: {  	[dreg:$0x4] =	wrdreg $0xC0  }
0xac: {  	_ =	task [dreg:s8], $0x5FFFF  }
0xad: {  	[dreg:$0x1] =	wrdreg $0xFFFFFFFF  }
0xae: {  	[dreg:$0x0] =	wrdreg $0x60  }
0xaf: {  	[dreg:$0x2] =	wrdreg s24  }
0xb0: {  	[dreg:$0x3] =	wrdreg s2  }
0xb1: {  	[dreg:$0x4] =	wrdreg s18  }
0xb2: {  	[dreg:$0x5] =	wrdreg $0x9  }
0xb3: {  	_ =	task.clear_ibuf [dreg:s8], $0x6FFFF;
	_ =	strace $0x90000046  }
0xb4: {  	s29 =	simm.s32 $0x9;
	_ =	strace $0x80000048  }
0xb5: {  	_ =	swait.ge [sflag:s29], $0x1  }
0xb6: {  	[sflag:s29] =	ssyncadd.s32 $0xFFFFFFFF  }
0xb7: {  	_ =	strace $0x90000048  }
0xb8: {  	_ =	sfence  }
0xb9: {  	s30 =	sld [smem:$0x0];
	_ =	sdelay $0x2  }
0xba: {  	s31 =	sshll.u32 s1, $0xD;
	s1 =	sshrl.u32 s1, $0x2  }
0xbb: {  	s3 =	sand.u32 $0x4000, s31;
	s1 =	sadd.s32 s1, s30  }
0xbc: {  	s0 =	sor.u32 s3, s0;
	s1 =	sshll.u32 s1, $0x11  }
0xbd: {  	s0 =	sor.u32 s1, s0  }
0xbe: {  	s0 =	sadd.s32 $0x8F2B, s0  }
0xbf: {  	[sflag:s0] =	ssyncadd.remote.s32 $0x1  }
0xc0: {  	_ =	sfence.sel $0xFFFF  }
0xc1: {  	[dreg:$0x0] =	wrdreg $0xFFFFFFFF;
	(pc) =	sbr.abs _section_cstart, $3  }
0xc2: {  	[dreg:$0x1] =	wrdreg $0xFFFFFFFF  }
0xc3: {  	_ =	task.clear_ibuf [dreg:s8], $0x2FFFF;
	_ =	strace $0x9FFFFFFF  }
0xc4: {  	(tm) =	ssettm $0x7FFFFFFF  }
0xc5: {  	_ =	shalt  }
tec
execute0_lowered:
.L_overlay_start_1:
0x0: {  	(tag) =	ssettag $0x1  }
0x1: {  	s0 =	rddreg [dreg:$0x0]  }
0x2: {  	s2 =	rddreg [dreg:$0x1];
	s1 =	srdreg.scid  }
0x3: {  	s4 =	stileid.u32;
	s3 =	rddreg [dreg:$0x2]  }
0x4: {  	s15 =	simm.s32 $0x5;
	s16 =	simm.s32 $0x80;
	s17 =	simm.s32 $0x400  }
0x5: {  	s19 =	simm.s32 $0x100;
	s20 =	simm.s32 $0x4400;
	s21 =	simm.s32 $0x180  }
0x6: {  	s22 =	simm.s32 $0x6400;
	s28 =	simm.s32 $0x300;
	s29 =	simm.s32 $0xC400  }
0x7: {  	s30 =	simm.s32 $0x380;
	s31 =	simm.s32 $0xE400;
	s12 =	simm.s32 $0x4  }
0x8: {  	s13 =	simm.s32 $0x0;
	s1 =	sand.u32 $0x1, s1;
	s5 =	sshll.u32 s4, $0x1  }
0x9: {  	s4 =	simm.s32 $0x0;
	s6 =	sadd.s32 $0xF42C00, s0;
	s5 =	sor.u32 s1, s5  }
0xa: {  	[smem:$0x7FF] =	sst s4;
	s1 =	ssub.s32 $0x2, s1;
	s7 =	smul.u32 $0x6400, s5  }
0xb: {  	_ =	strace $0x80000047;
	s8 =	sshrl.u32 s1, $0x1;
	s5 =	smul.u32 $0x190000, s5  }
0xc: {  	s23 =	ssub.s32 s1, s8;
	s8 =	simm.s32 $0x3;
	s9 =	sshrl.u32 s7, $0x3  }
0xd: {  	s25 =	sshrl.u32 s5, $0x3;
	s10 =	sadd.s32 $0x400, s7;
	s11 =	sadd.s32 $0x600, s7  }
0xe: {  	s0 =	smax.u32 s23, $0x1;
	s23 =	simm.s32 $0x200;
	s24 =	sadd.s32 s2, s9  }
0xf: {  	s9 =	sor.u32 $0x200, s7;
	[dreg:$0x8] =	wrdreg s0;
	s1 =	sadd.s32 $0x40, s24  }
0x10: {  	s0 =	simm.s32 $0x2;
	[dreg:$0x5] =	wrdreg s1;
	s1 =	sadd.s32 s3, s25  }
0x11: {  	[dreg:$0x4] =	wrdreg s24;
	s24 =	simm.s32 $0x8400;
	s26 =	sadd.s32 $0x30000, s1  }
0x12: {  	s25 =	simm.s32 $0x280;
	s1 =	sadd.s32 $0x31000, s1;
	[dreg:$0x6] =	wrdreg s26  }
0x13: {  	[dreg:$0x7] =	wrdreg s1;
	s26 =	simm.s32 $0xA400;
	s1 =	simm.s32 $0x1  }
.LBB2_1:
0x14: {  	[dreg:$0x9] =	wrdreg s13  }
0x15: {  	s7 =	rddreg [dreg:$0x4]  }
0x16: {  	[tilespmem:s4], [sflag:$0x5] =	stream.linear.gather [hbm4b:s7+s4], $0x200, $0x38;
	[tilespmem:$0x10400] =	vst v63  }
0x17: {  	_ =	swait.ge [sflag:s15], $0x200  }
0x18: {  	[sflag:s15] =	ssyncset.done $0x0  }
0x19: {  	[sflag:s15] =	ssyncadd.s32 $0xFFFFFE00  }
0x1a: {  	[tilespmem:s17], [sflag:$0x1] =	stream.indirect.gather [hbm4b:s6+s16], $0x40, s4, s16, $0xb8;
	[tilespmem:$0x10400] =	vst v63  }
0x1b: {  	s14 =	simm.s32 $0x2400  }
0x1c: {  	[tilespmem:s14], [sflag:$0x1] =	stream.indirect.gather [hbm4b:s6+s16], $0x40, s16, s16, $0xb8;
	[tilespmem:$0x10400] =	vst v63  }
0x1d: {  	_ = 	snop  }
0x1e: {  	[tilespmem:s20], [sflag:$0x1] =	stream.indirect.gather [hbm4b:s6+s16], $0x40, s19, s16, $0xb8;
	[tilespmem:$0x10400] =	vst v63  }
0x1f: {  	_ = 	snop  }
0x20: {  	[tilespmem:s22], [sflag:$0x1] =	stream.indirect.gather [hbm4b:s6+s16], $0x40, s21, s16, $0xb8;
	[tilespmem:$0x10400] =	vst v63  }
0x21: {  	s18 =	rddreg [dreg:$0x5]  }
0x22: {  	[tilespmem:s23], [sflag:$0x5] =	stream.linear.gather [hbm4b:s18+s4], $0x200, $0x38;
	[tilespmem:$0x10400] =	vst v63  }
0x23: {  	_ =	swait.ge [sflag:s15], $0x200  }
0x24: {  	[sflag:s15] =	ssyncset.done $0x0  }
0x25: {  	[sflag:s15] =	ssyncadd.s32 $0xFFFFFE00  }
0x26: {  	[tilespmem:s24], [sflag:$0x2] =	stream.indirect.gather [hbm4b:s6+s16], $0x40, s23, s16, $0xb8;
	[tilespmem:$0x10400] =	vst v63  }
0x27: {  	_ = 	snop  }
0x28: {  	[tilespmem:s26], [sflag:$0x2] =	stream.indirect.gather [hbm4b:s6+s16], $0x40, s25, s16, $0xb8;
	[tilespmem:$0x10400] =	vst v63  }
0x29: {  	_ = 	snop  }
0x2a: {  	[tilespmem:s29], [sflag:$0x2] =	stream.indirect.gather [hbm4b:s6+s16], $0x40, s28, s16, $0xb8;
	[tilespmem:$0x10400] =	vst v63  }
0x2b: {  	s14 =	simm.s32 $0x0  }
0x2c: {  	[tilespmem:s31], [sflag:$0x2] =	stream.indirect.gather [hbm4b:s6+s16], $0x40, s30, s16, $0xb8;
	[tilespmem:$0x10400] =	vst v63  }
.LBB2_2:
0x2d: {  	_ =	swait.ge [sflag:s1], $0x2000  }
0x2e: {  	[sflag:s1] =	ssyncset.done $0x0  }
0x2f: {  	[sflag:s1] =	ssyncadd.s32 $0xFFFFE000  }
0x30: {  	_ =	swait.ge [sflag:s1], $0x2000  }
0x31: {  	[sflag:s1] =	ssyncset.done $0x0  }
0x32: {  	[sflag:s1] =	ssyncadd.s32 $0xFFFFE000  }
0x33: {  	_ =	swait.ge [sflag:s1], $0x2000  }
0x34: {  	[sflag:s1] =	ssyncset.done $0x0  }
0x35: {  	[sflag:s1] =	ssyncadd.s32 $0xFFFFE000  }
0x36: {  	_ =	swait.ge [sflag:s1], $0x2000  }
0x37: {  	[sflag:s1] =	ssyncset.done $0x0  }
0x38: {  	s7 =	simm.s32 $0x500;
	[sflag:s1] =	ssyncadd.s32 $0xFFFFE000  }
0x39: {  	v0 =	vld [tilespmem:s7+$0xFFFFFF00]  }
0x3a: {  	v1 =	vld [tilespmem:s7+$0xFFFFFF10]  }
0x3b: {  	v2 =	vld [tilespmem:s7+$0xFFFFFF20]  }
0x3c: {  	v3 =	vld [tilespmem:s7+$0xFFFFFF30]  }
0x3d: {  	v4 =	vld [tilespmem:s7+$0xFFFFFF40]  }
0x3e: {  	v5 =	vld [tilespmem:s7+$0xFFFFFF50];
	v0 =	vmul.f32 $8.000000000e+00, v0  }
0x3f: {  	v6 =	vld [tilespmem:s7+$0xFFFFFF60];
	v1 =	vmul.f32 $8.000000000e+00, v1  }
0x40: {  	[tilespmem:s7+$0xFFFFFF00] =	vst v0;
	v0 =	vmul.f32 $8.000000000e+00, v2;
	v2 =	vld [tilespmem:s7+$0xFFFFFF70]  }
0x41: {  	[tilespmem:s7+$0xFFFFFF10] =	vst v1;
	v1 =	vmul.f32 $8.000000000e+00, v3;
	v3 =	vld [tilespmem:s7+$0xFFFFFF80]  }
0x42: {  	[tilespmem:s7+$0xFFFFFF20] =	vst v0;
	v0 =	vmul.f32 $8.000000000e+00, v4;
	v4 =	vld [tilespmem:s7+$0xFFFFFF90]  }
0x43: {  	[tilespmem:s7+$0xFFFFFF30] =	vst v1;
	v1 =	vmul.f32 $8.000000000e+00, v5;
	v5 =	vld [tilespmem:s7+$0xFFFFFFA0]  }
0x44: {  	[tilespmem:s7+$0xFFFFFF40] =	vst v0;
	v0 =	vmul.f32 $8.000000000e+00, v6;
	v6 =	vld [tilespmem:s7+$0xFFFFFFB0]  }
0x45: {  	[tilespmem:s7+$0xFFFFFF50] =	vst v1;
	v1 =	vmul.f32 $8.000000000e+00, v2;
	v2 =	vld [tilespmem:s7+$0xFFFFFFC0]  }
0x46: {  	[tilespmem:s7+$0xFFFFFF60] =	vst v0;
	v0 =	vmul.f32 $8.000000000e+00, v3;
	v3 =	vld [tilespmem:s7+$0xFFFFFFD0]  }
0x47: {  	[tilespmem:s7+$0xFFFFFF70] =	vst v1;
	v1 =	vmul.f32 $8.000000000e+00, v4;
	v4 =	vld [tilespmem:s7+$0xFFFFFFE0]  }
0x48: {  	[tilespmem:s7+$0xFFFFFF80] =	vst v0;
	v0 =	vmul.f32 $8.000000000e+00, v5;
	v5 =	vld [tilespmem:s7+$0x0]  }
0x49: {  	[tilespmem:s7+$0xFFFFFF90] =	vst v1;
	v1 =	vmul.f32 $8.000000000e+00, v6;
	v6 =	vld [tilespmem:s7+$0x10]  }
0x4a: {  	[tilespmem:s7+$0xFFFFFFA0] =	vst v0;
	v0 =	vmul.f32 $8.000000000e+00, v2;
	v2 =	vld [tilespmem:s7+$0x20]  }
0x4b: {  	[tilespmem:s7+$0xFFFFFFB0] =	vst v1;
	v1 =	vmul.f32 $8.000000000e+00, v3;
	v3 =	vld [tilespmem:s7+$0x30]  }
0x4c: {  	[tilespmem:s7+$0xFFFFFFC0] =	vst v0;
	v0 =	vmul.f32 $8.000000000e+00, v4;
	v4 =	vld [tilespmem:s7+$0x40]  }
0x4d: {  	[tilespmem:s7+$0xFFFFFFD0] =	vst v1;
	v1 =	vmul.f32 $8.000000000e+00, v5;
	v5 =	vld [tilespmem:s7+$0x50]  }
0x4e: {  	[tilespmem:s7+$0xFFFFFFE0] =	vst v0;
	v0 =	vmul.f32 $8.000000000e+00, v6;
	v6 =	vld [tilespmem:s7+$0x60]  }
0x4f: {  	[tilespmem:s7+$0x0] =	vst v1;
	v1 =	vmul.f32 $8.000000000e+00, v2;
	v2 =	vld [tilespmem:s7+$0x70]  }
0x50: {  	[tilespmem:s7+$0x10] =	vst v0;
	v0 =	vmul.f32 $8.000000000e+00, v3;
	v3 =	vld [tilespmem:s7+$0x80]  }
0x51: {  	[tilespmem:s7+$0x20] =	vst v1;
	v1 =	vmul.f32 $8.000000000e+00, v4;
	v4 =	vld [tilespmem:s7+$0x90]  }
0x52: {  	[tilespmem:s7+$0x30] =	vst v0;
	v0 =	vmul.f32 $8.000000000e+00, v5;
	v5 =	vld [tilespmem:s7+$0xA0]  }
0x53: {  	[tilespmem:s7+$0x40] =	vst v1;
	v1 =	vmul.f32 $8.000000000e+00, v6;
	v6 =	vld [tilespmem:s7+$0xB0]  }
0x54: {  	[tilespmem:s7+$0x50] =	vst v0;
	v2 =	vmul.f32 $8.000000000e+00, v2;
	v0 =	vld [tilespmem:s7+$0xC0]  }
0x55: {  	[tilespmem:s7+$0x60] =	vst v1;
	v3 =	vmul.f32 $8.000000000e+00, v3;
	v1 =	vld [tilespmem:s7+$0xD0]  }
0x56: {  	[tilespmem:s7+$0x70] =	vst v2;
	v7 =	vmul.f32 $8.000000000e+00, v4;
	v2 =	vld [tilespmem:s7+$0xE0]  }
0x57: {  	[tilespmem:s7+$0x80] =	vst v3;
	v3 =	vld [tilespmem:s7+$0xF0];
	v5 =	vmul.f32 $8.000000000e+00, v5  }
0x58: {  	s13 =	simm.s32 $0x0;
	s18 =	simm.s32 $0x700;
	v4 =	vld [tilespmem:s7+$0xFFFFFFF0];
	[tilespmem:s7+$0x90] =	vst v7;
	v6 =	vmul.f32 $8.000000000e+00, v6  }
.LBB2_3:
0x59: {  	v7 =	vld [tilespmem:s18+$0xFFFFFF00];
	[tilespmem:s7+$0xA0] =	vst v5;
	v0 =	vmul.f32 $8.000000000e+00, v0  }
0x5a: {  	v5 =	vld [tilespmem:s18+$0xFFFFFF10];
	[tilespmem:s7+$0xB0] =	vst v6;
	v1 =	vmul.f32 $8.000000000e+00, v1  }
0x5b: {  	v6 =	vld [tilespmem:s18+$0xFFFFFF20];
	[tilespmem:s7+$0xC0] =	vst v0;
	v0 =	vmul.f32 $8.000000000e+00, v2  }
0x5c: {  	v2 =	vld [tilespmem:s18+$0xFFFFFF30];
	[tilespmem:s7+$0xD0] =	vst v1;
	v1 =	vmul.f32 $8.000000000e+00, v3  }
0x5d: {  	v3 =	vld [tilespmem:s18+$0xFFFFFF40];
	v4 =	vmul.f32 $8.000000000e+00, v4;
	[tilespmem:s7+$0xE0] =	vst v0  }
0x5e: {  	v0 =	vmul.f32 $8.000000000e+00, v7;
	v7 =	vld [tilespmem:s18+$0xFFFFFF50];
	[tilespmem:s7+$0xF0] =	vst v1  }
0x5f: {  	v1 =	vmul.f32 $8.000000000e+00, v5;
	v5 =	vld [tilespmem:s18+$0xFFFFFF60];
	[tilespmem:s7+$0xFFFFFFF0] =	vst v4;
	s7 =	smov.u32 s18  }
0x60: {  	[tilespmem:s18+$0xFFFFFF00] =	vst v0;
	v0 =	vmul.f32 $8.000000000e+00, v6;
	v4 =	vld [tilespmem:s18+$0xFFFFFF70]  }
0x61: {  	[tilespmem:s18+$0xFFFFFF10] =	vst v1;
	v1 =	vmul.f32 $8.000000000e+00, v2;
	v2 =	vld [tilespmem:s18+$0xFFFFFF80]  }
0x62: {  	[tilespmem:s18+$0xFFFFFF20] =	vst v0;
	v0 =	vmul.f32 $8.000000000e+00, v3;
	v3 =	vld [tilespmem:s18+$0xFFFFFF90]  }
0x63: {  	[tilespmem:s18+$0xFFFFFF30] =	vst v1;
	v1 =	vmul.f32 $8.000000000e+00, v7;
	v6 =	vld [tilespmem:s18+$0xFFFFFFA0]  }
0x64: {  	[tilespmem:s18+$0xFFFFFF40] =	vst v0;
	v0 =	vmul.f32 $8.000000000e+00, v5;
	v5 =	vld [tilespmem:s18+$0xFFFFFFB0]  }
0x65: {  	[tilespmem:s18+$0xFFFFFF50] =	vst v1;
	v1 =	vmul.f32 $8.000000000e+00, v4;
	v4 =	vld [tilespmem:s18+$0xFFFFFFC0]  }
0x66: {  	[tilespmem:s18+$0xFFFFFF60] =	vst v0;
	v0 =	vmul.f32 $8.000000000e+00, v2;
	v2 =	vld [tilespmem:s18+$0xFFFFFFD0]  }
0x67: {  	[tilespmem:s18+$0xFFFFFF70] =	vst v1;
	v1 =	vmul.f32 $8.000000000e+00, v3;
	v3 =	vld [tilespmem:s18+$0xFFFFFFE0]  }
0x68: {  	[tilespmem:s18+$0xFFFFFF80] =	vst v0;
	v0 =	vmul.f32 $8.000000000e+00, v6;
	v6 =	vld [tilespmem:s18+$0x0]  }
0x69: {  	[tilespmem:s18+$0xFFFFFF90] =	vst v1;
	v1 =	vmul.f32 $8.000000000e+00, v5;
	v5 =	vld [tilespmem:s18+$0x10]  }
0x6a: {  	[tilespmem:s18+$0xFFFFFFA0] =	vst v0;
	v0 =	vmul.f32 $8.000000000e+00, v4;
	v4 =	vld [tilespmem:s18+$0x20]  }
0x6b: {  	[tilespmem:s18+$0xFFFFFFB0] =	vst v1;
	v1 =	vmul.f32 $8.000000000e+00, v2;
	v2 =	vld [tilespmem:s18+$0x30]  }
0x6c: {  	[tilespmem:s18+$0xFFFFFFC0] =	vst v0;
	v0 =	vmul.f32 $8.000000000e+00, v3;
	v3 =	vld [tilespmem:s18+$0x40]  }
0x6d: {  	[tilespmem:s18+$0xFFFFFFD0] =	vst v1;
	v1 =	vmul.f32 $8.000000000e+00, v6;
	v6 =	vld [tilespmem:s18+$0x50]  }
0x6e: {  	[tilespmem:s18+$0xFFFFFFE0] =	vst v0;
	v0 =	vmul.f32 $8.000000000e+00, v5;
	v5 =	vld [tilespmem:s18+$0x60]  }
0x6f: {  	[tilespmem:s18+$0x0] =	vst v1;
	v1 =	vmul.f32 $8.000000000e+00, v4;
	v4 =	vld [tilespmem:s18+$0x70]  }
0x70: {  	[tilespmem:s18+$0x10] =	vst v0;
	v0 =	vmul.f32 $8.000000000e+00, v2;
	v2 =	vld [tilespmem:s18+$0x80]  }
0x71: {  	[tilespmem:s18+$0x20] =	vst v1;
	v1 =	vmul.f32 $8.000000000e+00, v3;
	v3 =	vld [tilespmem:s18+$0x90]  }
0x72: {  	s13 =	sadd.s32 $0x8, s13;
	[tilespmem:s18+$0x30] =	vst v0;
	v0 =	vmul.f32 $8.000000000e+00, v6;
	v6 =	vld [tilespmem:s18+$0xA0]  }
0x73: {  	p0 =	slt.u32 s13, $0x1F8;
	[tilespmem:s18+$0x40] =	vst v1;
	v1 =	vmul.f32 $8.000000000e+00, v5;
	v7 =	vld [tilespmem:s18+$0xB0]  }
.Ltmp0:
0x74: {  	[tilespmem:s18+$0x50] =	vst v0;
	v4 =	vmul.f32 $8.000000000e+00, v4;
	v0 =	vld [tilespmem:s18+$0xC0];
	(pc) =	sbr.rel @p0 .LBB2_3-.Ltmp0, $4  }
0x75: {  	[tilespmem:s18+$0x60] =	vst v1;
	v5 =	vmul.f32 $8.000000000e+00, v2;
	v1 =	vld [tilespmem:s18+$0xD0]  }
0x76: {  	[tilespmem:s18+$0x70] =	vst v4;
	v8 =	vmul.f32 $8.000000000e+00, v3;
	v2 =	vld [tilespmem:s18+$0xE0]  }
0x77: {  	[tilespmem:s18+$0x80] =	vst v5;
	v5 =	vmul.f32 $8.000000000e+00, v6;
	v3 =	vld [tilespmem:s18+$0xF0]  }
0x78: {  	s18 =	sadd.s32 $0x200, s18;
	v4 =	vld [tilespmem:s7+$0xFFFFFFF0];
	[tilespmem:s7+$0x90] =	vst v8;
	v6 =	vmul.f32 $8.000000000e+00, v7  }
0x79: {  	[tilespmem:s7+$0xA0] =	vst v5;
	v0 =	vmul.f32 $8.000000000e+00, v0  }
0x7a: {  	[tilespmem:s7+$0xB0] =	vst v6;
	v1 =	vmul.f32 $8.000000000e+00, v1  }
0x7b: {  	[tilespmem:s7+$0xC0] =	vst v0;
	v0 =	vmul.f32 $8.000000000e+00, v2  }
0x7c: {  	s13 =	sshll.u32 s14, $0x10;
	[tilespmem:s7+$0xD0] =	vst v1;
	v1 =	vmul.f32 $8.000000000e+00, v3  }
0x7d: {  	s13 =	sadd.s32 s5, s13;
	v2 =	vmul.f32 $8.000000000e+00, v4;
	[tilespmem:s7+$0xE0] =	vst v0  }
0x7e: {  	s13 =	sshrl.u32 s13, $0x3;
	[tilespmem:s7+$0xF0] =	vst v1  }
0x7f: {  	s18 =	sadd.s32 s3, s13;
	[tilespmem:s7+$0xFFFFFFF0] =	vst v2  }
0x80: {  	[hbm4b:s18+s4] =	stream.linear.scatter [tilespmem:s17], [sflag:$0x3], $0x8000, $0x38;
	[tilespmem:$0x10400] =	vst v63  }
0x81: {  	_ =	swait.ge [sflag:s0], $0x2000  }
0x82: {  	[sflag:s0] =	ssyncset.done $0x0  }
0x83: {  	[sflag:s0] =	ssyncadd.s32 $0xFFFFE000  }
0x84: {  	_ =	swait.ge [sflag:s0], $0x2000  }
0x85: {  	[sflag:s0] =	ssyncset.done $0x0  }
0x86: {  	[sflag:s0] =	ssyncadd.s32 $0xFFFFE000  }
0x87: {  	_ =	swait.ge [sflag:s0], $0x2000  }
0x88: {  	[sflag:s0] =	ssyncset.done $0x0  }
0x89: {  	[sflag:s0] =	ssyncadd.s32 $0xFFFFE000  }
0x8a: {  	_ =	swait.ge [sflag:s0], $0x2000  }
0x8b: {  	[sflag:s0] =	ssyncset.done $0x0  }
0x8c: {  	s7 =	simm.s32 $0x8500;
	[sflag:s0] =	ssyncadd.s32 $0xFFFFE000  }
0x8d: {  	v0 =	vld [tilespmem:s7+$0xFFFFFF00]  }
0x8e: {  	v1 =	vld [tilespmem:s7+$0xFFFFFF10]  }
0x8f: {  	v2 =	vld [tilespmem:s7+$0xFFFFFF20]  }
0x90: {  	v3 =	vld [tilespmem:s7+$0xFFFFFF30]  }
0x91: {  	v4 =	vld [tilespmem:s7+$0xFFFFFF40]  }
0x92: {  	v5 =	vld [tilespmem:s7+$0xFFFFFF50];
	v0 =	vmul.f32 $8.000000000e+00, v0  }
0x93: {  	v6 =	vld [tilespmem:s7+$0xFFFFFF60];
	v1 =	vmul.f32 $8.000000000e+00, v1  }
0x94: {  	[tilespmem:s7+$0xFFFFFF00] =	vst v0;
	v0 =	vmul.f32 $8.000000000e+00, v2;
	v2 =	vld [tilespmem:s7+$0xFFFFFF70]  }
0x95: {  	[tilespmem:s7+$0xFFFFFF10] =	vst v1;
	v1 =	vmul.f32 $8.000000000e+00, v3;
	v3 =	vld [tilespmem:s7+$0xFFFFFF80]  }
0x96: {  	[tilespmem:s7+$0xFFFFFF20] =	vst v0;
	v0 =	vmul.f32 $8.000000000e+00, v4;
	v4 =	vld [tilespmem:s7+$0xFFFFFF90]  }
0x97: {  	[tilespmem:s7+$0xFFFFFF30] =	vst v1;
	v1 =	vmul.f32 $8.000000000e+00, v5;
	v5 =	vld [tilespmem:s7+$0xFFFFFFA0]  }
0x98: {  	[tilespmem:s7+$0xFFFFFF40] =	vst v0;
	v0 =	vmul.f32 $8.000000000e+00, v6;
	v6 =	vld [tilespmem:s7+$0xFFFFFFB0]  }
0x99: {  	[tilespmem:s7+$0xFFFFFF50] =	vst v1;
	v1 =	vmul.f32 $8.000000000e+00, v2;
	v2 =	vld [tilespmem:s7+$0xFFFFFFC0]  }
0x9a: {  	[tilespmem:s7+$0xFFFFFF60] =	vst v0;
	v0 =	vmul.f32 $8.000000000e+00, v3;
	v3 =	vld [tilespmem:s7+$0xFFFFFFD0]  }
0x9b: {  	[tilespmem:s7+$0xFFFFFF70] =	vst v1;
	v1 =	vmul.f32 $8.000000000e+00, v4;
	v4 =	vld [tilespmem:s7+$0xFFFFFFE0]  }
0x9c: {  	[tilespmem:s7+$0xFFFFFF80] =	vst v0;
	v0 =	vmul.f32 $8.000000000e+00, v5;
	v5 =	vld [tilespmem:s7+$0x0]  }
0x9d: {  	[tilespmem:s7+$0xFFFFFF90] =	vst v1;
	v1 =	vmul.f32 $8.000000000e+00, v6;
	v6 =	vld [tilespmem:s7+$0x10]  }
0x9e: {  	[tilespmem:s7+$0xFFFFFFA0] =	vst v0;
	v0 =	vmul.f32 $8.000000000e+00, v2;
	v2 =	vld [tilespmem:s7+$0x20]  }
0x9f: {  	[tilespmem:s7+$0xFFFFFFB0] =	vst v1;
	v1 =	vmul.f32 $8.000000000e+00, v3;
	v3 =	vld [tilespmem:s7+$0x30]  }
0xa0: {  	[tilespmem:s7+$0xFFFFFFC0] =	vst v0;
	v0 =	vmul.f32 $8.000000000e+00, v4;
	v4 =	vld [tilespmem:s7+$0x40]  }
0xa1: {  	[tilespmem:s7+$0xFFFFFFD0] =	vst v1;
	v1 =	vmul.f32 $8.000000000e+00, v5;
	v5 =	vld [tilespmem:s7+$0x50]  }
0xa2: {  	[tilespmem:s7+$0xFFFFFFE0] =	vst v0;
	v0 =	vmul.f32 $8.000000000e+00, v6;
	v6 =	vld [tilespmem:s7+$0x60]  }
0xa3: {  	[tilespmem:s7+$0x0] =	vst v1;
	v1 =	vmul.f32 $8.000000000e+00, v2;
	v2 =	vld [tilespmem:s7+$0x70]  }
0xa4: {  	[tilespmem:s7+$0x10] =	vst v0;
	v0 =	vmul.f32 $8.000000000e+00, v3;
	v3 =	vld [tilespmem:s7+$0x80]  }
0xa5: {  	[tilespmem:s7+$0x20] =	vst v1;
	v1 =	vmul.f32 $8.000000000e+00, v4;
	v4 =	vld [tilespmem:s7+$0x90]  }
0xa6: {  	[tilespmem:s7+$0x30] =	vst v0;
	v0 =	vmul.f32 $8.000000000e+00, v5;
	v5 =	vld [tilespmem:s7+$0xA0]  }
0xa7: {  	[tilespmem:s7+$0x40] =	vst v1;
	v1 =	vmul.f32 $8.000000000e+00, v6;
	v6 =	vld [tilespmem:s7+$0xB0]  }
0xa8: {  	[tilespmem:s7+$0x50] =	vst v0;
	v2 =	vmul.f32 $8.000000000e+00, v2;
	v0 =	vld [tilespmem:s7+$0xC0]  }
0xa9: {  	[tilespmem:s7+$0x60] =	vst v1;
	v7 =	vmul.f32 $8.000000000e+00, v3;
	v1 =	vld [tilespmem:s7+$0xD0]  }
0xaa: {  	v3 =	vld [tilespmem:s7+$0xE0];
	[tilespmem:s7+$0x70] =	vst v2;
	v8 =	vmul.f32 $8.000000000e+00, v4  }
0xab: {  	v2 =	vld [tilespmem:s7+$0xF0];
	[tilespmem:s7+$0x80] =	vst v7;
	v5 =	vmul.f32 $8.000000000e+00, v5  }
0xac: {  	s13 =	simm.s32 $0x0;
	s18 =	simm.s32 $0x8700;
	v4 =	vld [tilespmem:s7+$0xFFFFFFF0];
	[tilespmem:s7+$0x90] =	vst v8;
	v6 =	vmul.f32 $8.000000000e+00, v6  }
.LBB2_5:
0xad: {  	v7 =	vld [tilespmem:s18+$0xFFFFFF00];
	[tilespmem:s7+$0xA0] =	vst v5;
	v0 =	vmul.f32 $8.000000000e+00, v0  }
0xae: {  	v5 =	vld [tilespmem:s18+$0xFFFFFF10];
	[tilespmem:s7+$0xB0] =	vst v6;
	v1 =	vmul.f32 $8.000000000e+00, v1  }
0xaf: {  	v6 =	vld [tilespmem:s18+$0xFFFFFF20];
	[tilespmem:s7+$0xC0] =	vst v0;
	v0 =	vmul.f32 $8.000000000e+00, v3  }
0xb0: {  	v3 =	vld [tilespmem:s18+$0xFFFFFF30];
	[tilespmem:s7+$0xD0] =	vst v1;
	v1 =	vmul.f32 $8.000000000e+00, v2  }
0xb1: {  	v2 =	vld [tilespmem:s18+$0xFFFFFF40];
	v4 =	vmul.f32 $8.000000000e+00, v4;
	[tilespmem:s7+$0xE0] =	vst v0  }
0xb2: {  	v0 =	vmul.f32 $8.000000000e+00, v7;
	v7 =	vld [tilespmem:s18+$0xFFFFFF50];
	[tilespmem:s7+$0xF0] =	vst v1  }
0xb3: {  	v1 =	vmul.f32 $8.000000000e+00, v5;
	v5 =	vld [tilespmem:s18+$0xFFFFFF60];
	[tilespmem:s7+$0xFFFFFFF0] =	vst v4;
	s7 =	smov.u32 s18  }
0xb4: {  	[tilespmem:s18+$0xFFFFFF00] =	vst v0;
	v0 =	vmul.f32 $8.000000000e+00, v6;
	v4 =	vld [tilespmem:s18+$0xFFFFFF70]  }
0xb5: {  	[tilespmem:s18+$0xFFFFFF10] =	vst v1;
	v1 =	vmul.f32 $8.000000000e+00, v3;
	v3 =	vld [tilespmem:s18+$0xFFFFFF80]  }
0xb6: {  	[tilespmem:s18+$0xFFFFFF20] =	vst v0;
	v0 =	vmul.f32 $8.000000000e+00, v2;
	v2 =	vld [tilespmem:s18+$0xFFFFFF90]  }
0xb7: {  	[tilespmem:s18+$0xFFFFFF30] =	vst v1;
	v1 =	vmul.f32 $8.000000000e+00, v7;
	v6 =	vld [tilespmem:s18+$0xFFFFFFA0]  }
0xb8: {  	[tilespmem:s18+$0xFFFFFF40] =	vst v0;
	v0 =	vmul.f32 $8.000000000e+00, v5;
	v5 =	vld [tilespmem:s18+$0xFFFFFFB0]  }
0xb9: {  	[tilespmem:s18+$0xFFFFFF50] =	vst v1;
	v1 =	vmul.f32 $8.000000000e+00, v4;
	v4 =	vld [tilespmem:s18+$0xFFFFFFC0]  }
0xba: {  	[tilespmem:s18+$0xFFFFFF60] =	vst v0;
	v0 =	vmul.f32 $8.000000000e+00, v3;
	v3 =	vld [tilespmem:s18+$0xFFFFFFD0]  }
0xbb: {  	[tilespmem:s18+$0xFFFFFF70] =	vst v1;
	v1 =	vmul.f32 $8.000000000e+00, v2;
	v2 =	vld [tilespmem:s18+$0xFFFFFFE0]  }
0xbc: {  	[tilespmem:s18+$0xFFFFFF80] =	vst v0;
	v0 =	vmul.f32 $8.000000000e+00, v6;
	v6 =	vld [tilespmem:s18+$0x0]  }
0xbd: {  	[tilespmem:s18+$0xFFFFFF90] =	vst v1;
	v1 =	vmul.f32 $8.000000000e+00, v5;
	v5 =	vld [tilespmem:s18+$0x10]  }
0xbe: {  	[tilespmem:s18+$0xFFFFFFA0] =	vst v0;
	v0 =	vmul.f32 $8.000000000e+00, v4;
	v4 =	vld [tilespmem:s18+$0x20]  }
0xbf: {  	[tilespmem:s18+$0xFFFFFFB0] =	vst v1;
	v1 =	vmul.f32 $8.000000000e+00, v3;
	v3 =	vld [tilespmem:s18+$0x30]  }
0xc0: {  	[tilespmem:s18+$0xFFFFFFC0] =	vst v0;
	v0 =	vmul.f32 $8.000000000e+00, v2;
	v2 =	vld [tilespmem:s18+$0x40]  }
0xc1: {  	[tilespmem:s18+$0xFFFFFFD0] =	vst v1;
	v1 =	vmul.f32 $8.000000000e+00, v6;
	v6 =	vld [tilespmem:s18+$0x50]  }
0xc2: {  	[tilespmem:s18+$0xFFFFFFE0] =	vst v0;
	v0 =	vmul.f32 $8.000000000e+00, v5;
	v5 =	vld [tilespmem:s18+$0x60]  }
0xc3: {  	[tilespmem:s18+$0x0] =	vst v1;
	v1 =	vmul.f32 $8.000000000e+00, v4;
	v4 =	vld [tilespmem:s18+$0x70]  }
0xc4: {  	[tilespmem:s18+$0x10] =	vst v0;
	v0 =	vmul.f32 $8.000000000e+00, v3;
	v3 =	vld [tilespmem:s18+$0x80]  }
0xc5: {  	[tilespmem:s18+$0x20] =	vst v1;
	v1 =	vmul.f32 $8.000000000e+00, v2;
	v2 =	vld [tilespmem:s18+$0x90]  }
0xc6: {  	s13 =	sadd.s32 $0x8, s13;
	[tilespmem:s18+$0x30] =	vst v0;
	v0 =	vmul.f32 $8.000000000e+00, v6;
	v6 =	vld [tilespmem:s18+$0xA0]  }
0xc7: {  	p0 =	slt.u32 s13, $0x1F8;
	[tilespmem:s18+$0x40] =	vst v1;
	v1 =	vmul.f32 $8.000000000e+00, v5;
	v7 =	vld [tilespmem:s18+$0xB0]  }
.Ltmp1:
0xc8: {  	[tilespmem:s18+$0x50] =	vst v0;
	v4 =	vmul.f32 $8.000000000e+00, v4;
	v0 =	vld [tilespmem:s18+$0xC0];
	(pc) =	sbr.rel @p0 .LBB2_5-.Ltmp1, $4  }
0xc9: {  	[tilespmem:s18+$0x60] =	vst v1;
	v5 =	vmul.f32 $8.000000000e+00, v3;
	v1 =	vld [tilespmem:s18+$0xD0]  }
0xca: {  	[tilespmem:s18+$0x70] =	vst v4;
	v8 =	vmul.f32 $8.000000000e+00, v2;
	v3 =	vld [tilespmem:s18+$0xE0]  }
0xcb: {  	[tilespmem:s18+$0x80] =	vst v5;
	v5 =	vmul.f32 $8.000000000e+00, v6;
	v2 =	vld [tilespmem:s18+$0xF0]  }
0xcc: {  	s18 =	sadd.s32 $0x200, s18;
	v4 =	vld [tilespmem:s7+$0xFFFFFFF0];
	[tilespmem:s7+$0x90] =	vst v8;
	v6 =	vmul.f32 $8.000000000e+00, v7  }
0xcd: {  	[tilespmem:s7+$0xA0] =	vst v5;
	v0 =	vmul.f32 $8.000000000e+00, v0  }
0xce: {  	[tilespmem:s7+$0xB0] =	vst v6;
	v1 =	vmul.f32 $8.000000000e+00, v1  }
0xcf: {  	s13 =	sshll.u32 s14, $0xA;
	[tilespmem:s7+$0xC0] =	vst v0;
	v61 =	vmul.f32 $8.000000000e+00, v3  }
0xd0: {  	s18 =	sadd.s32 s13, s9;
	[tilespmem:s7+$0xD0] =	vst v1;
	v62 =	vmul.f32 $8.000000000e+00, v2  }
0xd1: {  	s18 =	sshll.u32 s18, $0x3;
	v63 =	vmul.f32 $8.000000000e+00, v4;
	[tilespmem:s7+$0xE0] =	vst v61  }
0xd2: {  	s18 =	sand.u32 $0x1FFFF000, s18;
	[tilespmem:s7+$0xF0] =	vst v62  }
0xd3: {  	s18 =	sadd.s32 s3, s18;
	[tilespmem:s7+$0xFFFFFFF0] =	vst v63  }
0xd4: {  	[hbm4b:s18+s4] =	stream.linear.scatter [tilespmem:s24], [sflag:$0x4], $0x8000, $0x38;
	[tilespmem:$0x10400] =	vst v63  }
0xd5: {  	s18 =	sadd.s32 s13, s10;
	_ =	swait.ge [sflag:s8], $0x8000  }
0xd6: {  	s7 =	sshrl.u32 s18, $0x3;
	[sflag:s8] =	ssyncset.done $0x0  }
0xd7: {  	s7 =	sadd.s32 s2, s7;
	[sflag:s8] =	ssyncadd.s32 $0xFFFF8000  }
0xd8: {  	[tilespmem:s4], [sflag:$0x5] =	stream.linear.gather [hbm4b:s7+s4], $0x200, $0x38;
	[tilespmem:$0x10400] =	vst v63  }
0xd9: {  	_ =	swait.ge [sflag:s15], $0x200  }
0xda: {  	[sflag:s15] =	ssyncset.done $0x0  }
0xdb: {  	[sflag:s15] =	ssyncadd.s32 $0xFFFFFE00  }
0xdc: {  	[tilespmem:s17], [sflag:$0x1] =	stream.indirect.gather [hbm4b:s6+s16], $0x40, s4, s16, $0xb8;
	[tilespmem:$0x10400] =	vst v63  }
0xdd: {  	s18 =	simm.s32 $0x2400  }
0xde: {  	[tilespmem:s18], [sflag:$0x1] =	stream.indirect.gather [hbm4b:s6+s16], $0x40, s16, s16, $0xb8;
	[tilespmem:$0x10400] =	vst v63  }
0xdf: {  	_ = 	snop  }
0xe0: {  	[tilespmem:s20], [sflag:$0x1] =	stream.indirect.gather [hbm4b:s6+s16], $0x40, s19, s16, $0xb8;
	[tilespmem:$0x10400] =	vst v63  }
0xe1: {  	_ = 	snop  }
0xe2: {  	[tilespmem:s22], [sflag:$0x1] =	stream.indirect.gather [hbm4b:s6+s16], $0x40, s21, s16, $0xb8;
	[tilespmem:$0x10400] =	vst v63  }
0xe3: {  	s18 =	sadd.s32 s13, s11;
	_ =	swait.ge [sflag:s12], $0x8000  }
0xe4: {  	s7 =	sshrl.u32 s18, $0x3;
	[sflag:s12] =	ssyncset.done $0x0  }
0xe5: {  	s7 =	sadd.s32 s2, s7;
	[sflag:s12] =	ssyncadd.s32 $0xFFFF8000  }
0xe6: {  	[tilespmem:s23], [sflag:$0x5] =	stream.linear.gather [hbm4b:s7+s4], $0x200, $0x38;
	[tilespmem:$0x10400] =	vst v63  }
0xe7: {  	_ =	swait.ge [sflag:s15], $0x200  }
0xe8: {  	[sflag:s15] =	ssyncset.done $0x0  }
0xe9: {  	s14 =	sadd.s32 $0x1, s14;
	[sflag:s15] =	ssyncadd.s32 $0xFFFFFE00  }
0xea: {  	[tilespmem:s24], [sflag:$0x2] =	stream.indirect.gather [hbm4b:s6+s16], $0x40, s23, s16, $0xb8;
	[tilespmem:$0x10400] =	vst v63  }
0xeb: {  	p0 =	sne.s32 s14, $0x18  }
0xec: {  	[tilespmem:s26], [sflag:$0x2] =	stream.indirect.gather [hbm4b:s6+s16], $0x40, s25, s16, $0xb8;
	[tilespmem:$0x10400] =	vst v63  }
.Ltmp2:
0xed: {  	_ = 	snop;
	(pc) =	sbr.rel @p0 .LBB2_2-.Ltmp2, $4  }
0xee: {  	_ = 	snop  }
0xef: {  	[tilespmem:s29], [sflag:$0x2] =	stream.indirect.gather [hbm4b:s6+s16], $0x40, s28, s16, $0xb8;
	[tilespmem:$0x10400] =	vst v63  }
0xf0: {  	_ = 	snop  }
0xf1: {  	[tilespmem:s31], [sflag:$0x2] =	stream.indirect.gather [hbm4b:s6+s16], $0x40, s30, s16, $0xb8;
	[tilespmem:$0x10400] =	vst v63  }
0xf2: {  	_ =	swait.ge [sflag:s1], $0x2000  }
0xf3: {  	[sflag:s1] =	ssyncset.done $0x0  }
0xf4: {  	[sflag:s1] =	ssyncadd.s32 $0xFFFFE000  }
0xf5: {  	_ =	swait.ge [sflag:s1], $0x2000  }
0xf6: {  	[sflag:s1] =	ssyncset.done $0x0  }
0xf7: {  	[sflag:s1] =	ssyncadd.s32 $0xFFFFE000  }
0xf8: {  	_ =	swait.ge [sflag:s1], $0x2000  }
0xf9: {  	[sflag:s1] =	ssyncset.done $0x0  }
0xfa: {  	[sflag:s1] =	ssyncadd.s32 $0xFFFFE000  }
0xfb: {  	_ =	swait.ge [sflag:s1], $0x2000  }
0xfc: {  	[sflag:s1] =	ssyncset.done $0x0  }
0xfd: {  	s7 =	simm.s32 $0x500;
	[sflag:s1] =	ssyncadd.s32 $0xFFFFE000  }
0xfe: {  	v0 =	vld [tilespmem:s7+$0xFFFFFF00]  }
0xff: {  	v1 =	vld [tilespmem:s7+$0xFFFFFF10]  }
0x100: {  	v2 =	vld [tilespmem:s7+$0xFFFFFF20]  }
0x101: {  	v3 =	vld [tilespmem:s7+$0xFFFFFF30]  }
0x102: {  	v4 =	vld [tilespmem:s7+$0xFFFFFF40]  }
0x103: {  	v5 =	vld [tilespmem:s7+$0xFFFFFF50];
	v0 =	vmul.f32 $8.000000000e+00, v0  }
0x104: {  	v6 =	vld [tilespmem:s7+$0xFFFFFF60];
	v1 =	vmul.f32 $8.000000000e+00, v1  }
0x105: {  	[tilespmem:s7+$0xFFFFFF00] =	vst v0;
	v0 =	vmul.f32 $8.000000000e+00, v2;
	v2 =	vld [tilespmem:s7+$0xFFFFFF70]  }
0x106: {  	[tilespmem:s7+$0xFFFFFF10] =	vst v1;
	v1 =	vmul.f32 $8.000000000e+00, v3;
	v3 =	vld [tilespmem:s7+$0xFFFFFF80]  }
0x107: {  	[tilespmem:s7+$0xFFFFFF20] =	vst v0;
	v0 =	vmul.f32 $8.000000000e+00, v4;
	v4 =	vld [tilespmem:s7+$0xFFFFFF90]  }
0x108: {  	[tilespmem:s7+$0xFFFFFF30] =	vst v1;
	v1 =	vmul.f32 $8.000000000e+00, v5;
	v5 =	vld [tilespmem:s7+$0xFFFFFFA0]  }
0x109: {  	[tilespmem:s7+$0xFFFFFF40] =	vst v0;
	v0 =	vmul.f32 $8.000000000e+00, v6;
	v6 =	vld [tilespmem:s7+$0xFFFFFFB0]  }
0x10a: {  	[tilespmem:s7+$0xFFFFFF50] =	vst v1;
	v1 =	vmul.f32 $8.000000000e+00, v2;
	v2 =	vld [tilespmem:s7+$0xFFFFFFC0]  }
0x10b: {  	[tilespmem:s7+$0xFFFFFF60] =	vst v0;
	v0 =	vmul.f32 $8.000000000e+00, v3;
	v3 =	vld [tilespmem:s7+$0xFFFFFFD0]  }
0x10c: {  	[tilespmem:s7+$0xFFFFFF70] =	vst v1;
	v1 =	vmul.f32 $8.000000000e+00, v4;
	v4 =	vld [tilespmem:s7+$0xFFFFFFE0]  }
0x10d: {  	[tilespmem:s7+$0xFFFFFF80] =	vst v0;
	v0 =	vmul.f32 $8.000000000e+00, v5;
	v5 =	vld [tilespmem:s7+$0x0]  }
0x10e: {  	[tilespmem:s7+$0xFFFFFF90] =	vst v1;
	v1 =	vmul.f32 $8.000000000e+00, v6;
	v6 =	vld [tilespmem:s7+$0x10]  }
0x10f: {  	[tilespmem:s7+$0xFFFFFFA0] =	vst v0;
	v0 =	vmul.f32 $8.000000000e+00, v2;
	v2 =	vld [tilespmem:s7+$0x20]  }
0x110: {  	[tilespmem:s7+$0xFFFFFFB0] =	vst v1;
	v1 =	vmul.f32 $8.000000000e+00, v3;
	v3 =	vld [tilespmem:s7+$0x30]  }
0x111: {  	[tilespmem:s7+$0xFFFFFFC0] =	vst v0;
	v0 =	vmul.f32 $8.000000000e+00, v4;
	v4 =	vld [tilespmem:s7+$0x40]  }
0x112: {  	[tilespmem:s7+$0xFFFFFFD0] =	vst v1;
	v1 =	vmul.f32 $8.000000000e+00, v5;
	v5 =	vld [tilespmem:s7+$0x50]  }
0x113: {  	[tilespmem:s7+$0xFFFFFFE0] =	vst v0;
	v0 =	vmul.f32 $8.000000000e+00, v6;
	v6 =	vld [tilespmem:s7+$0x60]  }
0x114: {  	[tilespmem:s7+$0x0] =	vst v1;
	v1 =	vmul.f32 $8.000000000e+00, v2;
	v2 =	vld [tilespmem:s7+$0x70]  }
0x115: {  	[tilespmem:s7+$0x10] =	vst v0;
	v0 =	vmul.f32 $8.000000000e+00, v3;
	v3 =	vld [tilespmem:s7+$0x80]  }
0x116: {  	[tilespmem:s7+$0x20] =	vst v1;
	v1 =	vmul.f32 $8.000000000e+00, v4;
	v4 =	vld [tilespmem:s7+$0x90]  }
0x117: {  	[tilespmem:s7+$0x30] =	vst v0;
	v0 =	vmul.f32 $8.000000000e+00, v5;
	v5 =	vld [tilespmem:s7+$0xA0]  }
0x118: {  	[tilespmem:s7+$0x40] =	vst v1;
	v1 =	vmul.f32 $8.000000000e+00, v6;
	v6 =	vld [tilespmem:s7+$0xB0]  }
0x119: {  	[tilespmem:s7+$0x50] =	vst v0;
	v2 =	vmul.f32 $8.000000000e+00, v2;
	v0 =	vld [tilespmem:s7+$0xC0]  }
0x11a: {  	[tilespmem:s7+$0x60] =	vst v1;
	v3 =	vmul.f32 $8.000000000e+00, v3;
	v1 =	vld [tilespmem:s7+$0xD0]  }
0x11b: {  	[tilespmem:s7+$0x70] =	vst v2;
	v7 =	vmul.f32 $8.000000000e+00, v4;
	v2 =	vld [tilespmem:s7+$0xE0]  }
0x11c: {  	[tilespmem:s7+$0x80] =	vst v3;
	v3 =	vld [tilespmem:s7+$0xF0];
	v5 =	vmul.f32 $8.000000000e+00, v5  }
0x11d: {  	s13 =	simm.s32 $0x0;
	s14 =	simm.s32 $0x700;
	v4 =	vld [tilespmem:s7+$0xFFFFFFF0];
	[tilespmem:s7+$0x90] =	vst v7;
	v6 =	vmul.f32 $8.000000000e+00, v6  }
.LBB2_8:
0x11e: {  	v7 =	vld [tilespmem:s14+$0xFFFFFF00];
	[tilespmem:s7+$0xA0] =	vst v5;
	v0 =	vmul.f32 $8.000000000e+00, v0  }
0x11f: {  	v5 =	vld [tilespmem:s14+$0xFFFFFF10];
	[tilespmem:s7+$0xB0] =	vst v6;
	v1 =	vmul.f32 $8.000000000e+00, v1  }
0x120: {  	v6 =	vld [tilespmem:s14+$0xFFFFFF20];
	[tilespmem:s7+$0xC0] =	vst v0;
	v0 =	vmul.f32 $8.000000000e+00, v2  }
0x121: {  	v2 =	vld [tilespmem:s14+$0xFFFFFF30];
	[tilespmem:s7+$0xD0] =	vst v1;
	v1 =	vmul.f32 $8.000000000e+00, v3  }
0x122: {  	v3 =	vld [tilespmem:s14+$0xFFFFFF40];
	v4 =	vmul.f32 $8.000000000e+00, v4;
	[tilespmem:s7+$0xE0] =	vst v0  }
0x123: {  	v0 =	vmul.f32 $8.000000000e+00, v7;
	v7 =	vld [tilespmem:s14+$0xFFFFFF50];
	[tilespmem:s7+$0xF0] =	vst v1  }
0x124: {  	v1 =	vmul.f32 $8.000000000e+00, v5;
	v5 =	vld [tilespmem:s14+$0xFFFFFF60];
	[tilespmem:s7+$0xFFFFFFF0] =	vst v4;
	s7 =	smov.u32 s14  }
0x125: {  	[tilespmem:s14+$0xFFFFFF00] =	vst v0;
	v0 =	vmul.f32 $8.000000000e+00, v6;
	v4 =	vld [tilespmem:s14+$0xFFFFFF70]  }
0x126: {  	[tilespmem:s14+$0xFFFFFF10] =	vst v1;
	v1 =	vmul.f32 $8.000000000e+00, v2;
	v2 =	vld [tilespmem:s14+$0xFFFFFF80]  }
0x127: {  	[tilespmem:s14+$0xFFFFFF20] =	vst v0;
	v0 =	vmul.f32 $8.000000000e+00, v3;
	v3 =	vld [tilespmem:s14+$0xFFFFFF90]  }
0x128: {  	[tilespmem:s14+$0xFFFFFF30] =	vst v1;
	v1 =	vmul.f32 $8.000000000e+00, v7;
	v6 =	vld [tilespmem:s14+$0xFFFFFFA0]  }
0x129: {  	[tilespmem:s14+$0xFFFFFF40] =	vst v0;
	v0 =	vmul.f32 $8.000000000e+00, v5;
	v5 =	vld [tilespmem:s14+$0xFFFFFFB0]  }
0x12a: {  	[tilespmem:s14+$0xFFFFFF50] =	vst v1;
	v1 =	vmul.f32 $8.000000000e+00, v4;
	v4 =	vld [tilespmem:s14+$0xFFFFFFC0]  }
0x12b: {  	[tilespmem:s14+$0xFFFFFF60] =	vst v0;
	v0 =	vmul.f32 $8.000000000e+00, v2;
	v2 =	vld [tilespmem:s14+$0xFFFFFFD0]  }
0x12c: {  	[tilespmem:s14+$0xFFFFFF70] =	vst v1;
	v1 =	vmul.f32 $8.000000000e+00, v3;
	v3 =	vld [tilespmem:s14+$0xFFFFFFE0]  }
0x12d: {  	[tilespmem:s14+$0xFFFFFF80] =	vst v0;
	v0 =	vmul.f32 $8.000000000e+00, v6;
	v6 =	vld [tilespmem:s14+$0x0]  }
0x12e: {  	[tilespmem:s14+$0xFFFFFF90] =	vst v1;
	v1 =	vmul.f32 $8.000000000e+00, v5;
	v5 =	vld [tilespmem:s14+$0x10]  }
0x12f: {  	[tilespmem:s14+$0xFFFFFFA0] =	vst v0;
	v0 =	vmul.f32 $8.000000000e+00, v4;
	v4 =	vld [tilespmem:s14+$0x20]  }
0x130: {  	[tilespmem:s14+$0xFFFFFFB0] =	vst v1;
	v1 =	vmul.f32 $8.000000000e+00, v2;
	v2 =	vld [tilespmem:s14+$0x30]  }
0x131: {  	[tilespmem:s14+$0xFFFFFFC0] =	vst v0;
	v0 =	vmul.f32 $8.000000000e+00, v3;
	v3 =	vld [tilespmem:s14+$0x40]  }
0x132: {  	[tilespmem:s14+$0xFFFFFFD0] =	vst v1;
	v1 =	vmul.f32 $8.000000000e+00, v6;
	v6 =	vld [tilespmem:s14+$0x50]  }
0x133: {  	[tilespmem:s14+$0xFFFFFFE0] =	vst v0;
	v0 =	vmul.f32 $8.000000000e+00, v5;
	v5 =	vld [tilespmem:s14+$0x60]  }
0x134: {  	[tilespmem:s14+$0x0] =	vst v1;
	v1 =	vmul.f32 $8.000000000e+00, v4;
	v4 =	vld [tilespmem:s14+$0x70]  }
0x135: {  	[tilespmem:s14+$0x10] =	vst v0;
	v0 =	vmul.f32 $8.000000000e+00, v2;
	v2 =	vld [tilespmem:s14+$0x80]  }
0x136: {  	[tilespmem:s14+$0x20] =	vst v1;
	v1 =	vmul.f32 $8.000000000e+00, v3;
	v3 =	vld [tilespmem:s14+$0x90]  }
0x137: {  	s13 =	sadd.s32 $0x8, s13;
	[tilespmem:s14+$0x30] =	vst v0;
	v0 =	vmul.f32 $8.000000000e+00, v6;
	v6 =	vld [tilespmem:s14+$0xA0]  }
0x138: {  	p0 =	slt.u32 s13, $0x1F8;
	[tilespmem:s14+$0x40] =	vst v1;
	v1 =	vmul.f32 $8.000000000e+00, v5;
	v7 =	vld [tilespmem:s14+$0xB0]  }
.Ltmp3:
0x139: {  	[tilespmem:s14+$0x50] =	vst v0;
	v4 =	vmul.f32 $8.000000000e+00, v4;
	v0 =	vld [tilespmem:s14+$0xC0];
	(pc) =	sbr.rel @p0 .LBB2_8-.Ltmp3, $4  }
0x13a: {  	[tilespmem:s14+$0x60] =	vst v1;
	v5 =	vmul.f32 $8.000000000e+00, v2;
	v1 =	vld [tilespmem:s14+$0xD0]  }
0x13b: {  	[tilespmem:s14+$0x70] =	vst v4;
	v8 =	vmul.f32 $8.000000000e+00, v3;
	v2 =	vld [tilespmem:s14+$0xE0]  }
0x13c: {  	[tilespmem:s14+$0x80] =	vst v5;
	v5 =	vmul.f32 $8.000000000e+00, v6;
	v3 =	vld [tilespmem:s14+$0xF0]  }
0x13d: {  	s14 =	sadd.s32 $0x200, s14;
	v4 =	vld [tilespmem:s7+$0xFFFFFFF0];
	[tilespmem:s7+$0x90] =	vst v8;
	v6 =	vmul.f32 $8.000000000e+00, v7  }
0x13e: {  	[tilespmem:s7+$0xA0] =	vst v5;
	v0 =	vmul.f32 $8.000000000e+00, v0  }
0x13f: {  	[tilespmem:s7+$0xB0] =	vst v6;
	v1 =	vmul.f32 $8.000000000e+00, v1  }
0x140: {  	[tilespmem:s7+$0xC0] =	vst v0;
	v0 =	vmul.f32 $8.000000000e+00, v2  }
0x141: {  	[tilespmem:s7+$0xD0] =	vst v1;
	v1 =	vmul.f32 $8.000000000e+00, v3  }
0x142: {  	v2 =	vmul.f32 $8.000000000e+00, v4;
	[tilespmem:s7+$0xE0] =	vst v0  }
0x143: {  	[tilespmem:s7+$0xF0] =	vst v1  }
0x144: {  	s18 =	rddreg [dreg:$0x6];
	[tilespmem:s7+$0xFFFFFFF0] =	vst v2  }
0x145: {  	[hbm4b:s18+s4] =	stream.linear.scatter [tilespmem:s17], [sflag:$0x3], $0x8000, $0x38;
	[tilespmem:$0x10400] =	vst v63  }
0x146: {  	_ =	swait.ge [sflag:s0], $0x2000  }
0x147: {  	[sflag:s0] =	ssyncset.done $0x0  }
0x148: {  	[sflag:s0] =	ssyncadd.s32 $0xFFFFE000  }
0x149: {  	_ =	swait.ge [sflag:s0], $0x2000  }
0x14a: {  	[sflag:s0] =	ssyncset.done $0x0  }
0x14b: {  	[sflag:s0] =	ssyncadd.s32 $0xFFFFE000  }
0x14c: {  	_ =	swait.ge [sflag:s0], $0x2000  }
0x14d: {  	[sflag:s0] =	ssyncset.done $0x0  }
0x14e: {  	[sflag:s0] =	ssyncadd.s32 $0xFFFFE000  }
0x14f: {  	_ =	swait.ge [sflag:s0], $0x2000  }
0x150: {  	[sflag:s0] =	ssyncset.done $0x0  }
0x151: {  	s7 =	simm.s32 $0x8500;
	[sflag:s0] =	ssyncadd.s32 $0xFFFFE000  }
0x152: {  	v0 =	vld [tilespmem:s7+$0xFFFFFF00]  }
0x153: {  	v1 =	vld [tilespmem:s7+$0xFFFFFF10]  }
0x154: {  	v2 =	vld [tilespmem:s7+$0xFFFFFF20]  }
0x155: {  	v3 =	vld [tilespmem:s7+$0xFFFFFF30]  }
0x156: {  	v4 =	vld [tilespmem:s7+$0xFFFFFF40]  }
0x157: {  	v5 =	vld [tilespmem:s7+$0xFFFFFF50];
	v0 =	vmul.f32 $8.000000000e+00, v0  }
0x158: {  	v6 =	vld [tilespmem:s7+$0xFFFFFF60];
	v1 =	vmul.f32 $8.000000000e+00, v1  }
0x159: {  	[tilespmem:s7+$0xFFFFFF00] =	vst v0;
	v0 =	vmul.f32 $8.000000000e+00, v2;
	v2 =	vld [tilespmem:s7+$0xFFFFFF70]  }
0x15a: {  	[tilespmem:s7+$0xFFFFFF10] =	vst v1;
	v1 =	vmul.f32 $8.000000000e+00, v3;
	v3 =	vld [tilespmem:s7+$0xFFFFFF80]  }
0x15b: {  	[tilespmem:s7+$0xFFFFFF20] =	vst v0;
	v0 =	vmul.f32 $8.000000000e+00, v4;
	v4 =	vld [tilespmem:s7+$0xFFFFFF90]  }
0x15c: {  	[tilespmem:s7+$0xFFFFFF30] =	vst v1;
	v1 =	vmul.f32 $8.000000000e+00, v5;
	v5 =	vld [tilespmem:s7+$0xFFFFFFA0]  }
0x15d: {  	[tilespmem:s7+$0xFFFFFF40] =	vst v0;
	v0 =	vmul.f32 $8.000000000e+00, v6;
	v6 =	vld [tilespmem:s7+$0xFFFFFFB0]  }
0x15e: {  	[tilespmem:s7+$0xFFFFFF50] =	vst v1;
	v1 =	vmul.f32 $8.000000000e+00, v2;
	v2 =	vld [tilespmem:s7+$0xFFFFFFC0]  }
0x15f: {  	[tilespmem:s7+$0xFFFFFF60] =	vst v0;
	v0 =	vmul.f32 $8.000000000e+00, v3;
	v3 =	vld [tilespmem:s7+$0xFFFFFFD0]  }
0x160: {  	[tilespmem:s7+$0xFFFFFF70] =	vst v1;
	v1 =	vmul.f32 $8.000000000e+00, v4;
	v4 =	vld [tilespmem:s7+$0xFFFFFFE0]  }
0x161: {  	[tilespmem:s7+$0xFFFFFF80] =	vst v0;
	v0 =	vmul.f32 $8.000000000e+00, v5;
	v5 =	vld [tilespmem:s7+$0x0]  }
0x162: {  	[tilespmem:s7+$0xFFFFFF90] =	vst v1;
	v1 =	vmul.f32 $8.000000000e+00, v6;
	v6 =	vld [tilespmem:s7+$0x10]  }
0x163: {  	[tilespmem:s7+$0xFFFFFFA0] =	vst v0;
	v0 =	vmul.f32 $8.000000000e+00, v2;
	v2 =	vld [tilespmem:s7+$0x20]  }
0x164: {  	[tilespmem:s7+$0xFFFFFFB0] =	vst v1;
	v1 =	vmul.f32 $8.000000000e+00, v3;
	v3 =	vld [tilespmem:s7+$0x30]  }
0x165: {  	[tilespmem:s7+$0xFFFFFFC0] =	vst v0;
	v0 =	vmul.f32 $8.000000000e+00, v4;
	v4 =	vld [tilespmem:s7+$0x40]  }
0x166: {  	[tilespmem:s7+$0xFFFFFFD0] =	vst v1;
	v1 =	vmul.f32 $8.000000000e+00, v5;
	v5 =	vld [tilespmem:s7+$0x50]  }
0x167: {  	[tilespmem:s7+$0xFFFFFFE0] =	vst v0;
	v0 =	vmul.f32 $8.000000000e+00, v6;
	v6 =	vld [tilespmem:s7+$0x60]  }
0x168: {  	[tilespmem:s7+$0x0] =	vst v1;
	v1 =	vmul.f32 $8.000000000e+00, v2;
	v2 =	vld [tilespmem:s7+$0x70]  }
0x169: {  	[tilespmem:s7+$0x10] =	vst v0;
	v0 =	vmul.f32 $8.000000000e+00, v3;
	v3 =	vld [tilespmem:s7+$0x80]  }
0x16a: {  	[tilespmem:s7+$0x20] =	vst v1;
	v1 =	vmul.f32 $8.000000000e+00, v4;
	v4 =	vld [tilespmem:s7+$0x90]  }
0x16b: {  	[tilespmem:s7+$0x30] =	vst v0;
	v0 =	vmul.f32 $8.000000000e+00, v5;
	v5 =	vld [tilespmem:s7+$0xA0]  }
0x16c: {  	[tilespmem:s7+$0x40] =	vst v1;
	v1 =	vmul.f32 $8.000000000e+00, v6;
	v6 =	vld [tilespmem:s7+$0xB0]  }
0x16d: {  	[tilespmem:s7+$0x50] =	vst v0;
	v2 =	vmul.f32 $8.000000000e+00, v2;
	v0 =	vld [tilespmem:s7+$0xC0]  }
0x16e: {  	[tilespmem:s7+$0x60] =	vst v1;
	v3 =	vmul.f32 $8.000000000e+00, v3;
	v1 =	vld [tilespmem:s7+$0xD0]  }
0x16f: {  	[tilespmem:s7+$0x70] =	vst v2;
	v7 =	vmul.f32 $8.000000000e+00, v4;
	v2 =	vld [tilespmem:s7+$0xE0]  }
0x170: {  	[tilespmem:s7+$0x80] =	vst v3;
	v3 =	vld [tilespmem:s7+$0xF0];
	v5 =	vmul.f32 $8.000000000e+00, v5  }
0x171: {  	s13 =	simm.s32 $0x0;
	s14 =	simm.s32 $0x8700;
	v4 =	vld [tilespmem:s7+$0xFFFFFFF0];
	[tilespmem:s7+$0x90] =	vst v7;
	v6 =	vmul.f32 $8.000000000e+00, v6  }
.LBB2_10:
0x172: {  	v7 =	vld [tilespmem:s14+$0xFFFFFF00];
	[tilespmem:s7+$0xA0] =	vst v5;
	v0 =	vmul.f32 $8.000000000e+00, v0  }
0x173: {  	v5 =	vld [tilespmem:s14+$0xFFFFFF10];
	[tilespmem:s7+$0xB0] =	vst v6;
	v1 =	vmul.f32 $8.000000000e+00, v1  }
0x174: {  	v6 =	vld [tilespmem:s14+$0xFFFFFF20];
	[tilespmem:s7+$0xC0] =	vst v0;
	v0 =	vmul.f32 $8.000000000e+00, v2  }
0x175: {  	v2 =	vld [tilespmem:s14+$0xFFFFFF30];
	[tilespmem:s7+$0xD0] =	vst v1;
	v1 =	vmul.f32 $8.000000000e+00, v3  }
0x176: {  	v3 =	vld [tilespmem:s14+$0xFFFFFF40];
	v4 =	vmul.f32 $8.000000000e+00, v4;
	[tilespmem:s7+$0xE0] =	vst v0  }
0x177: {  	v0 =	vmul.f32 $8.000000000e+00, v7;
	v7 =	vld [tilespmem:s14+$0xFFFFFF50];
	[tilespmem:s7+$0xF0] =	vst v1  }
0x178: {  	v1 =	vmul.f32 $8.000000000e+00, v5;
	v5 =	vld [tilespmem:s14+$0xFFFFFF60];
	[tilespmem:s7+$0xFFFFFFF0] =	vst v4;
	s7 =	smov.u32 s14  }
0x179: {  	[tilespmem:s14+$0xFFFFFF00] =	vst v0;
	v0 =	vmul.f32 $8.000000000e+00, v6;
	v4 =	vld [tilespmem:s14+$0xFFFFFF70]  }
0x17a: {  	[tilespmem:s14+$0xFFFFFF10] =	vst v1;
	v1 =	vmul.f32 $8.000000000e+00, v2;
	v2 =	vld [tilespmem:s14+$0xFFFFFF80]  }
0x17b: {  	[tilespmem:s14+$0xFFFFFF20] =	vst v0;
	v0 =	vmul.f32 $8.000000000e+00, v3;
	v3 =	vld [tilespmem:s14+$0xFFFFFF90]  }
0x17c: {  	[tilespmem:s14+$0xFFFFFF30] =	vst v1;
	v1 =	vmul.f32 $8.000000000e+00, v7;
	v6 =	vld [tilespmem:s14+$0xFFFFFFA0]  }
0x17d: {  	[tilespmem:s14+$0xFFFFFF40] =	vst v0;
	v0 =	vmul.f32 $8.000000000e+00, v5;
	v5 =	vld [tilespmem:s14+$0xFFFFFFB0]  }
0x17e: {  	[tilespmem:s14+$0xFFFFFF50] =	vst v1;
	v1 =	vmul.f32 $8.000000000e+00, v4;
	v4 =	vld [tilespmem:s14+$0xFFFFFFC0]  }
0x17f: {  	[tilespmem:s14+$0xFFFFFF60] =	vst v0;
	v0 =	vmul.f32 $8.000000000e+00, v2;
	v2 =	vld [tilespmem:s14+$0xFFFFFFD0]  }
0x180: {  	[tilespmem:s14+$0xFFFFFF70] =	vst v1;
	v1 =	vmul.f32 $8.000000000e+00, v3;
	v3 =	vld [tilespmem:s14+$0xFFFFFFE0]  }
0x181: {  	[tilespmem:s14+$0xFFFFFF80] =	vst v0;
	v0 =	vmul.f32 $8.000000000e+00, v6;
	v6 =	vld [tilespmem:s14+$0x0]  }
0x182: {  	[tilespmem:s14+$0xFFFFFF90] =	vst v1;
	v1 =	vmul.f32 $8.000000000e+00, v5;
	v5 =	vld [tilespmem:s14+$0x10]  }
0x183: {  	[tilespmem:s14+$0xFFFFFFA0] =	vst v0;
	v0 =	vmul.f32 $8.000000000e+00, v4;
	v4 =	vld [tilespmem:s14+$0x20]  }
0x184: {  	[tilespmem:s14+$0xFFFFFFB0] =	vst v1;
	v1 =	vmul.f32 $8.000000000e+00, v2;
	v2 =	vld [tilespmem:s14+$0x30]  }
0x185: {  	[tilespmem:s14+$0xFFFFFFC0] =	vst v0;
	v0 =	vmul.f32 $8.000000000e+00, v3;
	v3 =	vld [tilespmem:s14+$0x40]  }
0x186: {  	[tilespmem:s14+$0xFFFFFFD0] =	vst v1;
	v1 =	vmul.f32 $8.000000000e+00, v6;
	v6 =	vld [tilespmem:s14+$0x50]  }
0x187: {  	[tilespmem:s14+$0xFFFFFFE0] =	vst v0;
	v0 =	vmul.f32 $8.000000000e+00, v5;
	v5 =	vld [tilespmem:s14+$0x60]  }
0x188: {  	[tilespmem:s14+$0x0] =	vst v1;
	v1 =	vmul.f32 $8.000000000e+00, v4;
	v4 =	vld [tilespmem:s14+$0x70]  }
0x189: {  	[tilespmem:s14+$0x10] =	vst v0;
	v0 =	vmul.f32 $8.000000000e+00, v2;
	v2 =	vld [tilespmem:s14+$0x80]  }
0x18a: {  	[tilespmem:s14+$0x20] =	vst v1;
	v1 =	vmul.f32 $8.000000000e+00, v3;
	v3 =	vld [tilespmem:s14+$0x90]  }
0x18b: {  	s13 =	sadd.s32 $0x8, s13;
	[tilespmem:s14+$0x30] =	vst v0;
	v0 =	vmul.f32 $8.000000000e+00, v6;
	v6 =	vld [tilespmem:s14+$0xA0]  }
0x18c: {  	p0 =	slt.u32 s13, $0x1F8;
	[tilespmem:s14+$0x40] =	vst v1;
	v1 =	vmul.f32 $8.000000000e+00, v5;
	v7 =	vld [tilespmem:s14+$0xB0]  }
.Ltmp4:
0x18d: {  	[tilespmem:s14+$0x50] =	vst v0;
	v4 =	vmul.f32 $8.000000000e+00, v4;
	v0 =	vld [tilespmem:s14+$0xC0];
	(pc) =	sbr.rel @p0 .LBB2_10-.Ltmp4, $4  }
0x18e: {  	[tilespmem:s14+$0x60] =	vst v1;
	v5 =	vmul.f32 $8.000000000e+00, v2;
	v1 =	vld [tilespmem:s14+$0xD0]  }
0x18f: {  	[tilespmem:s14+$0x70] =	vst v4;
	v8 =	vmul.f32 $8.000000000e+00, v3;
	v2 =	vld [tilespmem:s14+$0xE0]  }
0x190: {  	[tilespmem:s14+$0x80] =	vst v5;
	v5 =	vmul.f32 $8.000000000e+00, v6;
	v3 =	vld [tilespmem:s14+$0xF0]  }
0x191: {  	s14 =	sadd.s32 $0x200, s14;
	v4 =	vld [tilespmem:s7+$0xFFFFFFF0];
	[tilespmem:s7+$0x90] =	vst v8;
	v6 =	vmul.f32 $8.000000000e+00, v7  }
0x192: {  	[tilespmem:s7+$0xA0] =	vst v5;
	v0 =	vmul.f32 $8.000000000e+00, v0  }
0x193: {  	[tilespmem:s7+$0xB0] =	vst v6;
	v1 =	vmul.f32 $8.000000000e+00, v1  }
0x194: {  	[tilespmem:s7+$0xC0] =	vst v0;
	v61 =	vmul.f32 $8.000000000e+00, v2  }
0x195: {  	[tilespmem:s7+$0xD0] =	vst v1;
	v62 =	vmul.f32 $8.000000000e+00, v3  }
0x196: {  	v63 =	vmul.f32 $8.000000000e+00, v4;
	[tilespmem:s7+$0xE0] =	vst v61  }
0x197: {  	[tilespmem:s7+$0xF0] =	vst v62  }
0x198: {  	s14 =	rddreg [dreg:$0x7];
	[tilespmem:s7+$0xFFFFFFF0] =	vst v63  }
0x199: {  	[hbm4b:s14+s4] =	stream.linear.scatter [tilespmem:s24], [sflag:$0x4], $0x8000, $0x38;
	[tilespmem:$0x10400] =	vst v63  }
0x19a: {  	_ =	swait.ge [sflag:s8], $0x8000  }
0x19b: {  	[sflag:s8] =	ssyncset.done $0x0  }
0x19c: {  	[sflag:s8] =	ssyncadd.s32 $0xFFFF8000  }
0x19d: {  	_ =	swait.ge [sflag:s12], $0x8000  }
0x19e: {  	s13 =	rddreg [dreg:$0x9]  }
0x19f: {  	s18 =	rddreg [dreg:$0x8];
	s13 =	sadd.s32 $0x1, s13  }
0x1a0: {  	p0 =	sne.s32 s13, s18  }
.Ltmp5:
0x1a1: {  	_ = 	snop;
	(pc) =	sbr.rel @p0 .LBB2_1-.Ltmp5, $3  }
0x1a2: {  	_ =	sdelay $0x1  }
0x1a3: {  	[sflag:s12] =	ssyncset.done $0x0  }
0x1a4: {  	[sflag:s12] =	ssyncadd.s32 $0xFFFF8000  }
0x1a5: {  	_ =	sfence.sel $0x180000  }
0x1a6: {  	[bflag:$0x0] =	sbarrier.arrive $0xFFFF  }
0x1a7: {  	_ =	strace $0x90000047  }
0x1a8: {  	s0 =	stileid.u32;
	[bflag:$0x2] =	sbarrier.arrive $0xFFFF  }
0x1a9: {  	p0 =	sne.s32 s0, $0x0;
	s0 =	rddreg [dreg:$0x3]  }
0x1aa: {  	s0 =	sadd.s32 @!p0 $0x100000, s0  }
0x1ab: {  	[sflag:s0] =	ssyncadd.tile.s32 @!p0 $0x1;
	_ =	shalt  }
.Lfunc_end2:
_tile_overlayer_lowered:
.L_overlay_start_2:
0x1ac: {  	(tag) =	ssettag $0x2  }
0x1ad: {  	s0 =	rddreg [dreg:$0x0];
	s2 =	stileid.u32  }
0x1ae: {  	s1 =	rddreg [dreg:$0x1];
	p0 =	sne.s32 s2, $0x0  }
0x1af: {  	s3 =	rddreg [dreg:$0x2];
	[bflag:$0x3] =	sbarrier.arrive $0xFFFF;
	s2 =	simm.s32 @!p0 $0x1C05  }
0x1b0: {  	[timem:s3], [sflag:s2] =	dma.local @!p0 [hbm:s0], s1  }
0x1b1: {  	s0 =	simm.s32 @!p0 $0x5  }
0x1b2: {  	_ =	swait.ge @!p0 [sflag:s0], s1  }
0x1b3: {  	s1 =	ssub.s32 @!p0 $0x0, s1;
	[sflag:s0] =	ssyncset.done @!p0 $0x0  }
0x1b4: {  	[sflag:s0] =	ssyncadd.s32 @!p0 s1  }
0x1b5: {  	[bflag:$0x3] =	sbarrier.arrive $0xFFFF  }
0x1b6: {  	_ =	shalt  }

// kernel: sparse-core-data-format-call.cloned.1.call-start
scs
called_computation_lowered:
.L_overlay_start_0:
0x0: {  	s2 =	sld [smem:$0x3FD9]  }
0x1: {  	s3 =	sld [smem:$0x3FFE];
	_ =	sdelay $0x1  }
0x2: {  	s1 =	srdreg.scid  }
0x3: {  	s0 =	sand.u32 $0x1, s1  }
0x4: {  	s18 =	sshll.u32 s0, $0xA;
	s2 =	sadd.s32 s3, s2  }
0x5: {  	s2 =	sadd.s32 s2, s18  }
0x6: {  	[smem:$0x3FC6] =	sst s2  }
0x7: {  	_ = 	snop  }
0x8: {  	s2 =	sld [smem:$0x3FD0];
	(tm) =	ssettm $0x1  }
0x9: {  	s19 =	sld [smem:$0x3FFB];
	_ =	sdelay $0x3  }
0xa: {  	_ =	strace s19  }
0xb: {  	s3 =	sld [smem:$0x3FFC];
	_ =	sdelay $0x3  }
0xc: {  	_ =	strace s3  }
0xd: {  	s3 =	sld [smem:$0x3FFD];
	_ =	sdelay $0x3  }
0xe: {  	_ =	strace s3  }
0xf: {  	_ =	strace $0x8FFFFFFF  }
0x10: {  	s20 =	sld [smem:$0x3FDB];
	_ =	sdelay $0x1  }
0x11: {  	s4 =	simm.s32 $_scs_section_size  }
0x12: {  	s5 =	simm.s32 $_size__tile_overlayer_lowered;
	s6 =	simm.s32 $_tile_overlayer_lowered  }
0x13: {  	s23 =	simm.s32 $0x1BFF;
	s22 =	sshll.u32 s6, $0x1;
	s3 =	sadd.s32 s4, s20  }
0x14: {  	s7 =	simm.s32 $0x0;
	s21 =	sshll.u32 s5, $0x1;
	s5 =	sadd.s32 s22, s3  }
0x15: {  	[timem:s7], [sflag:s23] =	dma.local [hbm:s5], s21  }
0x16: {  	_ =	swait.ge [sflag:s23], s21  }
0x17: {  	s4 =	ssub.s32 $0x0, s21;
	[sflag:s23] =	ssyncset.done $0x0  }
0x18: {  	[sflag:s23] =	ssyncadd.s32 s4;
	_ =	sdelay $0x1  }
0x19: {  	s24 =	simm.s32 $0x1B8B  }
0x1a: {  	_ =	swait.ge [sflag:s24], $0x1  }
0x1b: {  	[sflag:s24] =	ssyncset.done $0x0  }
0x1c: {  	s26 =	simm.s32 $0x1B8E;
	s25 =	sld [smem:$0x3FFE];
	[sflag:s24] =	ssyncadd.s32 $0xFFFFFFFF  }
0x1d: {  	s27 =	simm.s32 $execute0_lowered;
	[smem:$0x3FD2] =	sst s26  }
0x1e: {  	s5 =	sshll.u32 s27, $0x1;
	_ =	strace $0x80000049;
	[dreg:$0x1] =	wrdreg $0xFFFFFFFF  }
0x1f: {  	s28 =	simm.s32 $_size_execute0_lowered;
	s3 =	sadd.s32 s3, s5;
	[dreg:$0x0] =	wrdreg $0x0  }
0x20: {  	s5 =	sshll.u32 s28, $0x1;
	[dreg:$0x2] =	wrdreg s3  }
0x21: {  	[dreg:$0x3] =	wrdreg s5  }
0x22: {  	[dreg:$0x4] =	wrdreg $0xC0  }
0x23: {  	_ =	task [dreg:s7], $0x5FFFF  }
0x24: {  	[dreg:$0x1] =	wrdreg $0xFFFFFFFF  }
0x25: {  	[dreg:$0x0] =	wrdreg $0x60  }
0x26: {  	[dreg:$0x2] =	wrdreg s25  }
0x27: {  	[dreg:$0x3] =	wrdreg s2  }
0x28: {  	[dreg:$0x4] =	wrdreg $0x9  }
0x29: {  	_ =	task.clear_ibuf [dreg:s7], $0x5FFFF;
	_ =	strace $0x90000049  }
0x2a: {  	s29 =	simm.s32 $0x9;
	_ =	strace $0x8000004B  }
0x2b: {  	_ =	swait.ge [sflag:s29], $0x1  }
0x2c: {  	[sflag:s29] =	ssyncadd.s32 $0xFFFFFFFF  }
0x2d: {  	_ =	strace $0x9000004B  }
0x2e: {  	_ =	sfence  }
0x2f: {  	s30 =	sld [smem:$0x0];
	_ =	sdelay $0x2  }
0x30: {  	s31 =	sshll.u32 s1, $0xD;
	s1 =	sshrl.u32 s1, $0x2  }
0x31: {  	s3 =	sand.u32 $0x4000, s31;
	s1 =	sadd.s32 s1, s30  }
0x32: {  	s0 =	sor.u32 s3, s0;
	s1 =	sshll.u32 s1, $0x11  }
0x33: {  	s0 =	sor.u32 s1, s0  }
0x34: {  	s0 =	sadd.s32 $0x8F2B, s0  }
0x35: {  	[sflag:s0] =	ssyncadd.remote.s32 $0x1  }
0x36: {  	_ =	sfence.sel $0xFFFF  }
0x37: {  	[dreg:$0x0] =	wrdreg $0xFFFFFFFF;
	(pc) =	sbr.abs _section_cstart, $3  }
0x38: {  	[dreg:$0x1] =	wrdreg $0xFFFFFFFF  }
0x39: {  	_ =	task.clear_ibuf [dreg:s7], $0x2FFFF;
	_ =	strace $0x9FFFFFFF  }
0x3a: {  	(tm) =	ssettm $0x7FFFFFFF  }
0x3b: {  	_ =	shalt  }
tec
execute0_lowered:
.L_overlay_start_1:
0x0: {  	(tag) =	ssettag $0x1  }
0x1: {  	s0 =	srdreg.scid  }
0x2: {  	s1 =	sshll.u32 s0, $0x4  }
0x3: {  	s4 =	rddreg [dreg:$0x0];
	s0 =	stileid.u32;
	s1 =	sand.u32 $0x10, s1  }
0x4: {  	s2 =	rddreg [dreg:$0x1];
	s7 =	simm.s32 $0x1;
	s1 =	sor.u32 s0, s1  }
0x5: {  	s8 =	simm.s32 $0x2;
	s11 =	simm.s32 $0x0;
	s3 =	sshll.u32 s1, $0x7  }
0x6: {  	s10 =	simm.s32 $0x0;
	s4 =	sadd.s32 $0x800, s4;
	s6 =	ssub.s32 $0xC8000, s3  }
.Ltmp0:
0x7: {  	s1 =	rddreg [dreg:$0x2];
	s5 =	sand.u32 $0xF80, s6;
	(pc) =	sbr.rel .LBB1_1-.Ltmp0, $4  }
0x8: {  	_ =	strace $0x8000004A;
	s9 =	smov.u32 s3;
	p0 =	sne.s32 s5, $0x0  }
0x9: {  	s6 =	sshrl.u32 s6, $0xC;
	s5 =	simm.s32 $0x1;
	s7 =	simm.s32 @!p0 $0x0  }
0xa: {  	[sflag:s5] =	ssyncpa.u1 $0x0;
	p0 =	por $0x0, $0x0;
	s6 =	sadd.s32 s7, s6  }
0xb: {  	[sflag:s8] =	ssyncpa.u1 $0x0;
	s8 =	simm.s32 $0x640000;
	s7 =	sadd.s32 $0x1, s6  }
.LBB1_4:
0xc: {  	s14 =	sshll.u32 s11, $0x3  }
0xd: {  	s30 =	sand.u32 $0x7F, s11;
	s15 =	sand.u32 $0xFFFFFC00, s14  }
0xe: {  	s11 =	sor.u32 s30, s15  }
0xf: {  	s15 =	smulhi.u32 $0x51EB851F, s11  }
0x10: {  	s14 =	smulhi.u32 $0x51EB851F, s14  }
0x11: {  	s15 =	sshrl.u32 s15, $0x12  }
0x12: {  	s14 =	sshrl.u32 s14, $0x12;
	s15 =	smul.u32 $0xC8000, s15  }
0x13: {  	s14 =	sand.u32 $0x3F, s14  }
0x14: {  	s14 =	smul.u32 $0x19000, s14;
	s11 =	ssub.s32 s11, s15  }
0x15: {  	[tilespmem:s13+$0x810 ss:$0x81] =	vst.msk $0xffff, v2;
	s15 =	sand.u32 $0x7, s11  }
0x16: {  	[tilespmem:s13+$0x1020 ss:$0x81] =	vst.msk $0xffff, v0;
	s14 =	sadd.s32 s2, s14;
	s11 =	sshrl.u32 s11, $0x3;
	s15 =	sshll.u32 s15, $0x12  }
0x17: {  	[tilespmem:s13+$0x0 ss:$0x81] =	vst.msk $0xffff, v1;
	s11 =	sadd.s32 s11, s14;
	s31 =	sor.u32 $0x400, s15  }
0x18: {  	[hbm4b:s11+s31] =	stream.strided.scatter [tilespmem:s12], [sflag:$0x2], $0x2000, s8, s31, $0x20;
	[tilespmem:$0x8080] =	vst v63  }
.LBB1_5:
0x19: {  	s13 =	sadd.s32 $0x1000, s9  }
0x1a: {  	p2 =	sgt.s32 s13, $0xC7FFF  }
0x1b: {  	s13 =	smov.u32 @p2 s3;
	p2 =	sne.s32 s10, s7  }
.Ltmp1:
0x1c: {  	p1 =	slt.u32 s10, $0x2;
	(pc) =	sbr.rel @!p2 .LBB1_6-.Ltmp1, $4  }
0x1d: {  	s12 =	simm.s32 @!p1 $0x2  }
0x1e: {  	s14 =	sadd.s32 $0x1, s10;
	_ =	swait.ge @!p1 [sflag:s12], $0x2000  }
0x1f: {  	s11 =	smov.u32 s9;
	p0 =	por !p0, !p0;
	[sflag:s12] =	ssyncset.done @!p1 $0x0  }
0x20: {  	s10 =	smov.u32 s14;
	s9 =	smov.u32 s13;
	[sflag:s12] =	ssyncadd.s32 @!p1 $0xFFFFE000  }
.LBB1_1:
0x21: {  	p1 =	sge.u32 s10, s6  }
0x22: {  	s12 =	sand.u32 @!p1 $0x1FFFFFF, s9  }
0x23: {  	s13 =	smulhi.u32 @!p1 $0x147AE15, s12;
	_ =	sdelay $0x1  }
0x24: {  	s13 =	sshrl.u32 @!p1 s13, $0xC  }
0x25: {  	s13 =	smul.u32 @!p1 $0xC8000, s13;
	_ =	sdelay $0x1  }
0x26: {  	s31 =	sadd.s32 $0xFFFFFFFF, s10;
	s14 =	sxor.u32 @!p1 $0xFFFFFFFF, s10;
	s12 =	ssub.s32 @!p1 s12, s13  }
0x27: {  	s15 =	simm.s32 @!p1 $0x80;
	s14 =	sshll.u32 @!p1 s14, $0xD;
	s12 =	sshll.u32 @!p1 s12, $0x4  }
0x28: {  	s13 =	sand.u32 @!p1 $0x2000, s14;
	s14 =	simm.s32 @!p1 $0x40;
	s12 =	sadd.s32 @!p1 s4, s12  }
0x29: {  	[tilespmem:s13], [sflag:$0x1] =	stream.strided.gather @!p1 [hbm4b:s12+s14], $0x2000, s15, s14, $0x38;
	[tilespmem:$0x8080] =	vst v63  }
0x2a: {  	p1 =	sge.u32 s31, s6  }
.Ltmp2:
0x2b: {  	_ = 	snop;
	(pc) =	sbr.rel @p1 .LBB1_5-.Ltmp2, $1  }
0x2c: {  	_ =	sdelay $0x3  }
0x2d: {  	s12 =	simm.s32 $0x1  }
0x2e: {  	_ =	swait.ge [sflag:s5], $0x2000;
	s12 =	simm.s32 @!p0 $0x0  }
0x2f: {  	[sflag:s5] =	ssyncset.done $0x0;
	s13 =	sshll.u32 s12, $0xD  }
0x30: {  	[sflag:s5] =	ssyncadd.s32 $0xFFFFE000;
	s16 =	sor.u32 $0x20, s13  }
0x31: {  	s12 =	smul.u32 $0x8100, s12;
	v3 =	vld [tilespmem:s16+$0x10]  }
0x32: {  	s30 =	sand.u32 $0x1, s10;
	v2 =	vld [tilespmem:s16+$0xFFFFFFF0]  }
0x33: {  	s13 =	smul.u32 $0x8100, s30;
	s12 =	sshrl.u32 s12, $0x2;
	v0 =	vld [tilespmem:s16+$0x0]  }
0x34: {  	v1 =	vld [tilespmem:s16+$0xFFFFFFE0];
	s14 =	sor.u32 $0x4000, s12  }
0x35: {  	s31 =	sshrl.u32 s13, $0x2;
	s13 =	sadd.s32 $0x0, s14  }
0x36: {  	s15 =	simm.s32 $0x4;
	s16 =	sadd.s32 $0x40, s16;
	s12 =	sor.u32 $0x4000, s31;
	[tilespmem:s13+$0x1830 ss:$0x81] =	vst.msk $0xffff, v3  }
.LBB1_3:
0x37: {  	v3 =	vld [tilespmem:s16+$0x10];
	p1 =	sne.s32 s15, $0x1FC;
	[tilespmem:s13+$0x810 ss:$0x81] =	vst.msk $0xffff, v2;
	s17 =	smov.u32 s15;
	s15 =	sadd.s32 $0x4, s15  }
.Ltmp3:
0x38: {  	v2 =	vld [tilespmem:s16+$0xFFFFFFF0];
	[tilespmem:s13+$0x1020 ss:$0x81] =	vst.msk $0xffff, v0;
	(pc) =	sbr.rel @p1 .LBB1_3-.Ltmp3, $4  }
0x39: {  	v0 =	vld [tilespmem:s16+$0x0];
	[tilespmem:s13+$0x0 ss:$0x81] =	vst.msk $0xffff, v1  }
0x3a: {  	s13 =	sshra.s32 s17, $0x2;
	v1 =	vld [tilespmem:s16+$0xFFFFFFE0]  }
0x3b: {  	s13 =	sadd.s32 s13, s14  }
0x3c: {  	s16 =	sadd.s32 $0x40, s16;
	[tilespmem:s13+$0x1830 ss:$0x81] =	vst.msk $0xffff, v3  }
.Ltmp4:
0x3d: {  	_ = 	snop;
	(pc) =	sbr.rel .LBB1_4-.Ltmp4, $1  }
0x3e: {  	_ =	sdelay $0x3  }
.LBB1_6:
0x3f: {  	_ =	sfence.sel $0x180000  }
0x40: {  	s2 =	simm.s32 $0x1;
	[bflag:$0x0] =	sbarrier.arrive $0xFFFF  }
0x41: {  	s31 =	simm.s32 $0x2;
	[sflag:s2] =	ssyncpa.u1 $0x1  }
0x42: {  	[sflag:s31] =	ssyncpa.u1 $0x1  }
0x43: {  	p0 =	sne.s32 s0, $0x0;
	_ =	strace $0x9000004A  }
0x44: {  	s0 =	sadd.s32 @!p0 $0x100000, s1;
	[bflag:$0x2] =	sbarrier.arrive $0xFFFF  }
0x45: {  	[sflag:s0] =	ssyncadd.tile.s32 @!p0 $0x1;
	_ =	shalt  }
.Lfunc_end1:
_tile_overlayer_lowered:
.L_overlay_start_2:
0x46: {  	(tag) =	ssettag $0x2  }
0x47: {  	s0 =	rddreg [dreg:$0x0];
	s2 =	stileid.u32  }
0x48: {  	s1 =	rddreg [dreg:$0x1];
	p0 =	sne.s32 s2, $0x0  }
0x49: {  	s3 =	rddreg [dreg:$0x2];
	[bflag:$0x3] =	sbarrier.arrive $0xFFFF;
	s2 =	simm.s32 @!p0 $0x1C01  }
0x4a: {  	[timem:s3], [sflag:s2] =	dma.local @!p0 [hbm:s0], s1  }
0x4b: {  	s0 =	simm.s32 @!p0 $0x1  }
0x4c: {  	_ =	swait.ge @!p0 [sflag:s0], s1  }
0x4d: {  	s1 =	ssub.s32 @!p0 $0x0, s1;
	[sflag:s0] =	ssyncset.done @!p0 $0x0  }
0x4e: {  	[sflag:s0] =	ssyncadd.s32 @!p0 s1  }
0x4f: {  	[bflag:$0x3] =	sbarrier.arrive $0xFFFF  }
0x50: {  	_ =	shalt  }

</sc_bundles>
